<compile_context>
chip_gen: v7x
topology: tpu7x:2x2x1
jax: 0.10.2.dev20260603
libtpu: 0.0.44.dev20260713+nightly
codegen_flags: <defaults>
</compile_context>

<pallas_src>
import functools

import jax
import jax.numpy as jnp
from jax import lax
from jax.experimental import pallas as pl
from jax.experimental.pallas import tpu as pltpu
from jax.experimental.pallas import tpu_sc as plsc

B_TOT = 64 * 32 * 32
D = 256
NROW = 50
NC, NS = 2, 16
NW = NC * NS
BPW = B_TOT // NW
CH = 64
NCHUNK = BPW // CH

_mesh = plsc.VectorSubcoreMesh(core_axis_name="c", subcore_axis_name="s")


@functools.partial(
    pl.kernel,
    mesh=_mesh,
    out_type=jax.ShapeDtypeStruct((B_TOT, 2 * D), jnp.float32),
    scratch_types=[
        pltpu.VMEM((BPW,), jnp.int32),
        pltpu.VMEM((BPW,), jnp.int32),
        pltpu.VMEM((NROW * D,), jnp.float32),
        pltpu.VMEM((NROW * D,), jnp.float32),
        pltpu.VMEM((CH, 2 * D), jnp.float32),
        pltpu.VMEM((CH, 2 * D), jnp.float32),
        pltpu.SemaphoreType.DMA,
        pltpu.SemaphoreType.DMA,
    ],
    compiler_params=pltpu.CompilerParams(needs_layout_passes=False),
)
def _emb_lookup(i_hbm, j_hbm, col_hbm, row_hbm, out_hbm,
                i_v, j_v, col_v, row_v, b0, b1, w0, w1):
    sid = lax.axis_index("s")
    wid = sid * NC + lax.axis_index("c")
    base = wid * BPW
    pltpu.sync_copy(col_hbm, col_v)
    pltpu.sync_copy(row_hbm, row_v)
    pltpu.sync_copy(i_hbm.at[pl.ds(base, BPW)], i_v)
    pltpu.sync_copy(j_hbm.at[pl.ds(base, BPW)], j_v)

    @plsc.parallel_loop(0, BPW // 16, step=1, unroll=8)
    def _prescale(g):
        i_v[pl.ds(g * 16, 16)] = i_v[pl.ds(g * 16, 16)] * D
        j_v[pl.ds(g * 16, 16)] = j_v[pl.ds(g * 16, 16)] * D

    bufs, wsems = (b0, b1), (w0, w1)
    cols = [jnp.arange(16, dtype=jnp.int32) + 16 * k for k in range(D // 16)]

    def fill(c, buf):
        @plsc.parallel_loop(0, CH, step=1, unroll=8)
        def body(p):
            pv = jnp.broadcast_to(c * CH + p, (16,)).astype(jnp.int32)
            bi = plsc.load_gather(i_v, [pv])
            bj = plsc.load_gather(j_v, [pv])
            for k in range(D // 16):
                buf[p, pl.ds(16 * k, 16)] = plsc.load_gather(col_v, [bi + cols[k]])
                buf[p, pl.ds(D + 16 * k, 16)] = plsc.load_gather(row_v, [bj + cols[k]])

    def drain(nb):
        pltpu.make_async_copy(
            bufs[nb], out_hbm.at[pl.ds(base, CH)], wsems[nb]).wait()

    def loop_body(t, carry):
        for nb in range(2):
            c = t * 2 + nb

            @pl.when(t > 0)
            def _wait_prev():
                drain(nb)

            fill(c, bufs[nb])
            pltpu.async_copy(
                bufs[nb], out_hbm.at[pl.ds(base + c * CH, CH)], wsems[nb])
        return carry

    lax.fori_loop(0, NCHUNK // 2, loop_body, 0)
    drain(0)
    drain(1)


def kernel(i, j, row_embed, col_embed):
    out = _emb_lookup(i.reshape(-1), j.reshape(-1),
                      col_embed.reshape(-1), row_embed.reshape(-1))
    return out.reshape(64, 32, 32, 2 * D)

# --- scband reference (transcript-rebuilt; emitter-appended) ---
"""Pipeline reference for scband-position-embedding-absolute-learned-2-d-only-54254026883570 (READ-ONLY COPY).

The authoritative reference and input builder live on the scoring server;
editing this copy changes nothing except your own understanding.
"""

import jax, jax.numpy as jnp
import numpy as np

MAX_R = 50
MAX_C = 50
NUM_POS_FEATS = 256
B, H, W = 64, 32, 32

def setup_inputs(seed: int = 0) -> dict:
    key = jax.random.key(seed)
    k_i, k_j, k_row, k_col = jax.random.split(key, 4)
    i = jax.random.randint(k_i, (B, H, W), 0, MAX_C, dtype=jnp.int64 if jax.config.jax_enable_x64 else jnp.int32)
    j = jax.random.randint(k_j, (B, H, W), 0, MAX_R, dtype=jnp.int64 if jax.config.jax_enable_x64 else jnp.int32)
    # learned embedding tables, uniform init as in reset_parameters (nn.init.uniform_ -> U[0,1))
    row_embed = jax.random.uniform(k_row, (MAX_R, NUM_POS_FEATS), dtype=jnp.float32)
    col_embed = jax.random.uniform(k_col, (MAX_C, NUM_POS_FEATS), dtype=jnp.float32)
    return {"i": i, "j": j, "row_embed": row_embed, "col_embed": col_embed}

def reference(i, j, row_embed, col_embed):
    # x_emb = col_embed(i); y_emb = row_embed(j); pos = cat([x_emb, y_emb], dim=-1)
    x_emb = jnp.take(col_embed, i, axis=0)
    y_emb = jnp.take(row_embed, j, axis=0)
    pos = jnp.concatenate([x_emb, y_emb], axis=-1)
    return pos

if __name__ == "__main__":
    import jax
    _d = setup_inputs()
    print(jax.jit(kernel)(*tuple(_d.values())))

</pallas_src>

<mosaic_0001>
#map = affine_map<(d0, d1) -> (0)>
#map1 = affine_map<(d0, d1) -> (0, 0)>
module attributes {stable_mosaic.version = 14 : i64} {
  func.func @_emb_lookup(%arg0: i32, %arg1: i32, %arg2: memref<65536xi32, #tpu.memory_space<hbm>>, %arg3: memref<65536xi32, #tpu.memory_space<hbm>>, %arg4: memref<12800xf32, #tpu.memory_space<hbm>>, %arg5: memref<12800xf32, #tpu.memory_space<hbm>>, %arg6: memref<65536x512xf32, #tpu.memory_space<hbm>>, %arg7: memref<2048xi32, #tpu.memory_space<vmem>>, %arg8: memref<2048xi32, #tpu.memory_space<vmem>>, %arg9: memref<12800xf32, #tpu.memory_space<vmem>>, %arg10: memref<12800xf32, #tpu.memory_space<vmem>>, %arg11: memref<64x512xf32, #tpu.memory_space<vmem>>, %arg12: memref<64x512xf32, #tpu.memory_space<vmem>>, %arg13: memref<!tpu.dma_semaphore, #tpu.memory_space<semaphore_mem>>, %arg14: memref<!tpu.dma_semaphore, #tpu.memory_space<semaphore_mem>>) attributes {dimension_semantics = [#tpu.dimension_semantics<core_parallel>, #tpu.dimension_semantics<subcore_parallel>], iteration_bounds = array<i64: 2, 16>, scalar_prefetch = 0 : i64, scratch_operands = 8 : i64, tpu.core_type = #tpu.core_type<sc_vector_subcore>, window_params = [{transform_indices = #map}, {transform_indices = #map}, {transform_indices = #map}, {transform_indices = #map}, {transform_indices = #map1}]} {
    %mul3A = arith.constant 2 : i32
    %mul3A_0 = arith.muli %arg1, %mul3A : i32
    %add3A = arith.addi %mul3A_0, %arg0 : i32
    %mul3A_1 = arith.constant 2048 : i32
    %mul3A_2 = arith.muli %add3A, %mul3A_1 : i32
    "tpu.region"() ({
      %run_scoped3A = tpu.sem_alloc : memref<!tpu.dma_semaphore, #tpu.memory_space<semaphore_mem>>
      tpu.enqueue_dma source(%arg4 : memref<12800xf32, #tpu.memory_space<hbm>>) target(%arg9 : memref<12800xf32, #tpu.memory_space<vmem>>) target_semaphore(%run_scoped3A : memref<!tpu.dma_semaphore, #tpu.memory_space<semaphore_mem>>)
      tpu.wait_dma2 semaphore(%run_scoped3A : memref<!tpu.dma_semaphore, #tpu.memory_space<semaphore_mem>>) src(%arg4 : memref<12800xf32, #tpu.memory_space<hbm>>) dst(%arg9 : memref<12800xf32, #tpu.memory_space<vmem>>)
      tpu.yield
    }) : () -> ()
    "tpu.region"() ({
      %run_scoped3A = tpu.sem_alloc : memref<!tpu.dma_semaphore, #tpu.memory_space<semaphore_mem>>
      tpu.enqueue_dma source(%arg5 : memref<12800xf32, #tpu.memory_space<hbm>>) target(%arg10 : memref<12800xf32, #tpu.memory_space<vmem>>) target_semaphore(%run_scoped3A : memref<!tpu.dma_semaphore, #tpu.memory_space<semaphore_mem>>)
      tpu.wait_dma2 semaphore(%run_scoped3A : memref<!tpu.dma_semaphore, #tpu.memory_space<semaphore_mem>>) src(%arg5 : memref<12800xf32, #tpu.memory_space<hbm>>) dst(%arg10 : memref<12800xf32, #tpu.memory_space<vmem>>)
      tpu.yield
    }) : () -> ()
    "tpu.region"() ({
      %run_scoped3A = tpu.sem_alloc : memref<!tpu.dma_semaphore, #tpu.memory_space<semaphore_mem>>
      %dma_start3A = tpu.memref_slice %arg2[%mul3A_2] : memref<65536xi32, #tpu.memory_space<hbm>> -> memref<2048xi32, #tpu.memory_space<hbm>>
      %dma_start3A_80 = tpu.memref_slice %arg2[%mul3A_2] : memref<65536xi32, #tpu.memory_space<hbm>> -> memref<2048xi32, #tpu.memory_space<hbm>>
      tpu.enqueue_dma source(%dma_start3A_80 : memref<2048xi32, #tpu.memory_space<hbm>>) target(%arg7 : memref<2048xi32, #tpu.memory_space<vmem>>) target_semaphore(%run_scoped3A : memref<!tpu.dma_semaphore, #tpu.memory_space<semaphore_mem>>)
      %dma_wait3A_81 = tpu.memref_slice %arg2[%mul3A_2] : memref<65536xi32, #tpu.memory_space<hbm>> -> memref<2048xi32, #tpu.memory_space<hbm>>
      %dma_wait3A_82 = tpu.memref_slice %arg2[%mul3A_2] : memref<65536xi32, #tpu.memory_space<hbm>> -> memref<2048xi32, #tpu.memory_space<hbm>>
      tpu.wait_dma2 semaphore(%run_scoped3A : memref<!tpu.dma_semaphore, #tpu.memory_space<semaphore_mem>>) src(%dma_wait3A_82 : memref<2048xi32, #tpu.memory_space<hbm>>) dst(%arg7 : memref<2048xi32, #tpu.memory_space<vmem>>)
      tpu.yield
    }) : () -> ()
    "tpu.region"() ({
      %run_scoped3A = tpu.sem_alloc : memref<!tpu.dma_semaphore, #tpu.memory_space<semaphore_mem>>
      %dma_start3A = tpu.memref_slice %arg3[%mul3A_2] : memref<65536xi32, #tpu.memory_space<hbm>> -> memref<2048xi32, #tpu.memory_space<hbm>>
      %dma_start3A_80 = tpu.memref_slice %arg3[%mul3A_2] : memref<65536xi32, #tpu.memory_space<hbm>> -> memref<2048xi32, #tpu.memory_space<hbm>>
      tpu.enqueue_dma source(%dma_start3A_80 : memref<2048xi32, #tpu.memory_space<hbm>>) target(%arg8 : memref<2048xi32, #tpu.memory_space<vmem>>) target_semaphore(%run_scoped3A : memref<!tpu.dma_semaphore, #tpu.memory_space<semaphore_mem>>)
      %dma_wait3A_81 = tpu.memref_slice %arg3[%mul3A_2] : memref<65536xi32, #tpu.memory_space<hbm>> -> memref<2048xi32, #tpu.memory_space<hbm>>
      %dma_wait3A_82 = tpu.memref_slice %arg3[%mul3A_2] : memref<65536xi32, #tpu.memory_space<hbm>> -> memref<2048xi32, #tpu.memory_space<hbm>>
      tpu.wait_dma2 semaphore(%run_scoped3A : memref<!tpu.dma_semaphore, #tpu.memory_space<semaphore_mem>>) src(%dma_wait3A_82 : memref<2048xi32, #tpu.memory_space<hbm>>) dst(%arg8 : memref<2048xi32, #tpu.memory_space<vmem>>)
      tpu.yield
    }) : () -> ()
    %parallel_loop3A = arith.constant 0 : i32
    %parallel_loop3A_3 = arith.constant 128 : i32
    %parallel_loop3A_4 = arith.constant 1 : i32
    scf.for %parallel_loop3A_80 = %parallel_loop3A to %parallel_loop3A_3 step %parallel_loop3A_4  : i32 {
      %parallel_loop3A_81 = arith.constant 16 : i32
      %parallel_loop3A_82 = arith.muli %parallel_loop3A_80, %parallel_loop3A_81 : i32
      %parallel_loop3A_83 = arith.index_cast %parallel_loop3A_82 : i32 to index
      %parallel_loop3A_84 = tpu.vector_load %arg7[%parallel_loop3A_83] {strides = array<i32>} : memref<2048xi32, #tpu.memory_space<vmem>>, vector<16xi32>,
      %parallel_loop3A_85 = arith.constant 256 : i32
      %parallel_loop3A_86 = vector.broadcast %parallel_loop3A_85 : i32 to vector<16xi32>
      %parallel_loop3A_87 = arith.muli %parallel_loop3A_84, %parallel_loop3A_86 : vector<16xi32>
      %parallel_loop3A_88 = arith.constant 16 : i32
      %parallel_loop3A_89 = arith.muli %parallel_loop3A_80, %parallel_loop3A_88 : i32
      %parallel_loop3A_90 = arith.index_cast %parallel_loop3A_89 : i32 to index
      %parallel_loop3A_91 = tpu.vector_load %arg7[%parallel_loop3A_90] {strides = array<i32>} : memref<2048xi32, #tpu.memory_space<vmem>>, vector<16xi32>,
      tpu.vector_store %arg7[%parallel_loop3A_90], %parallel_loop3A_87 {strides = array<i32>} : memref<2048xi32, #tpu.memory_space<vmem>>, vector<16xi32>,
      %parallel_loop3A_92 = arith.constant 16 : i32
      %parallel_loop3A_93 = arith.muli %parallel_loop3A_80, %parallel_loop3A_92 : i32
      %parallel_loop3A_94 = arith.index_cast %parallel_loop3A_93 : i32 to index
      %parallel_loop3A_95 = tpu.vector_load %arg8[%parallel_loop3A_94] {strides = array<i32>} : memref<2048xi32, #tpu.memory_space<vmem>>, vector<16xi32>,
      %parallel_loop3A_96 = arith.constant 256 : i32
      %parallel_loop3A_97 = vector.broadcast %parallel_loop3A_96 : i32 to vector<16xi32>
      %parallel_loop3A_98 = arith.muli %parallel_loop3A_95, %parallel_loop3A_97 : vector<16xi32>
      %parallel_loop3A_99 = arith.constant 16 : i32
      %parallel_loop3A_100 = arith.muli %parallel_loop3A_80, %parallel_loop3A_99 : i32
      %parallel_loop3A_101 = arith.index_cast %parallel_loop3A_100 : i32 to index
      %parallel_loop3A_102 = tpu.vector_load %arg8[%parallel_loop3A_101] {strides = array<i32>} : memref<2048xi32, #tpu.memory_space<vmem>>, vector<16xi32>,
      tpu.vector_store %arg8[%parallel_loop3A_101], %parallel_loop3A_98 {strides = array<i32>} : memref<2048xi32, #tpu.memory_space<vmem>>, vector<16xi32>,
    } {sc.loop_unroll_factor = 8 : i64, sc.parallel_access}
    %iota3A = tpu.iota {dimensions = array<i32: 0>} : vector<16xi32>
    %add3A_5 = arith.constant 0 : i32
    %add3A_6 = vector.broadcast %add3A_5 : i32 to vector<16xi32>
    %add3A_7 = arith.addi %iota3A, %add3A_6 : vector<16xi32>
    %iota3A_8 = tpu.iota {dimensions = array<i32: 0>} : vector<16xi32>
    %add3A_9 = arith.constant 16 : i32
    %add3A_10 = vector.broadcast %add3A_9 : i32 to vector<16xi32>
    %add3A_11 = arith.addi %iota3A_8, %add3A_10 : vector<16xi32>
    %iota3A_12 = tpu.iota {dimensions = array<i32: 0>} : vector<16xi32>
    %add3A_13 = arith.constant 32 : i32
    %add3A_14 = vector.broadcast %add3A_13 : i32 to vector<16xi32>
    %add3A_15 = arith.addi %iota3A_12, %add3A_14 : vector<16xi32>
    %iota3A_16 = tpu.iota {dimensions = array<i32: 0>} : vector<16xi32>
    %add3A_17 = arith.constant 48 : i32
    %add3A_18 = vector.broadcast %add3A_17 : i32 to vector<16xi32>
    %add3A_19 = arith.addi %iota3A_16, %add3A_18 : vector<16xi32>
    %iota3A_20 = tpu.iota {dimensions = array<i32: 0>} : vector<16xi32>
    %add3A_21 = arith.constant 64 : i32
    %add3A_22 = vector.broadcast %add3A_21 : i32 to vector<16xi32>
    %add3A_23 = arith.addi %iota3A_20, %add3A_22 : vector<16xi32>
    %iota3A_24 = tpu.iota {dimensions = array<i32: 0>} : vector<16xi32>
    %add3A_25 = arith.constant 80 : i32
    %add3A_26 = vector.broadcast %add3A_25 : i32 to vector<16xi32>
    %add3A_27 = arith.addi %iota3A_24, %add3A_26 : vector<16xi32>
    %iota3A_28 = tpu.iota {dimensions = array<i32: 0>} : vector<16xi32>
    %add3A_29 = arith.constant 96 : i32
    %add3A_30 = vector.broadcast %add3A_29 : i32 to vector<16xi32>
    %add3A_31 = arith.addi %iota3A_28, %add3A_30 : vector<16xi32>
    %iota3A_32 = tpu.iota {dimensions = array<i32: 0>} : vector<16xi32>
    %add3A_33 = arith.constant 112 : i32
    %add3A_34 = vector.broadcast %add3A_33 : i32 to vector<16xi32>
    %add3A_35 = arith.addi %iota3A_32, %add3A_34 : vector<16xi32>
    %iota3A_36 = tpu.iota {dimensions = array<i32: 0>} : vector<16xi32>
    %add3A_37 = arith.constant 128 : i32
    %add3A_38 = vector.broadcast %add3A_37 : i32 to vector<16xi32>
    %add3A_39 = arith.addi %iota3A_36, %add3A_38 : vector<16xi32>
    %iota3A_40 = tpu.iota {dimensions = array<i32: 0>} : vector<16xi32>
    %add3A_41 = arith.constant 144 : i32
    %add3A_42 = vector.broadcast %add3A_41 : i32 to vector<16xi32>
    %add3A_43 = arith.addi %iota3A_40, %add3A_42 : vector<16xi32>
    %iota3A_44 = tpu.iota {dimensions = array<i32: 0>} : vector<16xi32>
    %add3A_45 = arith.constant 160 : i32
    %add3A_46 = vector.broadcast %add3A_45 : i32 to vector<16xi32>
    %add3A_47 = arith.addi %iota3A_44, %add3A_46 : vector<16xi32>
    %iota3A_48 = tpu.iota {dimensions = array<i32: 0>} : vector<16xi32>
    %add3A_49 = arith.constant 176 : i32
    %add3A_50 = vector.broadcast %add3A_49 : i32 to vector<16xi32>
    %add3A_51 = arith.addi %iota3A_48, %add3A_50 : vector<16xi32>
    %iota3A_52 = tpu.iota {dimensions = array<i32: 0>} : vector<16xi32>
    %add3A_53 = arith.constant 192 : i32
    %add3A_54 = vector.broadcast %add3A_53 : i32 to vector<16xi32>
    %add3A_55 = arith.addi %iota3A_52, %add3A_54 : vector<16xi32>
    %iota3A_56 = tpu.iota {dimensions = array<i32: 0>} : vector<16xi32>
    %add3A_57 = arith.constant 208 : i32
    %add3A_58 = vector.broadcast %add3A_57 : i32 to vector<16xi32>
    %add3A_59 = arith.addi %iota3A_56, %add3A_58 : vector<16xi32>
    %iota3A_60 = tpu.iota {dimensions = array<i32: 0>} : vector<16xi32>
    %add3A_61 = arith.constant 224 : i32
    %add3A_62 = vector.broadcast %add3A_61 : i32 to vector<16xi32>
    %add3A_63 = arith.addi %iota3A_60, %add3A_62 : vector<16xi32>
    %iota3A_64 = tpu.iota {dimensions = array<i32: 0>} : vector<16xi32>
    %add3A_65 = arith.constant 240 : i32
    %add3A_66 = vector.broadcast %add3A_65 : i32 to vector<16xi32>
    %add3A_67 = arith.addi %iota3A_64, %add3A_66 : vector<16xi32>
    %scan3A = arith.constant 0 : i32
    %scan3A_68 = arith.constant 0 : i32
    %scan3A_69 = arith.constant 16 : i32
    %scan3A_70 = arith.addi %scan3A_68, %scan3A_69 : i32
    %scan3A_71 = arith.constant 1 : i32
    scf.for %scan3A_80 = %scan3A_68 to %scan3A_70 step %scan3A_71  : i32 {
      %mul3A_81 = arith.constant 2 : i32
      %mul3A_82 = arith.muli %scan3A_80, %mul3A_81 : i32
      %add3A_83 = arith.constant 0 : i32
      %add3A_84 = arith.addi %mul3A_82, %add3A_83 : i32
      %gt3A = arith.constant 0 : i32
      %gt3A_85 = arith.cmpi sgt, %scan3A_80, %gt3A : i32
      %convert_element_type3A = arith.extui %gt3A_85 : i1 to i32
      %cond3A = arith.constant 0 : i32
      %cond3A_86 = arith.cmpi ne, %convert_element_type3A, %cond3A : i32
      scf.if %cond3A_86 {
        %dma_wait3A_115 = arith.constant 0 : i32
        %dma_wait3A_116 = tpu.memref_slice %arg6[%mul3A_2, %dma_wait3A_115] : memref<65536x512xf32, #tpu.memory_space<hbm>> -> memref<64x512xf32, #tpu.memory_space<hbm>>
        %dma_wait3A_117 = arith.constant 0 : i32
        %dma_wait3A_118 = tpu.memref_slice %arg6[%mul3A_2, %dma_wait3A_117] : memref<65536x512xf32, #tpu.memory_space<hbm>> -> memref<64x512xf32, #tpu.memory_space<hbm>>
        tpu.wait_dma2 semaphore(%arg13 : memref<!tpu.dma_semaphore, #tpu.memory_space<semaphore_mem>>) src(%arg11 : memref<64x512xf32, #tpu.memory_space<vmem>>) dst(%dma_wait3A_118 : memref<64x512xf32, #tpu.memory_space<hbm>>)
      } else {
      }
      %parallel_loop3A_87 = arith.constant 0 : i32
      %parallel_loop3A_88 = arith.constant 64 : i32
      %parallel_loop3A_89 = arith.constant 1 : i32
      scf.for %parallel_loop3A_115 = %parallel_loop3A_87 to %parallel_loop3A_88 step %parallel_loop3A_89  : i32 {
        %parallel_loop3A_116 = arith.constant 64 : i32
        %parallel_loop3A_117 = arith.muli %add3A_84, %parallel_loop3A_116 : i32
        %parallel_loop3A_118 = arith.addi %parallel_loop3A_117, %parallel_loop3A_115 : i32
        %parallel_loop3A_119 = vector.broadcast %parallel_loop3A_118 : i32 to vector<16xi32>
        %parallel_loop3A_120 = tpu.vector_load_idx %arg7[%parallel_loop3A_119] : memref<2048xi32, #tpu.memory_space<vmem>>[vector<16xi32>], vector<16xi32>,
        %parallel_loop3A_121 = tpu.vector_load_idx %arg8[%parallel_loop3A_119] : memref<2048xi32, #tpu.memory_space<vmem>>[vector<16xi32>], vector<16xi32>,
        %parallel_loop3A_122 = arith.addi %parallel_loop3A_120, %add3A_7 : vector<16xi32>
        %parallel_loop3A_123 = tpu.vector_load_idx %arg9[%parallel_loop3A_122] : memref<12800xf32, #tpu.memory_space<vmem>>[vector<16xi32>], vector<16xf32>,
        %parallel_loop3A_124 = arith.index_cast %parallel_loop3A_115 : i32 to index
        %parallel_loop3A_125 = arith.constant 0 : index
        %parallel_loop3A_126 = tpu.vector_load %arg11[%parallel_loop3A_124, %parallel_loop3A_125] {strides = array<i32>} : memref<64x512xf32, #tpu.memory_space<vmem>>, vector<16xf32>,
        tpu.vector_store %arg11[%parallel_loop3A_124, %parallel_loop3A_125], %parallel_loop3A_123 {strides = array<i32>} : memref<64x512xf32, #tpu.memory_space<vmem>>, vector<16xf32>,
        %parallel_loop3A_127 = arith.addi %parallel_loop3A_121, %add3A_7 : vector<16xi32>
        %parallel_loop3A_128 = tpu.vector_load_idx %arg10[%parallel_loop3A_127] : memref<12800xf32, #tpu.memory_space<vmem>>[vector<16xi32>], vector<16xf32>,
        %parallel_loop3A_129 = arith.index_cast %parallel_loop3A_115 : i32 to index
        %parallel_loop3A_130 = arith.constant 256 : index
        %parallel_loop3A_131 = tpu.vector_load %arg11[%parallel_loop3A_129, %parallel_loop3A_130] {strides = array<i32>} : memref<64x512xf32, #tpu.memory_space<vmem>>, vector<16xf32>,
        tpu.vector_store %arg11[%parallel_loop3A_129, %parallel_loop3A_130], %parallel_loop3A_128 {strides = array<i32>} : memref<64x512xf32, #tpu.memory_space<vmem>>, vector<16xf32>,
        %parallel_loop3A_132 = arith.addi %parallel_loop3A_120, %add3A_11 : vector<16xi32>
        %parallel_loop3A_133 = tpu.vector_load_idx %arg9[%parallel_loop3A_132] : memref<12800xf32, #tpu.memory_space<vmem>>[vector<16xi32>], vector<16xf32>,
        %parallel_loop3A_134 = arith.index_cast %parallel_loop3A_115 : i32 to index
        %parallel_loop3A_135 = arith.constant 16 : index
        %parallel_loop3A_136 = tpu.vector_load %arg11[%parallel_loop3A_134, %parallel_loop3A_135] {strides = array<i32>} : memref<64x512xf32, #tpu.memory_space<vmem>>, vector<16xf32>,
        tpu.vector_store %arg11[%parallel_loop3A_134, %parallel_loop3A_135], %parallel_loop3A_133 {strides = array<i32>} : memref<64x512xf32, #tpu.memory_space<vmem>>, vector<16xf32>,
        %parallel_loop3A_137 = arith.addi %parallel_loop3A_121, %add3A_11 : vector<16xi32>
        %parallel_loop3A_138 = tpu.vector_load_idx %arg10[%parallel_loop3A_137] : memref<12800xf32, #tpu.memory_space<vmem>>[vector<16xi32>], vector<16xf32>,
        %parallel_loop3A_139 = arith.index_cast %parallel_loop3A_115 : i32 to index
        %parallel_loop3A_140 = arith.constant 272 : index
        %parallel_loop3A_141 = tpu.vector_load %arg11[%parallel_loop3A_139, %parallel_loop3A_140] {strides = array<i32>} : memref<64x512xf32, #tpu.memory_space<vmem>>, vector<16xf32>,
        tpu.vector_store %arg11[%parallel_loop3A_139, %parallel_loop3A_140], %parallel_loop3A_138 {strides = array<i32>} : memref<64x512xf32, #tpu.memory_space<vmem>>, vector<16xf32>,
        %parallel_loop3A_142 = arith.addi %parallel_loop3A_120, %add3A_15 : vector<16xi32>
        %parallel_loop3A_143 = tpu.vector_load_idx %arg9[%parallel_loop3A_142] : memref<12800xf32, #tpu.memory_space<vmem>>[vector<16xi32>], vector<16xf32>,
        %parallel_loop3A_144 = arith.index_cast %parallel_loop3A_115 : i32 to index
        %parallel_loop3A_145 = arith.constant 32 : index
        %parallel_loop3A_146 = tpu.vector_load %arg11[%parallel_loop3A_144, %parallel_loop3A_145] {strides = array<i32>} : memref<64x512xf32, #tpu.memory_space<vmem>>, vector<16xf32>,
        tpu.vector_store %arg11[%parallel_loop3A_144, %parallel_loop3A_145], %parallel_loop3A_143 {strides = array<i32>} : memref<64x512xf32, #tpu.memory_space<vmem>>, vector<16xf32>,
        %parallel_loop3A_147 = arith.addi %parallel_loop3A_121, %add3A_15 : vector<16xi32>
        %parallel_loop3A_148 = tpu.vector_load_idx %arg10[%parallel_loop3A_147] : memref<12800xf32, #tpu.memory_space<vmem>>[vector<16xi32>], vector<16xf32>,
        %parallel_loop3A_149 = arith.index_cast %parallel_loop3A_115 : i32 to index
        %parallel_loop3A_150 = arith.constant 288 : index
        %parallel_loop3A_151 = tpu.vector_load %arg11[%parallel_loop3A_149, %parallel_loop3A_150] {strides = array<i32>} : memref<64x512xf32, #tpu.memory_space<vmem>>, vector<16xf32>,
        tpu.vector_store %arg11[%parallel_loop3A_149, %parallel_loop3A_150], %parallel_loop3A_148 {strides = array<i32>} : memref<64x512xf32, #tpu.memory_space<vmem>>, vector<16xf32>,
        %parallel_loop3A_152 = arith.addi %parallel_loop3A_120, %add3A_19 : vector<16xi32>
        %parallel_loop3A_153 = tpu.vector_load_idx %arg9[%parallel_loop3A_152] : memref<12800xf32, #tpu.memory_space<vmem>>[vector<16xi32>], vector<16xf32>,
        %parallel_loop3A_154 = arith.index_cast %parallel_loop3A_115 : i32 to index
        %parallel_loop3A_155 = arith.constant 48 : index
        %parallel_loop3A_156 = tpu.vector_load %arg11[%parallel_loop3A_154, %parallel_loop3A_155] {strides = array<i32>} : memref<64x512xf32, #tpu.memory_space<vmem>>, vector<16xf32>,
        tpu.vector_store %arg11[%parallel_loop3A_154, %parallel_loop3A_155], %parallel_loop3A_153 {strides = array<i32>} : memref<64x512xf32, #tpu.memory_space<vmem>>, vector<16xf32>,
        %parallel_loop3A_157 = arith.addi %parallel_loop3A_121, %add3A_19 : vector<16xi32>
        %parallel_loop3A_158 = tpu.vector_load_idx %arg10[%parallel_loop3A_157] : memref<12800xf32, #tpu.memory_space<vmem>>[vector<16xi32>], vector<16xf32>,
        %parallel_loop3A_159 = arith.index_cast %parallel_loop3A_115 : i32 to index
        %parallel_loop3A_160 = arith.constant 304 : index
        %parallel_loop3A_161 = tpu.vector_load %arg11[%parallel_loop3A_159, %parallel_loop3A_160] {strides = array<i32>} : memref<64x512xf32, #tpu.memory_space<vmem>>, vector<16xf32>,
        tpu.vector_store %arg11[%parallel_loop3A_159, %parallel_loop3A_160], %parallel_loop3A_158 {strides = array<i32>} : memref<64x512xf32, #tpu.memory_space<vmem>>, vector<16xf32>,
        %parallel_loop3A_162 = arith.addi %parallel_loop3A_120, %add3A_23 : vector<16xi32>
        %parallel_loop3A_163 = tpu.vector_load_idx %arg9[%parallel_loop3A_162] : memref<12800xf32, #tpu.memory_space<vmem>>[vector<16xi32>], vector<16xf32>,
        %parallel_loop3A_164 = arith.index_cast %parallel_loop3A_115 : i32 to index
        %parallel_loop3A_165 = arith.constant 64 : index
        %parallel_loop3A_166 = tpu.vector_load %arg11[%parallel_loop3A_164, %parallel_loop3A_165] {strides = array<i32>} : memref<64x512xf32, #tpu.memory_space<vmem>>, vector<16xf32>,
        tpu.vector_store %arg11[%parallel_loop3A_164, %parallel_loop3A_165], %parallel_loop3A_163 {strides = array<i32>} : memref<64x512xf32, #tpu.memory_space<vmem>>, vector<16xf32>,
        %parallel_loop3A_167 = arith.addi %parallel_loop3A_121, %add3A_23 : vector<16xi32>
        %parallel_loop3A_168 = tpu.vector_load_idx %arg10[%parallel_loop3A_167] : memref<12800xf32, #tpu.memory_space<vmem>>[vector<16xi32>], vector<16xf32>,
        %parallel_loop3A_169 = arith.index_cast %parallel_loop3A_115 : i32 to index
        %parallel_loop3A_170 = arith.constant 320 : index
        %parallel_loop3A_171 = tpu.vector_load %arg11[%parallel_loop3A_169, %parallel_loop3A_170] {strides = array<i32>} : memref<64x512xf32, #tpu.memory_space<vmem>>, vector<16xf32>,
        tpu.vector_store %arg11[%parallel_loop3A_169, %parallel_loop3A_170], %parallel_loop3A_168 {strides = array<i32>} : memref<64x512xf32, #tpu.memory_space<vmem>>, vector<16xf32>,
        %parallel_loop3A_172 = arith.addi %parallel_loop3A_120, %add3A_27 : vector<16xi32>
        %parallel_loop3A_173 = tpu.vector_load_idx %arg9[%parallel_loop3A_172] : memref<12800xf32, #tpu.memory_space<vmem>>[vector<16xi32>], vector<16xf32>,
        %parallel_loop3A_174 = arith.index_cast %parallel_loop3A_115 : i32 to index
        %parallel_loop3A_175 = arith.constant 80 : index
        %parallel_loop3A_176 = tpu.vector_load %arg11[%parallel_loop3A_174, %parallel_loop3A_175] {strides = array<i32>} : memref<64x512xf32, #tpu.memory_space<vmem>>, vector<16xf32>,
        tpu.vector_store %arg11[%parallel_loop3A_174, %parallel_loop3A_175], %parallel_loop3A_173 {strides = array<i32>} : memref<64x512xf32, #tpu.memory_space<vmem>>, vector<16xf32>,
        %parallel_loop3A_177 = arith.addi %parallel_loop3A_121, %add3A_27 : vector<16xi32>
        %parallel_loop3A_178 = tpu.vector_load_idx %arg10[%parallel_loop3A_177] : memref<12800xf32, #tpu.memory_space<vmem>>[vector<16xi32>], vector<16xf32>,
        %parallel_loop3A_179 = arith.index_cast %parallel_loop3A_115 : i32 to index
        %parallel_loop3A_180 = arith.constant 336 : index
        %parallel_loop3A_181 = tpu.vector_load %arg11[%parallel_loop3A_179, %parallel_loop3A_180] {strides = array<i32>} : memref<64x512xf32, #tpu.memory_space<vmem>>, vector<16xf32>,
        tpu.vector_store %arg11[%parallel_loop3A_179, %parallel_loop3A_180], %parallel_loop3A_178 {strides = array<i32>} : memref<64x512xf32, #tpu.memory_space<vmem>>, vector<16xf32>,
        %parallel_loop3A_182 = arith.addi %parallel_loop3A_120, %add3A_31 : vector<16xi32>
        %parallel_loop3A_183 = tpu.vector_load_idx %arg9[%parallel_loop3A_182] : memref<12800xf32, #tpu.memory_space<vmem>>[vector<16xi32>], vector<16xf32>,
        %parallel_loop3A_184 = arith.index_cast %parallel_loop3A_115 : i32 to index
        %parallel_loop3A_185 = arith.constant 96 : index
        %parallel_loop3A_186 = tpu.vector_load %arg11[%parallel_loop3A_184, %parallel_loop3A_185] {strides = array<i32>} : memref<64x512xf32, #tpu.memory_space<vmem>>, vector<16xf32>,
        tpu.vector_store %arg11[%parallel_loop3A_184, %parallel_loop3A_185], %parallel_loop3A_183 {strides = array<i32>} : memref<64x512xf32, #tpu.memory_space<vmem>>, vector<16xf32>,
        %parallel_loop3A_187 = arith.addi %parallel_loop3A_121, %add3A_31 : vector<16xi32>
        %parallel_loop3A_188 = tpu.vector_load_idx %arg10[%parallel_loop3A_187] : memref<12800xf32, #tpu.memory_space<vmem>>[vector<16xi32>], vector<16xf32>,
        %parallel_loop3A_189 = arith.index_cast %parallel_loop3A_115 : i32 to index
        %parallel_loop3A_190 = arith.constant 352 : index
        %parallel_loop3A_191 = tpu.vector_load %arg11[%parallel_loop3A_189, %parallel_loop3A_190] {strides = array<i32>} : memref<64x512xf32, #tpu.memory_space<vmem>>, vector<16xf32>,
        tpu.vector_store %arg11[%parallel_loop3A_189, %parallel_loop3A_190], %parallel_loop3A_188 {strides = array<i32>} : memref<64x512xf32, #tpu.memory_space<vmem>>, vector<16xf32>,
        %parallel_loop3A_192 = arith.addi %parallel_loop3A_120, %add3A_35 : vector<16xi32>
        %parallel_loop3A_193 = tpu.vector_load_idx %arg9[%parallel_loop3A_192] : memref<12800xf32, #tpu.memory_space<vmem>>[vector<16xi32>], vector<16xf32>,
        %parallel_loop3A_194 = arith.index_cast %parallel_loop3A_115 : i32 to index
        %parallel_loop3A_195 = arith.constant 112 : index
        %parallel_loop3A_196 = tpu.vector_load %arg11[%parallel_loop3A_194, %parallel_loop3A_195] {strides = array<i32>} : memref<64x512xf32, #tpu.memory_space<vmem>>, vector<16xf32>,
        tpu.vector_store %arg11[%parallel_loop3A_194, %parallel_loop3A_195], %parallel_loop3A_193 {strides = array<i32>} : memref<64x512xf32, #tpu.memory_space<vmem>>, vector<16xf32>,
        %parallel_loop3A_197 = arith.addi %parallel_loop3A_121, %add3A_35 : vector<16xi32>
        %parallel_loop3A_198 = tpu.vector_load_idx %arg10[%parallel_loop3A_197] : memref<12800xf32, #tpu.memory_space<vmem>>[vector<16xi32>], vector<16xf32>,
        %parallel_loop3A_199 = arith.index_cast %parallel_loop3A_115 : i32 to index
        %parallel_loop3A_200 = arith.constant 368 : index
        %parallel_loop3A_201 = tpu.vector_load %arg11[%parallel_loop3A_199, %parallel_loop3A_200] {strides = array<i32>} : memref<64x512xf32, #tpu.memory_space<vmem>>, vector<16xf32>,
        tpu.vector_store %arg11[%parallel_loop3A_199, %parallel_loop3A_200], %parallel_loop3A_198 {strides = array<i32>} : memref<64x512xf32, #tpu.memory_space<vmem>>, vector<16xf32>,
        %parallel_loop3A_202 = arith.addi %parallel_loop3A_120, %add3A_39 : vector<16xi32>
        %parallel_loop3A_203 = tpu.vector_load_idx %arg9[%parallel_loop3A_202] : memref<12800xf32, #tpu.memory_space<vmem>>[vector<16xi32>], vector<16xf32>,
        %parallel_loop3A_204 = arith.index_cast %parallel_loop3A_115 : i32 to index
        %parallel_loop3A_205 = arith.constant 128 : index
        %parallel_loop3A_206 = tpu.vector_load %arg11[%parallel_loop3A_204, %parallel_loop3A_205] {strides = array<i32>} : memref<64x512xf32, #tpu.memory_space<vmem>>, vector<16xf32>,
        tpu.vector_store %arg11[%parallel_loop3A_204, %parallel_loop3A_205], %parallel_loop3A_203 {strides = array<i32>} : memref<64x512xf32, #tpu.memory_space<vmem>>, vector<16xf32>,
        %parallel_loop3A_207 = arith.addi %parallel_loop3A_121, %add3A_39 : vector<16xi32>
        %parallel_loop3A_208 = tpu.vector_load_idx %arg10[%parallel_loop3A_207] : memref<12800xf32, #tpu.memory_space<vmem>>[vector<16xi32>], vector<16xf32>,
        %parallel_loop3A_209 = arith.index_cast %parallel_loop3A_115 : i32 to index
        %parallel_loop3A_210 = arith.constant 384 : index
        %parallel_loop3A_211 = tpu.vector_load %arg11[%parallel_loop3A_209, %parallel_loop3A_210] {strides = array<i32>} : memref<64x512xf32, #tpu.memory_space<vmem>>, vector<16xf32>,
        tpu.vector_store %arg11[%parallel_loop3A_209, %parallel_loop3A_210], %parallel_loop3A_208 {strides = array<i32>} : memref<64x512xf32, #tpu.memory_space<vmem>>, vector<16xf32>,
        %parallel_loop3A_212 = arith.addi %parallel_loop3A_120, %add3A_43 : vector<16xi32>
        %parallel_loop3A_213 = tpu.vector_load_idx %arg9[%parallel_loop3A_212] : memref<12800xf32, #tpu.memory_space<vmem>>[vector<16xi32>], vector<16xf32>,
        %parallel_loop3A_214 = arith.index_cast %parallel_loop3A_115 : i32 to index
        %parallel_loop3A_215 = arith.constant 144 : index
        %parallel_loop3A_216 = tpu.vector_load %arg11[%parallel_loop3A_214, %parallel_loop3A_215] {strides = array<i32>} : memref<64x512xf32, #tpu.memory_space<vmem>>, vector<16xf32>,
        tpu.vector_store %arg11[%parallel_loop3A_214, %parallel_loop3A_215], %parallel_loop3A_213 {strides = array<i32>} : memref<64x512xf32, #tpu.memory_space<vmem>>, vector<16xf32>,
        %parallel_loop3A_217 = arith.addi %parallel_loop3A_121, %add3A_43 : vector<16xi32>
        %parallel_loop3A_218 = tpu.vector_load_idx %arg10[%parallel_loop3A_217] : memref<12800xf32, #tpu.memory_space<vmem>>[vector<16xi32>], vector<16xf32>,
        %parallel_loop3A_219 = arith.index_cast %parallel_loop3A_115 : i32 to index
        %parallel_loop3A_220 = arith.constant 400 : index
        %parallel_loop3A_221 = tpu.vector_load %arg11[%parallel_loop3A_219, %parallel_loop3A_220] {strides = array<i32>} : memref<64x512xf32, #tpu.memory_space<vmem>>, vector<16xf32>,
        tpu.vector_store %arg11[%parallel_loop3A_219, %parallel_loop3A_220], %parallel_loop3A_218 {strides = array<i32>} : memref<64x512xf32, #tpu.memory_space<vmem>>, vector<16xf32>,
        %parallel_loop3A_222 = arith.addi %parallel_loop3A_120, %add3A_47 : vector<16xi32>
        %parallel_loop3A_223 = tpu.vector_load_idx %arg9[%parallel_loop3A_222] : memref<12800xf32, #tpu.memory_space<vmem>>[vector<16xi32>], vector<16xf32>,
        %parallel_loop3A_224 = arith.index_cast %parallel_loop3A_115 : i32 to index
        %parallel_loop3A_225 = arith.constant 160 : index
        %parallel_loop3A_226 = tpu.vector_load %arg11[%parallel_loop3A_224, %parallel_loop3A_225] {strides = array<i32>} : memref<64x512xf32, #tpu.memory_space<vmem>>, vector<16xf32>,
        tpu.vector_store %arg11[%parallel_loop3A_224, %parallel_loop3A_225], %parallel_loop3A_223 {strides = array<i32>} : memref<64x512xf32, #tpu.memory_space<vmem>>, vector<16xf32>,
        %parallel_loop3A_227 = arith.addi %parallel_loop3A_121, %add3A_47 : vector<16xi32>
        %parallel_loop3A_228 = tpu.vector_load_idx %arg10[%parallel_loop3A_227] : memref<12800xf32, #tpu.memory_space<vmem>>[vector<16xi32>], vector<16xf32>,
        %parallel_loop3A_229 = arith.index_cast %parallel_loop3A_115 : i32 to index
        %parallel_loop3A_230 = arith.constant 416 : index
        %parallel_loop3A_231 = tpu.vector_load %arg11[%parallel_loop3A_229, %parallel_loop3A_230] {strides = array<i32>} : memref<64x512xf32, #tpu.memory_space<vmem>>, vector<16xf32>,
        tpu.vector_store %arg11[%parallel_loop3A_229, %parallel_loop3A_230], %parallel_loop3A_228 {strides = array<i32>} : memref<64x512xf32, #tpu.memory_space<vmem>>, vector<16xf32>,
        %parallel_loop3A_232 = arith.addi %parallel_loop3A_120, %add3A_51 : vector<16xi32>
        %parallel_loop3A_233 = tpu.vector_load_idx %arg9[%parallel_loop3A_232] : memref<12800xf32, #tpu.memory_space<vmem>>[vector<16xi32>], vector<16xf32>,
        %parallel_loop3A_234 = arith.index_cast %parallel_loop3A_115 : i32 to index
        %parallel_loop3A_235 = arith.constant 176 : index
        %parallel_loop3A_236 = tpu.vector_load %arg11[%parallel_loop3A_234, %parallel_loop3A_235] {strides = array<i32>} : memref<64x512xf32, #tpu.memory_space<vmem>>, vector<16xf32>,
        tpu.vector_store %arg11[%parallel_loop3A_234, %parallel_loop3A_235], %parallel_loop3A_233 {strides = array<i32>} : memref<64x512xf32, #tpu.memory_space<vmem>>, vector<16xf32>,
        %parallel_loop3A_237 = arith.addi %parallel_loop3A_121, %add3A_51 : vector<16xi32>
        %parallel_loop3A_238 = tpu.vector_load_idx %arg10[%parallel_loop3A_237] : memref<12800xf32, #tpu.memory_space<vmem>>[vector<16xi32>], vector<16xf32>,
        %parallel_loop3A_239 = arith.index_cast %parallel_loop3A_115 : i32 to index
        %parallel_loop3A_240 = arith.constant 432 : index
        %parallel_loop3A_241 = tpu.vector_load %arg11[%parallel_loop3A_239, %parallel_loop3A_240] {strides = array<i32>} : memref<64x512xf32, #tpu.memory_space<vmem>>, vector<16xf32>,
        tpu.vector_store %arg11[%parallel_loop3A_239, %parallel_loop3A_240], %parallel_loop3A_238 {strides = array<i32>} : memref<64x512xf32, #tpu.memory_space<vmem>>, vector<16xf32>,
        %parallel_loop3A_242 = arith.addi %parallel_loop3A_120, %add3A_55 : vector<16xi32>
        %parallel_loop3A_243 = tpu.vector_load_idx %arg9[%parallel_loop3A_242] : memref<12800xf32, #tpu.memory_space<vmem>>[vector<16xi32>], vector<16xf32>,
        %parallel_loop3A_244 = arith.index_cast %parallel_loop3A_115 : i32 to index
        %parallel_loop3A_245 = arith.constant 192 : index
        %parallel_loop3A_246 = tpu.vector_load %arg11[%parallel_loop3A_244, %parallel_loop3A_245] {strides = array<i32>} : memref<64x512xf32, #tpu.memory_space<vmem>>, vector<16xf32>,
        tpu.vector_store %arg11[%parallel_loop3A_244, %parallel_loop3A_245], %parallel_loop3A_243 {strides = array<i32>} : memref<64x512xf32, #tpu.memory_space<vmem>>, vector<16xf32>,
        %parallel_loop3A_247 = arith.addi %parallel_loop3A_121, %add3A_55 : vector<16xi32>
        %parallel_loop3A_248 = tpu.vector_load_idx %arg10[%parallel_loop3A_247] : memref<12800xf32, #tpu.memory_space<vmem>>[vector<16xi32>], vector<16xf32>,
        %parallel_loop3A_249 = arith.index_cast %parallel_loop3A_115 : i32 to index
        %parallel_loop3A_250 = arith.constant 448 : index
        %parallel_loop3A_251 = tpu.vector_load %arg11[%parallel_loop3A_249, %parallel_loop3A_250] {strides = array<i32>} : memref<64x512xf32, #tpu.memory_space<vmem>>, vector<16xf32>,
        tpu.vector_store %arg11[%parallel_loop3A_249, %parallel_loop3A_250], %parallel_loop3A_248 {strides = array<i32>} : memref<64x512xf32, #tpu.memory_space<vmem>>, vector<16xf32>,
        %parallel_loop3A_252 = arith.addi %parallel_loop3A_120, %add3A_59 : vector<16xi32>
        %parallel_loop3A_253 = tpu.vector_load_idx %arg9[%parallel_loop3A_252] : memref<12800xf32, #tpu.memory_space<vmem>>[vector<16xi32>], vector<16xf32>,
        %parallel_loop3A_254 = arith.index_cast %parallel_loop3A_115 : i32 to index
        %parallel_loop3A_255 = arith.constant 208 : index
        %parallel_loop3A_256 = tpu.vector_load %arg11[%parallel_loop3A_254, %parallel_loop3A_255] {strides = array<i32>} : memref<64x512xf32, #tpu.memory_space<vmem>>, vector<16xf32>,
        tpu.vector_store %arg11[%parallel_loop3A_254, %parallel_loop3A_255], %parallel_loop3A_253 {strides = array<i32>} : memref<64x512xf32, #tpu.memory_space<vmem>>, vector<16xf32>,
        %parallel_loop3A_257 = arith.addi %parallel_loop3A_121, %add3A_59 : vector<16xi32>
        %parallel_loop3A_258 = tpu.vector_load_idx %arg10[%parallel_loop3A_257] : memref<12800xf32, #tpu.memory_space<vmem>>[vector<16xi32>], vector<16xf32>,
        %parallel_loop3A_259 = arith.index_cast %parallel_loop3A_115 : i32 to index
        %parallel_loop3A_260 = arith.constant 464 : index
        %parallel_loop3A_261 = tpu.vector_load %arg11[%parallel_loop3A_259, %parallel_loop3A_260] {strides = array<i32>} : memref<64x512xf32, #tpu.memory_space<vmem>>, vector<16xf32>,
        tpu.vector_store %arg11[%parallel_loop3A_259, %parallel_loop3A_260], %parallel_loop3A_258 {strides = array<i32>} : memref<64x512xf32, #tpu.memory_space<vmem>>, vector<16xf32>,
        %parallel_loop3A_262 = arith.addi %parallel_loop3A_120, %add3A_63 : vector<16xi32>
        %parallel_loop3A_263 = tpu.vector_load_idx %arg9[%parallel_loop3A_262] : memref<12800xf32, #tpu.memory_space<vmem>>[vector<16xi32>], vector<16xf32>,
        %parallel_loop3A_264 = arith.index_cast %parallel_loop3A_115 : i32 to index
        %parallel_loop3A_265 = arith.constant 224 : index
        %parallel_loop3A_266 = tpu.vector_load %arg11[%parallel_loop3A_264, %parallel_loop3A_265] {strides = array<i32>} : memref<64x512xf32, #tpu.memory_space<vmem>>, vector<16xf32>,
        tpu.vector_store %arg11[%parallel_loop3A_264, %parallel_loop3A_265], %parallel_loop3A_263 {strides = array<i32>} : memref<64x512xf32, #tpu.memory_space<vmem>>, vector<16xf32>,
        %parallel_loop3A_267 = arith.addi %parallel_loop3A_121, %add3A_63 : vector<16xi32>
        %parallel_loop3A_268 = tpu.vector_load_idx %arg10[%parallel_loop3A_267] : memref<12800xf32, #tpu.memory_space<vmem>>[vector<16xi32>], vector<16xf32>,
        %parallel_loop3A_269 = arith.index_cast %parallel_loop3A_115 : i32 to index
        %parallel_loop3A_270 = arith.constant 480 : index
        %parallel_loop3A_271 = tpu.vector_load %arg11[%parallel_loop3A_269, %parallel_loop3A_270] {strides = array<i32>} : memref<64x512xf32, #tpu.memory_space<vmem>>, vector<16xf32>,
        tpu.vector_store %arg11[%parallel_loop3A_269, %parallel_loop3A_270], %parallel_loop3A_268 {strides = array<i32>} : memref<64x512xf32, #tpu.memory_space<vmem>>, vector<16xf32>,
        %parallel_loop3A_272 = arith.addi %parallel_loop3A_120, %add3A_67 : vector<16xi32>
        %parallel_loop3A_273 = tpu.vector_load_idx %arg9[%parallel_loop3A_272] : memref<12800xf32, #tpu.memory_space<vmem>>[vector<16xi32>], vector<16xf32>,
        %parallel_loop3A_274 = arith.index_cast %parallel_loop3A_115 : i32 to index
        %parallel_loop3A_275 = arith.constant 240 : index
        %parallel_loop3A_276 = tpu.vector_load %arg11[%parallel_loop3A_274, %parallel_loop3A_275] {strides = array<i32>} : memref<64x512xf32, #tpu.memory_space<vmem>>, vector<16xf32>,
        tpu.vector_store %arg11[%parallel_loop3A_274, %parallel_loop3A_275], %parallel_loop3A_273 {strides = array<i32>} : memref<64x512xf32, #tpu.memory_space<vmem>>, vector<16xf32>,
        %parallel_loop3A_277 = arith.addi %parallel_loop3A_121, %add3A_67 : vector<16xi32>
        %parallel_loop3A_278 = tpu.vector_load_idx %arg10[%parallel_loop3A_277] : memref<12800xf32, #tpu.memory_space<vmem>>[vector<16xi32>], vector<16xf32>,
        %parallel_loop3A_279 = arith.index_cast %parallel_loop3A_115 : i32 to index
        %parallel_loop3A_280 = arith.constant 496 : index
        %parallel_loop3A_281 = tpu.vector_load %arg11[%parallel_loop3A_279, %parallel_loop3A_280] {strides = array<i32>} : memref<64x512xf32, #tpu.memory_space<vmem>>, vector<16xf32>,
        tpu.vector_store %arg11[%parallel_loop3A_279, %parallel_loop3A_280], %parallel_loop3A_278 {strides = array<i32>} : memref<64x512xf32, #tpu.memory_space<vmem>>, vector<16xf32>,
      } {sc.loop_unroll_factor = 8 : i64, sc.parallel_access}
      %mul3A_90 = arith.constant 64 : i32
      %mul3A_91 = arith.muli %add3A_84, %mul3A_90 : i32
      %add3A_92 = arith.addi %mul3A_2, %mul3A_91 : i32
      %dma_start3A = arith.constant 0 : i32
      %dma_start3A_93 = tpu.memref_slice %arg6[%add3A_92, %dma_start3A] : memref<65536x512xf32, #tpu.memory_space<hbm>> -> memref<64x512xf32, #tpu.memory_space<hbm>>
      %dma_start3A_94 = arith.constant 0 : i32
      %dma_start3A_95 = tpu.memref_slice %arg6[%add3A_92, %dma_start3A_94] : memref<65536x512xf32, #tpu.memory_space<hbm>> -> memref<64x512xf32, #tpu.memory_space<hbm>>
      tpu.enqueue_dma source(%arg11 : memref<64x512xf32, #tpu.memory_space<vmem>>) target(%dma_start3A_95 : memref<64x512xf32, #tpu.memory_space<hbm>>) target_semaphore(%arg13 : memref<!tpu.dma_semaphore, #tpu.memory_space<semaphore_mem>>)
      %mul3A_96 = arith.constant 2 : i32
      %mul3A_97 = arith.muli %scan3A_80, %mul3A_96 : i32
      %add3A_98 = arith.constant 1 : i32
      %add3A_99 = arith.addi %mul3A_97, %add3A_98 : i32
      %gt3A_100 = arith.constant 0 : i32
      %gt3A_101 = arith.cmpi sgt, %scan3A_80, %gt3A_100 : i32
      %convert_element_type3A_102 = arith.extui %gt3A_101 : i1 to i32
      %cond3A_103 = arith.constant 0 : i32
      %cond3A_104 = arith.cmpi ne, %convert_element_type3A_102, %cond3A_103 : i32
      scf.if %cond3A_104 {
        %dma_wait3A_115 = arith.constant 0 : i32
        %dma_wait3A_116 = tpu.memref_slice %arg6[%mul3A_2, %dma_wait3A_115] : memref<65536x512xf32, #tpu.memory_space<hbm>> -> memref<64x512xf32, #tpu.memory_space<hbm>>
        %dma_wait3A_117 = arith.constant 0 : i32
        %dma_wait3A_118 = tpu.memref_slice %arg6[%mul3A_2, %dma_wait3A_117] : memref<65536x512xf32, #tpu.memory_space<hbm>> -> memref<64x512xf32, #tpu.memory_space<hbm>>
        tpu.wait_dma2 semaphore(%arg14 : memref<!tpu.dma_semaphore, #tpu.memory_space<semaphore_mem>>) src(%arg12 : memref<64x512xf32, #tpu.memory_space<vmem>>) dst(%dma_wait3A_118 : memref<64x512xf32, #tpu.memory_space<hbm>>)
      } else {
      }
      %parallel_loop3A_105 = arith.constant 0 : i32
      %parallel_loop3A_106 = arith.constant 64 : i32
      %parallel_loop3A_107 = arith.constant 1 : i32
      scf.for %parallel_loop3A_115 = %parallel_loop3A_105 to %parallel_loop3A_106 step %parallel_loop3A_107  : i32 {
        %parallel_loop3A_116 = arith.constant 64 : i32
        %parallel_loop3A_117 = arith.muli %add3A_99, %parallel_loop3A_116 : i32
        %parallel_loop3A_118 = arith.addi %parallel_loop3A_117, %parallel_loop3A_115 : i32
        %parallel_loop3A_119 = vector.broadcast %parallel_loop3A_118 : i32 to vector<16xi32>
        %parallel_loop3A_120 = tpu.vector_load_idx %arg7[%parallel_loop3A_119] : memref<2048xi32, #tpu.memory_space<vmem>>[vector<16xi32>], vector<16xi32>,
        %parallel_loop3A_121 = tpu.vector_load_idx %arg8[%parallel_loop3A_119] : memref<2048xi32, #tpu.memory_space<vmem>>[vector<16xi32>], vector<16xi32>,
        %parallel_loop3A_122 = arith.addi %parallel_loop3A_120, %add3A_7 : vector<16xi32>
        %parallel_loop3A_123 = tpu.vector_load_idx %arg9[%parallel_loop3A_122] : memref<12800xf32, #tpu.memory_space<vmem>>[vector<16xi32>], vector<16xf32>,
        %parallel_loop3A_124 = arith.index_cast %parallel_loop3A_115 : i32 to index
        %parallel_loop3A_125 = arith.constant 0 : index
        %parallel_loop3A_126 = tpu.vector_load %arg12[%parallel_loop3A_124, %parallel_loop3A_125] {strides = array<i32>} : memref<64x512xf32, #tpu.memory_space<vmem>>, vector<16xf32>,
        tpu.vector_store %arg12[%parallel_loop3A_124, %parallel_loop3A_125], %parallel_loop3A_123 {strides = array<i32>} : memref<64x512xf32, #tpu.memory_space<vmem>>, vector<16xf32>,
        %parallel_loop3A_127 = arith.addi %parallel_loop3A_121, %add3A_7 : vector<16xi32>
        %parallel_loop3A_128 = tpu.vector_load_idx %arg10[%parallel_loop3A_127] : memref<12800xf32, #tpu.memory_space<vmem>>[vector<16xi32>], vector<16xf32>,
        %parallel_loop3A_129 = arith.index_cast %parallel_loop3A_115 : i32 to index
        %parallel_loop3A_130 = arith.constant 256 : index
        %parallel_loop3A_131 = tpu.vector_load %arg12[%parallel_loop3A_129, %parallel_loop3A_130] {strides = array<i32>} : memref<64x512xf32, #tpu.memory_space<vmem>>, vector<16xf32>,
        tpu.vector_store %arg12[%parallel_loop3A_129, %parallel_loop3A_130], %parallel_loop3A_128 {strides = array<i32>} : memref<64x512xf32, #tpu.memory_space<vmem>>, vector<16xf32>,
        %parallel_loop3A_132 = arith.addi %parallel_loop3A_120, %add3A_11 : vector<16xi32>
        %parallel_loop3A_133 = tpu.vector_load_idx %arg9[%parallel_loop3A_132] : memref<12800xf32, #tpu.memory_space<vmem>>[vector<16xi32>], vector<16xf32>,
        %parallel_loop3A_134 = arith.index_cast %parallel_loop3A_115 : i32 to index
        %parallel_loop3A_135 = arith.constant 16 : index
        %parallel_loop3A_136 = tpu.vector_load %arg12[%parallel_loop3A_134, %parallel_loop3A_135] {strides = array<i32>} : memref<64x512xf32, #tpu.memory_space<vmem>>, vector<16xf32>,
        tpu.vector_store %arg12[%parallel_loop3A_134, %parallel_loop3A_135], %parallel_loop3A_133 {strides = array<i32>} : memref<64x512xf32, #tpu.memory_space<vmem>>, vector<16xf32>,
        %parallel_loop3A_137 = arith.addi %parallel_loop3A_121, %add3A_11 : vector<16xi32>
        %parallel_loop3A_138 = tpu.vector_load_idx %arg10[%parallel_loop3A_137] : memref<12800xf32, #tpu.memory_space<vmem>>[vector<16xi32>], vector<16xf32>,
        %parallel_loop3A_139 = arith.index_cast %parallel_loop3A_115 : i32 to index
        %parallel_loop3A_140 = arith.constant 272 : index
        %parallel_loop3A_141 = tpu.vector_load %arg12[%parallel_loop3A_139, %parallel_loop3A_140] {strides = array<i32>} : memref<64x512xf32, #tpu.memory_space<vmem>>, vector<16xf32>,
        tpu.vector_store %arg12[%parallel_loop3A_139, %parallel_loop3A_140], %parallel_loop3A_138 {strides = array<i32>} : memref<64x512xf32, #tpu.memory_space<vmem>>, vector<16xf32>,
        %parallel_loop3A_142 = arith.addi %parallel_loop3A_120, %add3A_15 : vector<16xi32>
        %parallel_loop3A_143 = tpu.vector_load_idx %arg9[%parallel_loop3A_142] : memref<12800xf32, #tpu.memory_space<vmem>>[vector<16xi32>], vector<16xf32>,
        %parallel_loop3A_144 = arith.index_cast %parallel_loop3A_115 : i32 to index
        %parallel_loop3A_145 = arith.constant 32 : index
        %parallel_loop3A_146 = tpu.vector_load %arg12[%parallel_loop3A_144, %parallel_loop3A_145] {strides = array<i32>} : memref<64x512xf32, #tpu.memory_space<vmem>>, vector<16xf32>,
        tpu.vector_store %arg12[%parallel_loop3A_144, %parallel_loop3A_145], %parallel_loop3A_143 {strides = array<i32>} : memref<64x512xf32, #tpu.memory_space<vmem>>, vector<16xf32>,
        %parallel_loop3A_147 = arith.addi %parallel_loop3A_121, %add3A_15 : vector<16xi32>
        %parallel_loop3A_148 = tpu.vector_load_idx %arg10[%parallel_loop3A_147] : memref<12800xf32, #tpu.memory_space<vmem>>[vector<16xi32>], vector<16xf32>,
        %parallel_loop3A_149 = arith.index_cast %parallel_loop3A_115 : i32 to index
        %parallel_loop3A_150 = arith.constant 288 : index
        %parallel_loop3A_151 = tpu.vector_load %arg12[%parallel_loop3A_149, %parallel_loop3A_150] {strides = array<i32>} : memref<64x512xf32, #tpu.memory_space<vmem>>, vector<16xf32>,
        tpu.vector_store %arg12[%parallel_loop3A_149, %parallel_loop3A_150], %parallel_loop3A_148 {strides = array<i32>} : memref<64x512xf32, #tpu.memory_space<vmem>>, vector<16xf32>,
        %parallel_loop3A_152 = arith.addi %parallel_loop3A_120, %add3A_19 : vector<16xi32>
        %parallel_loop3A_153 = tpu.vector_load_idx %arg9[%parallel_loop3A_152] : memref<12800xf32, #tpu.memory_space<vmem>>[vector<16xi32>], vector<16xf32>,
        %parallel_loop3A_154 = arith.index_cast %parallel_loop3A_115 : i32 to index
        %parallel_loop3A_155 = arith.constant 48 : index
        %parallel_loop3A_156 = tpu.vector_load %arg12[%parallel_loop3A_154, %parallel_loop3A_155] {strides = array<i32>} : memref<64x512xf32, #tpu.memory_space<vmem>>, vector<16xf32>,
        tpu.vector_store %arg12[%parallel_loop3A_154, %parallel_loop3A_155], %parallel_loop3A_153 {strides = array<i32>} : memref<64x512xf32, #tpu.memory_space<vmem>>, vector<16xf32>,
        %parallel_loop3A_157 = arith.addi %parallel_loop3A_121, %add3A_19 : vector<16xi32>
        %parallel_loop3A_158 = tpu.vector_load_idx %arg10[%parallel_loop3A_157] : memref<12800xf32, #tpu.memory_space<vmem>>[vector<16xi32>], vector<16xf32>,
        %parallel_loop3A_159 = arith.index_cast %parallel_loop3A_115 : i32 to index
        %parallel_loop3A_160 = arith.constant 304 : index
        %parallel_loop3A_161 = tpu.vector_load %arg12[%parallel_loop3A_159, %parallel_loop3A_160] {strides = array<i32>} : memref<64x512xf32, #tpu.memory_space<vmem>>, vector<16xf32>,
        tpu.vector_store %arg12[%parallel_loop3A_159, %parallel_loop3A_160], %parallel_loop3A_158 {strides = array<i32>} : memref<64x512xf32, #tpu.memory_space<vmem>>, vector<16xf32>,
        %parallel_loop3A_162 = arith.addi %parallel_loop3A_120, %add3A_23 : vector<16xi32>
        %parallel_loop3A_163 = tpu.vector_load_idx %arg9[%parallel_loop3A_162] : memref<12800xf32, #tpu.memory_space<vmem>>[vector<16xi32>], vector<16xf32>,
        %parallel_loop3A_164 = arith.index_cast %parallel_loop3A_115 : i32 to index
        %parallel_loop3A_165 = arith.constant 64 : index
        %parallel_loop3A_166 = tpu.vector_load %arg12[%parallel_loop3A_164, %parallel_loop3A_165] {strides = array<i32>} : memref<64x512xf32, #tpu.memory_space<vmem>>, vector<16xf32>,
        tpu.vector_store %arg12[%parallel_loop3A_164, %parallel_loop3A_165], %parallel_loop3A_163 {strides = array<i32>} : memref<64x512xf32, #tpu.memory_space<vmem>>, vector<16xf32>,
        %parallel_loop3A_167 = arith.addi %parallel_loop3A_121, %add3A_23 : vector<16xi32>
        %parallel_loop3A_168 = tpu.vector_load_idx %arg10[%parallel_loop3A_167] : memref<12800xf32, #tpu.memory_space<vmem>>[vector<16xi32>], vector<16xf32>,
        %parallel_loop3A_169 = arith.index_cast %parallel_loop3A_115 : i32 to index
        %parallel_loop3A_170 = arith.constant 320 : index
        %parallel_loop3A_171 = tpu.vector_load %arg12[%parallel_loop3A_169, %parallel_loop3A_170] {strides = array<i32>} : memref<64x512xf32, #tpu.memory_space<vmem>>, vector<16xf32>,
        tpu.vector_store %arg12[%parallel_loop3A_169, %parallel_loop3A_170], %parallel_loop3A_168 {strides = array<i32>} : memref<64x512xf32, #tpu.memory_space<vmem>>, vector<16xf32>,
        %parallel_loop3A_172 = arith.addi %parallel_loop3A_120, %add3A_27 : vector<16xi32>
        %parallel_loop3A_173 = tpu.vector_load_idx %arg9[%parallel_loop3A_172] : memref<12800xf32, #tpu.memory_space<vmem>>[vector<16xi32>], vector<16xf32>,
        %parallel_loop3A_174 = arith.index_cast %parallel_loop3A_115 : i32 to index
        %parallel_loop3A_175 = arith.constant 80 : index
        %parallel_loop3A_176 = tpu.vector_load %arg12[%parallel_loop3A_174, %parallel_loop3A_175] {strides = array<i32>} : memref<64x512xf32, #tpu.memory_space<vmem>>, vector<16xf32>,
        tpu.vector_store %arg12[%parallel_loop3A_174, %parallel_loop3A_175], %parallel_loop3A_173 {strides = array<i32>} : memref<64x512xf32, #tpu.memory_space<vmem>>, vector<16xf32>,
        %parallel_loop3A_177 = arith.addi %parallel_loop3A_121, %add3A_27 : vector<16xi32>
        %parallel_loop3A_178 = tpu.vector_load_idx %arg10[%parallel_loop3A_177] : memref<12800xf32, #tpu.memory_space<vmem>>[vector<16xi32>], vector<16xf32>,
        %parallel_loop3A_179 = arith.index_cast %parallel_loop3A_115 : i32 to index
        %parallel_loop3A_180 = arith.constant 336 : index
        %parallel_loop3A_181 = tpu.vector_load %arg12[%parallel_loop3A_179, %parallel_loop3A_180] {strides = array<i32>} : memref<64x512xf32, #tpu.memory_space<vmem>>, vector<16xf32>,
        tpu.vector_store %arg12[%parallel_loop3A_179, %parallel_loop3A_180], %parallel_loop3A_178 {strides = array<i32>} : memref<64x512xf32, #tpu.memory_space<vmem>>, vector<16xf32>,
        %parallel_loop3A_182 = arith.addi %parallel_loop3A_120, %add3A_31 : vector<16xi32>
        %parallel_loop3A_183 = tpu.vector_load_idx %arg9[%parallel_loop3A_182] : memref<12800xf32, #tpu.memory_space<vmem>>[vector<16xi32>], vector<16xf32>,
        %parallel_loop3A_184 = arith.index_cast %parallel_loop3A_115 : i32 to index
        %parallel_loop3A_185 = arith.constant 96 : index
        %parallel_loop3A_186 = tpu.vector_load %arg12[%parallel_loop3A_184, %parallel_loop3A_185] {strides = array<i32>} : memref<64x512xf32, #tpu.memory_space<vmem>>, vector<16xf32>,
        tpu.vector_store %arg12[%parallel_loop3A_184, %parallel_loop3A_185], %parallel_loop3A_183 {strides = array<i32>} : memref<64x512xf32, #tpu.memory_space<vmem>>, vector<16xf32>,
        %parallel_loop3A_187 = arith.addi %parallel_loop3A_121, %add3A_31 : vector<16xi32>
        %parallel_loop3A_188 = tpu.vector_load_idx %arg10[%parallel_loop3A_187] : memref<12800xf32, #tpu.memory_space<vmem>>[vector<16xi32>], vector<16xf32>,
        %parallel_loop3A_189 = arith.index_cast %parallel_loop3A_115 : i32 to index
        %parallel_loop3A_190 = arith.constant 352 : index
        %parallel_loop3A_191 = tpu.vector_load %arg12[%parallel_loop3A_189, %parallel_loop3A_190] {strides = array<i32>} : memref<64x512xf32, #tpu.memory_space<vmem>>, vector<16xf32>,
        tpu.vector_store %arg12[%parallel_loop3A_189, %parallel_loop3A_190], %parallel_loop3A_188 {strides = array<i32>} : memref<64x512xf32, #tpu.memory_space<vmem>>, vector<16xf32>,
        %parallel_loop3A_192 = arith.addi %parallel_loop3A_120, %add3A_35 : vector<16xi32>
        %parallel_loop3A_193 = tpu.vector_load_idx %arg9[%parallel_loop3A_192] : memref<12800xf32, #tpu.memory_space<vmem>>[vector<16xi32>], vector<16xf32>,
        %parallel_loop3A_194 = arith.index_cast %parallel_loop3A_115 : i32 to index
        %parallel_loop3A_195 = arith.constant 112 : index
        %parallel_loop3A_196 = tpu.vector_load %arg12[%parallel_loop3A_194, %parallel_loop3A_195] {strides = array<i32>} : memref<64x512xf32, #tpu.memory_space<vmem>>, vector<16xf32>,
        tpu.vector_store %arg12[%parallel_loop3A_194, %parallel_loop3A_195], %parallel_loop3A_193 {strides = array<i32>} : memref<64x512xf32, #tpu.memory_space<vmem>>, vector<16xf32>,
        %parallel_loop3A_197 = arith.addi %parallel_loop3A_121, %add3A_35 : vector<16xi32>
        %parallel_loop3A_198 = tpu.vector_load_idx %arg10[%parallel_loop3A_197] : memref<12800xf32, #tpu.memory_space<vmem>>[vector<16xi32>], vector<16xf32>,
        %parallel_loop3A_199 = arith.index_cast %parallel_loop3A_115 : i32 to index
        %parallel_loop3A_200 = arith.constant 368 : index
        %parallel_loop3A_201 = tpu.vector_load %arg12[%parallel_loop3A_199, %parallel_loop3A_200] {strides = array<i32>} : memref<64x512xf32, #tpu.memory_space<vmem>>, vector<16xf32>,
        tpu.vector_store %arg12[%parallel_loop3A_199, %parallel_loop3A_200], %parallel_loop3A_198 {strides = array<i32>} : memref<64x512xf32, #tpu.memory_space<vmem>>, vector<16xf32>,
        %parallel_loop3A_202 = arith.addi %parallel_loop3A_120, %add3A_39 : vector<16xi32>
        %parallel_loop3A_203 = tpu.vector_load_idx %arg9[%parallel_loop3A_202] : memref<12800xf32, #tpu.memory_space<vmem>>[vector<16xi32>], vector<16xf32>,
        %parallel_loop3A_204 = arith.index_cast %parallel_loop3A_115 : i32 to index
        %parallel_loop3A_205 = arith.constant 128 : index
        %parallel_loop3A_206 = tpu.vector_load %arg12[%parallel_loop3A_204, %parallel_loop3A_205] {strides = array<i32>} : memref<64x512xf32, #tpu.memory_space<vmem>>, vector<16xf32>,
        tpu.vector_store %arg12[%parallel_loop3A_204, %parallel_loop3A_205], %parallel_loop3A_203 {strides = array<i32>} : memref<64x512xf32, #tpu.memory_space<vmem>>, vector<16xf32>,
        %parallel_loop3A_207 = arith.addi %parallel_loop3A_121, %add3A_39 : vector<16xi32>
        %parallel_loop3A_208 = tpu.vector_load_idx %arg10[%parallel_loop3A_207] : memref<12800xf32, #tpu.memory_space<vmem>>[vector<16xi32>], vector<16xf32>,
        %parallel_loop3A_209 = arith.index_cast %parallel_loop3A_115 : i32 to index
        %parallel_loop3A_210 = arith.constant 384 : index
        %parallel_loop3A_211 = tpu.vector_load %arg12[%parallel_loop3A_209, %parallel_loop3A_210] {strides = array<i32>} : memref<64x512xf32, #tpu.memory_space<vmem>>, vector<16xf32>,
        tpu.vector_store %arg12[%parallel_loop3A_209, %parallel_loop3A_210], %parallel_loop3A_208 {strides = array<i32>} : memref<64x512xf32, #tpu.memory_space<vmem>>, vector<16xf32>,
        %parallel_loop3A_212 = arith.addi %parallel_loop3A_120, %add3A_43 : vector<16xi32>
        %parallel_loop3A_213 = tpu.vector_load_idx %arg9[%parallel_loop3A_212] : memref<12800xf32, #tpu.memory_space<vmem>>[vector<16xi32>], vector<16xf32>,
        %parallel_loop3A_214 = arith.index_cast %parallel_loop3A_115 : i32 to index
        %parallel_loop3A_215 = arith.constant 144 : index
        %parallel_loop3A_216 = tpu.vector_load %arg12[%parallel_loop3A_214, %parallel_loop3A_215] {strides = array<i32>} : memref<64x512xf32, #tpu.memory_space<vmem>>, vector<16xf32>,
        tpu.vector_store %arg12[%parallel_loop3A_214, %parallel_loop3A_215], %parallel_loop3A_213 {strides = array<i32>} : memref<64x512xf32, #tpu.memory_space<vmem>>, vector<16xf32>,
        %parallel_loop3A_217 = arith.addi %parallel_loop3A_121, %add3A_43 : vector<16xi32>
        %parallel_loop3A_218 = tpu.vector_load_idx %arg10[%parallel_loop3A_217] : memref<12800xf32, #tpu.memory_space<vmem>>[vector<16xi32>], vector<16xf32>,
        %parallel_loop3A_219 = arith.index_cast %parallel_loop3A_115 : i32 to index
        %parallel_loop3A_220 = arith.constant 400 : index
        %parallel_loop3A_221 = tpu.vector_load %arg12[%parallel_loop3A_219, %parallel_loop3A_220] {strides = array<i32>} : memref<64x512xf32, #tpu.memory_space<vmem>>, vector<16xf32>,
        tpu.vector_store %arg12[%parallel_loop3A_219, %parallel_loop3A_220], %parallel_loop3A_218 {strides = array<i32>} : memref<64x512xf32, #tpu.memory_space<vmem>>, vector<16xf32>,
        %parallel_loop3A_222 = arith.addi %parallel_loop3A_120, %add3A_47 : vector<16xi32>
        %parallel_loop3A_223 = tpu.vector_load_idx %arg9[%parallel_loop3A_222] : memref<12800xf32, #tpu.memory_space<vmem>>[vector<16xi32>], vector<16xf32>,
        %parallel_loop3A_224 = arith.index_cast %parallel_loop3A_115 : i32 to index
        %parallel_loop3A_225 = arith.constant 160 : index
        %parallel_loop3A_226 = tpu.vector_load %arg12[%parallel_loop3A_224, %parallel_loop3A_225] {strides = array<i32>} : memref<64x512xf32, #tpu.memory_space<vmem>>, vector<16xf32>,
        tpu.vector_store %arg12[%parallel_loop3A_224, %parallel_loop3A_225], %parallel_loop3A_223 {strides = array<i32>} : memref<64x512xf32, #tpu.memory_space<vmem>>, vector<16xf32>,
        %parallel_loop3A_227 = arith.addi %parallel_loop3A_121, %add3A_47 : vector<16xi32>
        %parallel_loop3A_228 = tpu.vector_load_idx %arg10[%parallel_loop3A_227] : memref<12800xf32, #tpu.memory_space<vmem>>[vector<16xi32>], vector<16xf32>,
        %parallel_loop3A_229 = arith.index_cast %parallel_loop3A_115 : i32 to index
        %parallel_loop3A_230 = arith.constant 416 : index
        %parallel_loop3A_231 = tpu.vector_load %arg12[%parallel_loop3A_229, %parallel_loop3A_230] {strides = array<i32>} : memref<64x512xf32, #tpu.memory_space<vmem>>, vector<16xf32>,
        tpu.vector_store %arg12[%parallel_loop3A_229, %parallel_loop3A_230], %parallel_loop3A_228 {strides = array<i32>} : memref<64x512xf32, #tpu.memory_space<vmem>>, vector<16xf32>,
        %parallel_loop3A_232 = arith.addi %parallel_loop3A_120, %add3A_51 : vector<16xi32>
        %parallel_loop3A_233 = tpu.vector_load_idx %arg9[%parallel_loop3A_232] : memref<12800xf32, #tpu.memory_space<vmem>>[vector<16xi32>], vector<16xf32>,
        %parallel_loop3A_234 = arith.index_cast %parallel_loop3A_115 : i32 to index
        %parallel_loop3A_235 = arith.constant 176 : index
        %parallel_loop3A_236 = tpu.vector_load %arg12[%parallel_loop3A_234, %parallel_loop3A_235] {strides = array<i32>} : memref<64x512xf32, #tpu.memory_space<vmem>>, vector<16xf32>,
        tpu.vector_store %arg12[%parallel_loop3A_234, %parallel_loop3A_235], %parallel_loop3A_233 {strides = array<i32>} : memref<64x512xf32, #tpu.memory_space<vmem>>, vector<16xf32>,
        %parallel_loop3A_237 = arith.addi %parallel_loop3A_121, %add3A_51 : vector<16xi32>
        %parallel_loop3A_238 = tpu.vector_load_idx %arg10[%parallel_loop3A_237] : memref<12800xf32, #tpu.memory_space<vmem>>[vector<16xi32>], vector<16xf32>,
        %parallel_loop3A_239 = arith.index_cast %parallel_loop3A_115 : i32 to index
        %parallel_loop3A_240 = arith.constant 432 : index
        %parallel_loop3A_241 = tpu.vector_load %arg12[%parallel_loop3A_239, %parallel_loop3A_240] {strides = array<i32>} : memref<64x512xf32, #tpu.memory_space<vmem>>, vector<16xf32>,
        tpu.vector_store %arg12[%parallel_loop3A_239, %parallel_loop3A_240], %parallel_loop3A_238 {strides = array<i32>} : memref<64x512xf32, #tpu.memory_space<vmem>>, vector<16xf32>,
        %parallel_loop3A_242 = arith.addi %parallel_loop3A_120, %add3A_55 : vector<16xi32>
        %parallel_loop3A_243 = tpu.vector_load_idx %arg9[%parallel_loop3A_242] : memref<12800xf32, #tpu.memory_space<vmem>>[vector<16xi32>], vector<16xf32>,
        %parallel_loop3A_244 = arith.index_cast %parallel_loop3A_115 : i32 to index
        %parallel_loop3A_245 = arith.constant 192 : index
        %parallel_loop3A_246 = tpu.vector_load %arg12[%parallel_loop3A_244, %parallel_loop3A_245] {strides = array<i32>} : memref<64x512xf32, #tpu.memory_space<vmem>>, vector<16xf32>,
        tpu.vector_store %arg12[%parallel_loop3A_244, %parallel_loop3A_245], %parallel_loop3A_243 {strides = array<i32>} : memref<64x512xf32, #tpu.memory_space<vmem>>, vector<16xf32>,
        %parallel_loop3A_247 = arith.addi %parallel_loop3A_121, %add3A_55 : vector<16xi32>
        %parallel_loop3A_248 = tpu.vector_load_idx %arg10[%parallel_loop3A_247] : memref<12800xf32, #tpu.memory_space<vmem>>[vector<16xi32>], vector<16xf32>,
        %parallel_loop3A_249 = arith.index_cast %parallel_loop3A_115 : i32 to index
        %parallel_loop3A_250 = arith.constant 448 : index
        %parallel_loop3A_251 = tpu.vector_load %arg12[%parallel_loop3A_249, %parallel_loop3A_250] {strides = array<i32>} : memref<64x512xf32, #tpu.memory_space<vmem>>, vector<16xf32>,
        tpu.vector_store %arg12[%parallel_loop3A_249, %parallel_loop3A_250], %parallel_loop3A_248 {strides = array<i32>} : memref<64x512xf32, #tpu.memory_space<vmem>>, vector<16xf32>,
        %parallel_loop3A_252 = arith.addi %parallel_loop3A_120, %add3A_59 : vector<16xi32>
        %parallel_loop3A_253 = tpu.vector_load_idx %arg9[%parallel_loop3A_252] : memref<12800xf32, #tpu.memory_space<vmem>>[vector<16xi32>], vector<16xf32>,
        %parallel_loop3A_254 = arith.index_cast %parallel_loop3A_115 : i32 to index
        %parallel_loop3A_255 = arith.constant 208 : index
        %parallel_loop3A_256 = tpu.vector_load %arg12[%parallel_loop3A_254, %parallel_loop3A_255] {strides = array<i32>} : memref<64x512xf32, #tpu.memory_space<vmem>>, vector<16xf32>,
        tpu.vector_store %arg12[%parallel_loop3A_254, %parallel_loop3A_255], %parallel_loop3A_253 {strides = array<i32>} : memref<64x512xf32, #tpu.memory_space<vmem>>, vector<16xf32>,
        %parallel_loop3A_257 = arith.addi %parallel_loop3A_121, %add3A_59 : vector<16xi32>
        %parallel_loop3A_258 = tpu.vector_load_idx %arg10[%parallel_loop3A_257] : memref<12800xf32, #tpu.memory_space<vmem>>[vector<16xi32>], vector<16xf32>,
        %parallel_loop3A_259 = arith.index_cast %parallel_loop3A_115 : i32 to index
        %parallel_loop3A_260 = arith.constant 464 : index
        %parallel_loop3A_261 = tpu.vector_load %arg12[%parallel_loop3A_259, %parallel_loop3A_260] {strides = array<i32>} : memref<64x512xf32, #tpu.memory_space<vmem>>, vector<16xf32>,
        tpu.vector_store %arg12[%parallel_loop3A_259, %parallel_loop3A_260], %parallel_loop3A_258 {strides = array<i32>} : memref<64x512xf32, #tpu.memory_space<vmem>>, vector<16xf32>,
        %parallel_loop3A_262 = arith.addi %parallel_loop3A_120, %add3A_63 : vector<16xi32>
        %parallel_loop3A_263 = tpu.vector_load_idx %arg9[%parallel_loop3A_262] : memref<12800xf32, #tpu.memory_space<vmem>>[vector<16xi32>], vector<16xf32>,
        %parallel_loop3A_264 = arith.index_cast %parallel_loop3A_115 : i32 to index
        %parallel_loop3A_265 = arith.constant 224 : index
        %parallel_loop3A_266 = tpu.vector_load %arg12[%parallel_loop3A_264, %parallel_loop3A_265] {strides = array<i32>} : memref<64x512xf32, #tpu.memory_space<vmem>>, vector<16xf32>,
        tpu.vector_store %arg12[%parallel_loop3A_264, %parallel_loop3A_265], %parallel_loop3A_263 {strides = array<i32>} : memref<64x512xf32, #tpu.memory_space<vmem>>, vector<16xf32>,
        %parallel_loop3A_267 = arith.addi %parallel_loop3A_121, %add3A_63 : vector<16xi32>
        %parallel_loop3A_268 = tpu.vector_load_idx %arg10[%parallel_loop3A_267] : memref<12800xf32, #tpu.memory_space<vmem>>[vector<16xi32>], vector<16xf32>,
        %parallel_loop3A_269 = arith.index_cast %parallel_loop3A_115 : i32 to index
        %parallel_loop3A_270 = arith.constant 480 : index
        %parallel_loop3A_271 = tpu.vector_load %arg12[%parallel_loop3A_269, %parallel_loop3A_270] {strides = array<i32>} : memref<64x512xf32, #tpu.memory_space<vmem>>, vector<16xf32>,
        tpu.vector_store %arg12[%parallel_loop3A_269, %parallel_loop3A_270], %parallel_loop3A_268 {strides = array<i32>} : memref<64x512xf32, #tpu.memory_space<vmem>>, vector<16xf32>,
        %parallel_loop3A_272 = arith.addi %parallel_loop3A_120, %add3A_67 : vector<16xi32>
        %parallel_loop3A_273 = tpu.vector_load_idx %arg9[%parallel_loop3A_272] : memref<12800xf32, #tpu.memory_space<vmem>>[vector<16xi32>], vector<16xf32>,
        %parallel_loop3A_274 = arith.index_cast %parallel_loop3A_115 : i32 to index
        %parallel_loop3A_275 = arith.constant 240 : index
        %parallel_loop3A_276 = tpu.vector_load %arg12[%parallel_loop3A_274, %parallel_loop3A_275] {strides = array<i32>} : memref<64x512xf32, #tpu.memory_space<vmem>>, vector<16xf32>,
        tpu.vector_store %arg12[%parallel_loop3A_274, %parallel_loop3A_275], %parallel_loop3A_273 {strides = array<i32>} : memref<64x512xf32, #tpu.memory_space<vmem>>, vector<16xf32>,
        %parallel_loop3A_277 = arith.addi %parallel_loop3A_121, %add3A_67 : vector<16xi32>
        %parallel_loop3A_278 = tpu.vector_load_idx %arg10[%parallel_loop3A_277] : memref<12800xf32, #tpu.memory_space<vmem>>[vector<16xi32>], vector<16xf32>,
        %parallel_loop3A_279 = arith.index_cast %parallel_loop3A_115 : i32 to index
        %parallel_loop3A_280 = arith.constant 496 : index
        %parallel_loop3A_281 = tpu.vector_load %arg12[%parallel_loop3A_279, %parallel_loop3A_280] {strides = array<i32>} : memref<64x512xf32, #tpu.memory_space<vmem>>, vector<16xf32>,
        tpu.vector_store %arg12[%parallel_loop3A_279, %parallel_loop3A_280], %parallel_loop3A_278 {strides = array<i32>} : memref<64x512xf32, #tpu.memory_space<vmem>>, vector<16xf32>,
      } {sc.loop_unroll_factor = 8 : i64, sc.parallel_access}
      %mul3A_108 = arith.constant 64 : i32
      %mul3A_109 = arith.muli %add3A_99, %mul3A_108 : i32
      %add3A_110 = arith.addi %mul3A_2, %mul3A_109 : i32
      %dma_start3A_111 = arith.constant 0 : i32
      %dma_start3A_112 = tpu.memref_slice %arg6[%add3A_110, %dma_start3A_111] : memref<65536x512xf32, #tpu.memory_space<hbm>> -> memref<64x512xf32, #tpu.memory_space<hbm>>
      %dma_start3A_113 = arith.constant 0 : i32
      %dma_start3A_114 = tpu.memref_slice %arg6[%add3A_110, %dma_start3A_113] : memref<65536x512xf32, #tpu.memory_space<hbm>> -> memref<64x512xf32, #tpu.memory_space<hbm>>
      tpu.enqueue_dma source(%arg12 : memref<64x512xf32, #tpu.memory_space<vmem>>) target(%dma_start3A_114 : memref<64x512xf32, #tpu.memory_space<hbm>>) target_semaphore(%arg14 : memref<!tpu.dma_semaphore, #tpu.memory_space<semaphore_mem>>)
    }
    %scan3A_72 = arith.constant 16 : i32
    %dma_wait3A = arith.constant 0 : i32
    %dma_wait3A_73 = tpu.memref_slice %arg6[%mul3A_2, %dma_wait3A] : memref<65536x512xf32, #tpu.memory_space<hbm>> -> memref<64x512xf32, #tpu.memory_space<hbm>>
    %dma_wait3A_74 = arith.constant 0 : i32
    %dma_wait3A_75 = tpu.memref_slice %arg6[%mul3A_2, %dma_wait3A_74] : memref<65536x512xf32, #tpu.memory_space<hbm>> -> memref<64x512xf32, #tpu.memory_space<hbm>>
    tpu.wait_dma2 semaphore(%arg13 : memref<!tpu.dma_semaphore, #tpu.memory_space<semaphore_mem>>) src(%arg11 : memref<64x512xf32, #tpu.memory_space<vmem>>) dst(%dma_wait3A_75 : memref<64x512xf32, #tpu.memory_space<hbm>>)
    %dma_wait3A_76 = arith.constant 0 : i32
    %dma_wait3A_77 = tpu.memref_slice %arg6[%mul3A_2, %dma_wait3A_76] : memref<65536x512xf32, #tpu.memory_space<hbm>> -> memref<64x512xf32, #tpu.memory_space<hbm>>
    %dma_wait3A_78 = arith.constant 0 : i32
    %dma_wait3A_79 = tpu.memref_slice %arg6[%mul3A_2, %dma_wait3A_78] : memref<65536x512xf32, #tpu.memory_space<hbm>> -> memref<64x512xf32, #tpu.memory_space<hbm>>
    tpu.wait_dma2 semaphore(%arg14 : memref<!tpu.dma_semaphore, #tpu.memory_space<semaphore_mem>>) src(%arg12 : memref<64x512xf32, #tpu.memory_space<vmem>>) dst(%dma_wait3A_79 : memref<64x512xf32, #tpu.memory_space<hbm>>)
    return
  }
}

</mosaic_0001>

<sc_bundles>
// kernel: kernel.3.cloned.1.call-start
scs
__scs_entry_jumppad:
0x0: {  	(pc) =	sbr.rel $0x88, $3  }
0x1: {  	(tag) =	ssettag $0x0;
	lr =	simm.s32 $0x1  }
0x2: {  	[smem:$0x3F9D] =	sst lr;
	_ =	strace $0xD0000000  }
0x3: {  	_ = 	snop  }
0x4: {  	_ = 	snop  }
0x5: {  	_ = 	snop  }
0x6: {  	_ = 	snop  }
0x7: {  	_ = 	snop  }
__scs_overlays_trampoline_lowered:
0x8: {  	[smem:$0x3FAC] =	sst s0  }
0x9: {  	[smem:$0x3FAD] =	sst s1  }
0xa: {  	[smem:$0x3FAE] =	sst s2  }
0xb: {  	[smem:$0x3FAF] =	sst s3  }
0xc: {  	[smem:$0x3FB0] =	sst s4  }
0xd: {  	[smem:$0x3FB1] =	sst s5  }
0xe: {  	[smem:$0x3FB2] =	sst s6  }
0xf: {  	[smem:$0x3FB3] =	sst s7  }
0x10: {  	[smem:$0x3FB4] =	sst s8  }
0x11: {  	[smem:$0x3FB5] =	sst s9;
	s0 =	simm.s32 @!p0 $0x0  }
0x12: {  	s1 =	sld [smem:$0x3F9B];
	s0 =	simm.s32 @p0 $0x1  }
0x13: {  	[smem:$0x3FB6] =	sst s0;
	s0 =	simm.s32 @!p1 $0x0  }
0x14: {  	s2 =	sld [smem:$0x3F9A];
	s0 =	simm.s32 @p1 $0x1  }
0x15: {  	[smem:$0x3FB7] =	sst s0;
	s0 =	simm.s32 @!p2 $0x0  }
0x16: {  	s3 =	sld [smem:$0x3FDB];
	s0 =	simm.s32 @p2 $0x1  }
0x17: {  	s4 =	simm.s32 $0x1BF5;
	[smem:$0x3FB9] =	sst s0  }
0x18: {  	s0 =	sld [smem:$0x3F9C];
	_ =	swait.ge [sflag:s4], $0x0  }
0x19: {  	s7 =	sld [smem:$0x3F9D]  }
0x1a: {  	s8 =	sadd.s32 $0xFFFFE003, lr  }
0x1b: {  	s9 =	sadd.s32 $0xFFFFFEF7, lr;
	s5 =	simm.s32 $0xFFFFFFFF;
	p2 =	slt.u32 s8, $0xFFFFF086  }
0x1c: {  	p1 =	slt.u32 s9, $0xF7A;
	s5 =	simm.s32 @!p2 $0x0  }
0x1d: {  	s5 =	simm.s32 @p1 $0x1;
	p0 =	seq.s32 s7, s2  }
0x1e: {  	s7 =	smul.u32 @!p0 $0xF7A, s2;
	p2 =	seq.s32 @!p0 s5, $0x0  }
0x1f: {  	s9 =	smul.u32 $0xF7A, s1;
	s8 =	simm.s32 @!p0 $0x1BF5;
	p2 =	por !p2, p0  }
0x20: {  	[sflag:s8] =	ssyncset.s32 @!p0 $0xFFFFF086;
	s6 =	sadd.s32 @!p0 s3, s7;
	s7 =	simm.s32 @!p0 $0x108  }
0x21: {  	s3 =	sadd.s32 s3, s9;
	s6 =	sadd.s32 @!p0 $0x88, s6;
	s7 =	simm.s32 @p2 $0x1082  }
0x22: {  	[simem:s7], [sflag:s8] =	dma.local @!p0 [hbm:s6], $0xF7A  }
0x23: {  	s9 =	sor.u32 $0xD0000000, s2;
	s6 =	simm.s32 $0x108;
	_ =	swait.ge @!p0 [sflag:s8], $0x0  }
0x24: {  	s3 =	sadd.s32 $0x88, s3;
	s6 =	simm.s32 @!p1 $0x1082;
	[sflag:s4] =	ssyncset.s32 $0xFFFFF086  }
0x25: {  	[simem:s6], [sflag:s4] =	dma.local [hbm:s3], $0xF7A  }
0x26: {  	[smem:$0x3F9D] =	sst s1;
	(tag) =	ssettag s2;
	_ =	strace s9  }
0x27: {  	s1 =	sld [smem:$0x3FAD]  }
0x28: {  	s2 =	sld [smem:$0x3FAE]  }
0x29: {  	s4 =	sld [smem:$0x3FB0]  }
0x2a: {  	p0 =	seq.s32 s5, $0x0;
	s5 =	sld [smem:$0x3FB1]  }
0x2b: {  	s6 =	sld [smem:$0x3FB2]  }
0x2c: {  	s7 =	sld [smem:$0x3FB3]  }
0x2d: {  	s3 =	simm.s32 $0x108;
	s8 =	sld [smem:$0x3FB4]  }
0x2e: {  	s3 =	simm.s32 @!p0 $0x1082;
	s9 =	sld [smem:$0x3FB5]  }
0x2f: {  	lr =	sadd.s32 s0, s3;
	s0 =	sld [smem:$0x3FAC]  }
0x30: {  	s3 =	sld [smem:$0x3FAF]  }
0x31: {  	[smem:$0x3FB8] =	sst s10  }
0x32: {  	s10 =	sld [smem:$0x3FB6];
	_ =	sdelay $0x3  }
0x33: {  	p0 =	seq.s32 s10, $0x1;
	s10 =	sld [smem:$0x3FB8];
	_ =	sdelay $0x3  }
0x34: {  	[smem:$0x3FB8] =	sst s10  }
0x35: {  	s10 =	sld [smem:$0x3FB7];
	_ =	sdelay $0x3  }
0x36: {  	p1 =	seq.s32 s10, $0x1;
	s10 =	sld [smem:$0x3FB8];
	_ =	sdelay $0x3  }
0x37: {  	[smem:$0x3FB8] =	sst s10  }
0x38: {  	s10 =	sld [smem:$0x3FB9]  }
0x39: {  	_ = 	snop;
	(pc) =	sbr.ind lr, $3  }
0x3a: {  	_ = 	snop  }
0x3b: {  	_ = 	snop  }
0x3c: {  	p2 =	seq.s32 s10, $0x1;
	s10 =	sld [smem:$0x3FB8]  }
0x3d: {  	_ =	shalt  }
0x3e: {  	_ =	shalt  }
0x3f: {  	_ =	shalt  }
0x40: {  	_ =	shalt  }
0x41: {  	_ =	shalt  }
0x42: {  	_ =	shalt  }
0x43: {  	_ =	shalt  }
0x44: {  	_ =	shalt  }
0x45: {  	_ =	shalt  }
0x46: {  	_ =	shalt  }
0x47: {  	_ =	shalt  }
0x48: {  	_ =	shalt  }
0x49: {  	_ =	shalt  }
0x4a: {  	_ =	shalt  }
0x4b: {  	_ =	shalt  }
0x4c: {  	_ =	shalt  }
0x4d: {  	_ =	shalt  }
0x4e: {  	_ =	shalt  }
0x4f: {  	_ =	shalt  }
0x50: {  	_ =	shalt  }
0x51: {  	_ =	shalt  }
0x52: {  	_ =	shalt  }
0x53: {  	_ =	shalt  }
0x54: {  	_ =	shalt  }
0x55: {  	_ =	shalt  }
0x56: {  	_ =	shalt  }
0x57: {  	_ =	shalt  }
0x58: {  	_ =	shalt  }
0x59: {  	_ =	shalt  }
0x5a: {  	_ =	shalt  }
0x5b: {  	_ =	shalt  }
0x5c: {  	_ =	shalt  }
0x5d: {  	_ =	shalt  }
0x5e: {  	_ =	shalt  }
0x5f: {  	_ =	shalt  }
0x60: {  	_ =	shalt  }
0x61: {  	_ =	shalt  }
0x62: {  	_ =	shalt  }
0x63: {  	_ =	shalt  }
0x64: {  	_ =	shalt  }
0x65: {  	_ =	shalt  }
0x66: {  	_ =	shalt  }
0x67: {  	_ =	shalt  }
0x68: {  	_ =	shalt  }
0x69: {  	_ =	shalt  }
0x6a: {  	_ =	shalt  }
0x6b: {  	_ =	shalt  }
0x6c: {  	_ =	shalt  }
0x6d: {  	_ =	shalt  }
0x6e: {  	_ =	shalt  }
0x6f: {  	_ =	shalt  }
0x70: {  	_ =	shalt  }
0x71: {  	_ =	shalt  }
0x72: {  	_ =	shalt  }
0x73: {  	_ =	shalt  }
0x74: {  	_ =	shalt  }
0x75: {  	_ =	shalt  }
0x76: {  	_ =	shalt  }
0x77: {  	_ =	shalt  }
0x78: {  	_ =	shalt  }
0x79: {  	_ =	shalt  }
0x7a: {  	_ =	shalt  }
0x7b: {  	_ =	shalt  }
0x7c: {  	_ =	shalt  }
0x7d: {  	_ =	shalt  }
0x7e: {  	_ =	shalt  }
0x7f: {  	_ =	shalt  }
0x80: {  	_ =	shalt  }
0x81: {  	_ =	shalt  }
0x82: {  	_ =	shalt  }
0x83: {  	_ =	shalt  }
0x84: {  	_ =	shalt  }
0x85: {  	_ =	shalt  }
0x86: {  	_ =	shalt  }
0x87: {  	_ =	shalt  }
.Lfunc_end0:
.L_simem_size_0:
called_computation_lowered:
.L_overlay_start_0:
0x88: {  	s2 =	sld [smem:$0x3FD9]  }
0x89: {  	s3 =	sld [smem:$0x3FFE];
	_ =	sdelay $0x1  }
0x8a: {  	s1 =	srdreg.scid  }
0x8b: {  	s0 =	sand.u32 $0x1, s1  }
0x8c: {  	s17 =	sshll.u32 s0, $0xA;
	s2 =	sadd.s32 s3, s2  }
0x8d: {  	s2 =	sadd.s32 s2, s17  }
0x8e: {  	[smem:$0x3FC4] =	sst s2  }
0x8f: {  	_ = 	snop  }
0x90: {  	s2 =	sld [smem:$0x3FD0];
	(tm) =	ssettm $0x1  }
0x91: {  	s18 =	sld [smem:$0x3FFB];
	_ =	sdelay $0x3  }
0x92: {  	_ =	strace s18  }
0x93: {  	s3 =	sld [smem:$0x3FFC];
	_ =	sdelay $0x3  }
0x94: {  	_ =	strace s3  }
0x95: {  	s3 =	sld [smem:$0x3FFD];
	_ =	sdelay $0x3  }
0x96: {  	_ =	strace s3  }
0x97: {  	_ =	strace $0x8FFFFFFF  }
0x98: {  	s19 =	sld [smem:$0x3FDB];
	_ =	sdelay $0x1  }
0x99: {  	s4 =	simm.s32 $_scs_section_size  }
0x9a: {  	s5 =	simm.s32 $_size__tile_overlayer_lowered;
	s6 =	simm.s32 $_tile_overlayer_lowered  }
0x9b: {  	s22 =	simm.s32 $0x1BFF;
	s21 =	sshll.u32 s6, $0x1;
	s3 =	sadd.s32 s4, s19  }
0x9c: {  	s7 =	simm.s32 $0x0;
	s20 =	sshll.u32 s5, $0x1;
	s5 =	sadd.s32 s21, s3  }
0x9d: {  	[timem:s7], [sflag:s22] =	dma.local [hbm:s5], s20  }
0x9e: {  	_ =	swait.ge [sflag:s22], s20  }
0x9f: {  	s4 =	ssub.s32 $0x0, s20;
	[sflag:s22] =	ssyncset.done $0x0  }
0xa0: {  	[sflag:s22] =	ssyncadd.s32 s4;
	_ =	sdelay $0x1  }
0xa1: {  	s23 =	simm.s32 $0x1B8B  }
0xa2: {  	_ =	swait.ge [sflag:s23], $0x1  }
0xa3: {  	[sflag:s23] =	ssyncset.done $0x0  }
0xa4: {  	s25 =	simm.s32 $0x1B8E;
	s24 =	sld [smem:$0x3FFE];
	[sflag:s23] =	ssyncadd.s32 $0xFFFFFFFF  }
0xa5: {  	s26 =	simm.s32 $execute0_lowered;
	[smem:$0x3FD2] =	sst s25  }
0xa6: {  	s5 =	sshll.u32 s26, $0x1;
	_ =	strace $0x80000046;
	[dreg:$0x1] =	wrdreg $0xFFFFFFFF  }
0xa7: {  	s28 =	simm.s32 $_size_execute0_lowered;
	s3 =	sadd.s32 s3, s5;
	[dreg:$0x0] =	wrdreg $0x0  }
0xa8: {  	s5 =	sshll.u32 s28, $0x1;
	[dreg:$0x2] =	wrdreg s3  }
0xa9: {  	[dreg:$0x3] =	wrdreg s5  }
0xaa: {  	[dreg:$0x4] =	wrdreg $0xC0  }
0xab: {  	_ =	task [dreg:s7], $0x5FFFF  }
0xac: {  	[dreg:$0x1] =	wrdreg $0xFFFFFFFF  }
0xad: {  	[dreg:$0x0] =	wrdreg $0x60  }
0xae: {  	[dreg:$0x2] =	wrdreg s24  }
0xaf: {  	[dreg:$0x3] =	wrdreg s2  }
0xb0: {  	[dreg:$0x4] =	wrdreg $0x9  }
0xb1: {  	_ =	task.clear_ibuf [dreg:s7], $0x5FFFF;
	_ =	strace $0x90000046  }
0xb2: {  	s29 =	simm.s32 $0x9;
	_ =	strace $0x80000048  }
0xb3: {  	_ =	swait.ge [sflag:s29], $0x1  }
0xb4: {  	[sflag:s29] =	ssyncadd.s32 $0xFFFFFFFF  }
0xb5: {  	_ =	strace $0x90000048  }
0xb6: {  	_ =	sfence  }
0xb7: {  	s30 =	sld [smem:$0x0];
	_ =	sdelay $0x2  }
0xb8: {  	s31 =	sshll.u32 s1, $0xD;
	s1 =	sshrl.u32 s1, $0x2  }
0xb9: {  	s3 =	sand.u32 $0x4000, s31;
	s1 =	sadd.s32 s1, s30  }
0xba: {  	s0 =	sor.u32 s3, s0;
	s1 =	sshll.u32 s1, $0x11  }
0xbb: {  	s0 =	sor.u32 s1, s0  }
0xbc: {  	s0 =	sadd.s32 $0x8F2B, s0  }
0xbd: {  	[sflag:s0] =	ssyncadd.remote.s32 $0x1  }
0xbe: {  	_ =	sfence.sel $0xFFFF  }
0xbf: {  	[dreg:$0x0] =	wrdreg $0xFFFFFFFF;
	(pc) =	sbr.abs _section_cstart, $3  }
0xc0: {  	[dreg:$0x1] =	wrdreg $0xFFFFFFFF  }
0xc1: {  	_ =	task.clear_ibuf [dreg:s7], $0x2FFFF;
	_ =	strace $0x9FFFFFFF  }
0xc2: {  	(tm) =	ssettm $0x7FFFFFFF  }
0xc3: {  	_ =	shalt  }
tec
execute0_lowered:
.L_overlay_start_1:
0x0: {  	(tag) =	ssettag $0x1  }
0x1: {  	s1 =	srdreg.scid  }
0x2: {  	s4 =	rddreg [dreg:$0x0];
	s0 =	stileid.u32  }
0x3: {  	s7 =	rddreg [dreg:$0x1];
	s2 =	simm.s32 $0x0;
	s11 =	simm.s32 $0x4200  }
0x4: {  	s12 =	simm.s32 $0x800;
	s13 =	simm.s32 $0x7400;
	s14 =	simm.s32 $0xF400  }
0x5: {  	s15 =	simm.s32 $0x1;
	s16 =	simm.s32 $0x2;
	s17 =	simm.s32 $0x0  }
0x6: {  	s3 =	sand.u32 $0x1, s1;
	s5 =	sshll.u32 s0, $0xC;
	s1 =	rddreg [dreg:$0x2]  }
0x7: {  	v0 =	vlaneseq.u32;
	[smem:$0x7FF] =	sst s2;
	s6 =	sshll.u32 s3, $0xB;
	s31 =	ssub.s32 $0x2, s3  }
0x8: {  	v1 =	vor.u32 $0x10, v0;
	v2 =	vor.u32 $0x20, v0;
	v3 =	vor.u32 $0x30, v0;
	_ =	strace $0x80000047;
	s6 =	sor.u32 s6, s5;
	s9 =	sshrl.u32 s31, $0x1  }
0x9: {  	v4 =	vor.u32 $0x40, v0;
	v5 =	vor.u32 $0x50, v0;
	v6 =	vor.u32 $0x60, v0;
	s3 =	sadd.s32 $0xC00, s4;
	s5 =	sshrl.u32 s6, $0x3;
	s9 =	ssub.s32 s31, s9  }
0xa: {  	v7 =	vor.u32 $0x70, v0;
	v8 =	vor.u32 $0x80, v0;
	v9 =	vor.u32 $0x90, v0;
	s10 =	sshll.u32 s6, $0x6;
	s8 =	sadd.s32 s5, s4;
	s4 =	sadd.s32 $0x400, s4  }
0xb: {  	v10 =	vor.u32 $0xA0, v0;
	v11 =	vor.u32 $0xB0, v0;
	v12 =	vor.u32 $0xC0, v0;
	s7 =	sadd.s32 s7, s10;
	s10 =	simm.s32 $0x3;
	s5 =	sadd.s32 $0x1400, s8  }
0xc: {  	v13 =	vor.u32 $0xD0, v0;
	v14 =	vor.u32 $0xE0, v0;
	v15 =	vor.u32 $0xF0, v0;
	s6 =	sadd.s32 $0x3400, s8;
	s8 =	smax.u32 s9, $0x1;
	s9 =	simm.s32 $0x1000  }
.LBB2_1:
0xd: {  	[tilespmem:s9], [sflag:$0x3] =	stream.linear.gather [hbm4b:s3+s2], $0x3200, $0x38;
	[tilespmem:$0x17400] =	vst v63  }
0xe: {  	_ =	swait.ge [sflag:s10], $0x3200  }
0xf: {  	[sflag:s10] =	ssyncset.done $0x0  }
0x10: {  	[sflag:s10] =	ssyncadd.s32 $0xFFFFCE00  }
0x11: {  	[tilespmem:s11], [sflag:$0x3] =	stream.linear.gather [hbm4b:s4+s2], $0x3200, $0x38;
	[tilespmem:$0x17400] =	vst v63  }
0x12: {  	_ =	swait.ge [sflag:s10], $0x3200  }
0x13: {  	[sflag:s10] =	ssyncset.done $0x0  }
0x14: {  	[sflag:s10] =	ssyncadd.s32 $0xFFFFCE00  }
0x15: {  	[tilespmem:s2], [sflag:$0x3] =	stream.linear.gather [hbm4b:s5+s2], $0x800, $0x38;
	[tilespmem:$0x17400] =	vst v63  }
0x16: {  	_ =	swait.ge [sflag:s10], $0x800  }
0x17: {  	[sflag:s10] =	ssyncset.done $0x0  }
0x18: {  	[sflag:s10] =	ssyncadd.s32 $0xFFFFF800  }
0x19: {  	[tilespmem:s12], [sflag:$0x3] =	stream.linear.gather [hbm4b:s6+s2], $0x800, $0x38;
	[tilespmem:$0x17400] =	vst v63  }
0x1a: {  	_ =	swait.ge [sflag:s10], $0x800  }
0x1b: {  	[sflag:s10] =	ssyncset.done $0x0  }
0x1c: {  	s18 =	simm.s32 $0x40;
	[sflag:s10] =	ssyncadd.s32 $0xFFFFF800  }
0x1d: {  	v16 =	vld [tilespmem:s18+$0x30]  }
0x1e: {  	v17 =	vld [tilespmem:s18+$0xFFFFFFD0]  }
0x1f: {  	v18 =	vld [tilespmem:s18+$0xFFFFFFE0]  }
0x20: {  	v21 =	vld [tilespmem:s18+$0x10]  }
0x21: {  	v19 =	vld [tilespmem:s18+$0xFFFFFFF0]  }
0x22: {  	v20 =	vld [tilespmem:s18+$0x0];
	v16 =	vshll.u32 v16, $0x8  }
0x23: {  	v23 =	vld [tilespmem:s18+$0xFFFFFFC0];
	v17 =	vshll.u32 v17, $0x8;
	[tilespmem:s18+$0x30] =	vst v16  }
0x24: {  	s19 =	simm.s32 $0x840;
	v22 =	vld [tilespmem:s18+$0x20];
	[tilespmem:s18+$0xFFFFFFD0] =	vst v17;
	v16 =	vshll.u32 v18, $0x8  }
0x25: {  	v17 =	vshll.u32 v21, $0x8;
	v18 =	vld [tilespmem:s19+$0x30];
	[tilespmem:s18+$0xFFFFFFE0] =	vst v16  }
0x26: {  	v16 =	vshll.u32 v19, $0x8;
	v19 =	vld [tilespmem:s19+$0xFFFFFFD0];
	[tilespmem:s18+$0x10] =	vst v17  }
0x27: {  	[tilespmem:s18+$0xFFFFFFF0] =	vst v16;
	v16 =	vshll.u32 v20, $0x8;
	v24 =	vld [tilespmem:s19+$0xFFFFFFE0]  }
0x28: {  	v21 =	vshll.u32 v23, $0x8;
	[tilespmem:s18+$0x0] =	vst v16;
	v16 =	vld [tilespmem:s19+$0xFFFFFFF0]  }
0x29: {  	[tilespmem:s18+$0xFFFFFFC0] =	vst v21;
	v20 =	vshll.u32 v22, $0x8;
	v17 =	vld [tilespmem:s19+$0x0]  }
0x2a: {  	[tilespmem:s18+$0x20] =	vst v20;
	v20 =	vshll.u32 v18, $0x8;
	v18 =	vld [tilespmem:s19+$0x10]  }
0x2b: {  	v21 =	vshll.u32 v19, $0x8;
	v19 =	vld [tilespmem:s19+$0x20];
	[tilespmem:s19+$0x30] =	vst v20  }
0x2c: {  	s20 =	simm.s32 $0x0;
	s21 =	simm.s32 $0xC0;
	v20 =	vld [tilespmem:s19+$0xFFFFFFC0];
	[tilespmem:s19+$0xFFFFFFD0] =	vst v21;
	v21 =	vshll.u32 v24, $0x8  }
.LBB2_2:
0x2d: {  	v22 =	vld [tilespmem:s21+$0x30];
	s20 =	sadd.s32 $0x8, s20;
	[tilespmem:s19+$0xFFFFFFE0] =	vst v21;
	v16 =	vshll.u32 v16, $0x8  }
0x2e: {  	v21 =	vld [tilespmem:s21+$0xFFFFFFD0];
	p0 =	slt.u32 s20, $0x78;
	[tilespmem:s19+$0xFFFFFFF0] =	vst v16;
	v16 =	vshll.u32 v17, $0x8  }
0x2f: {  	v17 =	vld [tilespmem:s21+$0xFFFFFFE0];
	[tilespmem:s19+$0x0] =	vst v16;
	v16 =	vshll.u32 v18, $0x8  }
0x30: {  	v18 =	vld [tilespmem:s21+$0xFFFFFFF0];
	[tilespmem:s19+$0x10] =	vst v16;
	v16 =	vshll.u32 v19, $0x8  }
0x31: {  	v19 =	vld [tilespmem:s21+$0x0];
	v20 =	vshll.u32 v20, $0x8;
	[tilespmem:s19+$0x20] =	vst v16  }
0x32: {  	v16 =	vld [tilespmem:s21+$0x10];
	v22 =	vshll.u32 v22, $0x8;
	[tilespmem:s19+$0xFFFFFFC0] =	vst v20  }
0x33: {  	s19 =	sadd.s32 $0x80, s19;
	v20 =	vshll.u32 v21, $0x8;
	v21 =	vld [tilespmem:s21+$0x20];
	[tilespmem:s21+$0x30] =	vst v22  }
0x34: {  	[tilespmem:s21+$0xFFFFFFD0] =	vst v20;
	v17 =	vshll.u32 v17, $0x8;
	v20 =	vld [tilespmem:s19+$0x30]  }
0x35: {  	v22 =	vld [tilespmem:s21+$0xFFFFFFC0];
	[tilespmem:s21+$0xFFFFFFE0] =	vst v17;
	v17 =	vshll.u32 v18, $0x8  }
0x36: {  	v23 =	vld [tilespmem:s19+$0xFFFFFFD0];
	[tilespmem:s21+$0xFFFFFFF0] =	vst v17;
	v17 =	vshll.u32 v19, $0x8  }
0x37: {  	v24 =	vld [tilespmem:s19+$0xFFFFFFE0];
	[tilespmem:s21+$0x0] =	vst v17;
	v17 =	vshll.u32 v16, $0x8  }
.Ltmp0:
0x38: {  	v16 =	vld [tilespmem:s19+$0xFFFFFFF0];
	[tilespmem:s21+$0x10] =	vst v17;
	v18 =	vshll.u32 v21, $0x8;
	(pc) =	sbr.rel @p0 .LBB2_2-.Ltmp0, $4  }
0x39: {  	v17 =	vld [tilespmem:s19+$0x0];
	[tilespmem:s21+$0x20] =	vst v18;
	v19 =	vshll.u32 v20, $0x8  }
0x3a: {  	s18 =	simm.s32 $0x0;
	v20 =	vshll.u32 v22, $0x8;
	v18 =	vld [tilespmem:s19+$0x10];
	[tilespmem:s19+$0x30] =	vst v19  }
0x3b: {  	[tilespmem:s21+$0xFFFFFFC0] =	vst v20;
	v21 =	vshll.u32 v23, $0x8;
	v19 =	vld [tilespmem:s19+$0x20]  }
0x3c: {  	s21 =	sadd.s32 $0x80, s21;
	v20 =	vld [tilespmem:s19+$0xFFFFFFC0];
	[tilespmem:s19+$0xFFFFFFD0] =	vst v21;
	v21 =	vshll.u32 v24, $0x8  }
0x3d: {  	[tilespmem:s19+$0xFFFFFFE0] =	vst v21;
	v16 =	vshll.u32 v16, $0x8  }
0x3e: {  	[tilespmem:s19+$0xFFFFFFF0] =	vst v16;
	v16 =	vshll.u32 v17, $0x8  }
0x3f: {  	[tilespmem:s19+$0x0] =	vst v16;
	v16 =	vshll.u32 v18, $0x8  }
0x40: {  	[tilespmem:s19+$0x10] =	vst v16;
	v16 =	vshll.u32 v19, $0x8  }
0x41: {  	v17 =	vshll.u32 v20, $0x8;
	[tilespmem:s19+$0x20] =	vst v16  }
0x42: {  	[tilespmem:s19+$0xFFFFFFC0] =	vst v17;
	s19 =	simm.s32 $0x0  }
.LBB2_4:
0x43: {  	s20 =	sshll.u32 s19, $0x7  }
0x44: {  	s22 =	sor.u32 s20, s18  }
0x45: {  	v16 =	vmov s22  }
0x46: {  	v16 =	vand.u32 $0xFFFFFFF8, v16  }
0x47: {  	v16 =	vbroadcast v16, $0x0  }
0x48: {  	p0 =	seq.s32 s19, $0x0  }
0x49: {  	s21 =	simm.s32 @!p0 $0x1  }
0x4a: {  	_ =	swait.ge @!p0 [sflag:s21], $0x8000  }
0x4b: {  	[sflag:s21] =	ssyncset.done @!p0 $0x0  }
0x4c: {  	[sflag:s21] =	ssyncadd.s32 @!p0 $0xFFFF8000  }
0x4d: {  	v17 =	vld.idx.msk [tilespmem:v16+s2+$0x0], $0xffff;
	_ =	sdelay $0x4  }
0x4e: {  	v18 =	vadd.s32 v0, v17  }
0x4f: {  	v16 =	vld.idx.msk [tilespmem:v16+s12+$0x0], $0xffff;
	_ =	sdelay $0x3  }
0x50: {  	v18 =	vld.idx.msk [tilespmem:v18+s9+$0x0], $0xffff  }
0x51: {  	v19 =	vadd.s32 v0, v16;
	_ =	sdelay $0x1  }
0x52: {  	s26 =	simm.s32 $0x0  }
0x53: {  	s21 =	sand.u32 $0x3FFFFE00, s26  }
0x54: {  	[tilespmem:s21+$0x7400] =	vst v18  }
0x55: {  	v18 =	vld.idx.msk [tilespmem:v19+s11+$0x0], $0xffff  }
0x56: {  	v19 =	vadd.s32 v1, v17;
	_ =	sdelay $0x3  }
0x57: {  	[tilespmem:s21+$0x7C00] =	vst v18  }
0x58: {  	v18 =	vld.idx.msk [tilespmem:v19+s9+$0x0], $0xffff  }
0x59: {  	v19 =	vadd.s32 v1, v16;
	_ =	sdelay $0x3  }
0x5a: {  	[tilespmem:s21+$0x7410] =	vst v18  }
0x5b: {  	v18 =	vld.idx.msk [tilespmem:v19+s11+$0x0], $0xffff  }
0x5c: {  	v19 =	vadd.s32 v2, v17;
	_ =	sdelay $0x3  }
0x5d: {  	[tilespmem:s21+$0x7C10] =	vst v18  }
0x5e: {  	v18 =	vld.idx.msk [tilespmem:v19+s9+$0x0], $0xffff  }
0x5f: {  	v19 =	vadd.s32 v2, v16;
	_ =	sdelay $0x3  }
0x60: {  	[tilespmem:s21+$0x7420] =	vst v18  }
0x61: {  	v18 =	vld.idx.msk [tilespmem:v19+s11+$0x0], $0xffff  }
0x62: {  	v19 =	vadd.s32 v3, v17;
	_ =	sdelay $0x3  }
0x63: {  	[tilespmem:s21+$0x7C20] =	vst v18  }
0x64: {  	v18 =	vld.idx.msk [tilespmem:v19+s9+$0x0], $0xffff  }
0x65: {  	v19 =	vadd.s32 v3, v16;
	_ =	sdelay $0x3  }
0x66: {  	[tilespmem:s21+$0x7430] =	vst v18  }
0x67: {  	v18 =	vld.idx.msk [tilespmem:v19+s11+$0x0], $0xffff  }
0x68: {  	v19 =	vadd.s32 v4, v17;
	_ =	sdelay $0x3  }
0x69: {  	[tilespmem:s21+$0x7C30] =	vst v18  }
0x6a: {  	v18 =	vld.idx.msk [tilespmem:v19+s9+$0x0], $0xffff  }
0x6b: {  	v19 =	vadd.s32 v4, v16;
	_ =	sdelay $0x3  }
0x6c: {  	[tilespmem:s21+$0x7440] =	vst v18  }
0x6d: {  	v18 =	vld.idx.msk [tilespmem:v19+s11+$0x0], $0xffff  }
0x6e: {  	v19 =	vadd.s32 v5, v17;
	_ =	sdelay $0x3  }
0x6f: {  	[tilespmem:s21+$0x7C40] =	vst v18  }
0x70: {  	v18 =	vld.idx.msk [tilespmem:v19+s9+$0x0], $0xffff  }
0x71: {  	v19 =	vadd.s32 v5, v16;
	_ =	sdelay $0x3  }
0x72: {  	[tilespmem:s21+$0x7450] =	vst v18  }
0x73: {  	v18 =	vld.idx.msk [tilespmem:v19+s11+$0x0], $0xffff  }
0x74: {  	v19 =	vadd.s32 v6, v17  }
0x75: {  	s28 =	sor.u32 $0x4, s22;
	s31 =	sor.u32 $0x7, s22  }
0x76: {  	v21 =	vmov s28;
	v27 =	vmov s31  }
0x77: {  	s23 =	sor.u32 $0x1, s22;
	v21 =	vand.u32 $0xFFFFFFFC, v21  }
0x78: {  	s24 =	sor.u32 $0x3, s22;
	v20 =	vmov s23;
	v21 =	vbroadcast v21, $0x0;
	[tilespmem:s21+$0x7C50] =	vst v18  }
0x79: {  	v18 =	vand.u32 $0xFFFFFFF9, v20;
	v20 =	vmov s24;
	v19 =	vld.idx.msk [tilespmem:v19+s9+$0x0], $0xffff  }
0x7a: {  	v22 =	vadd.s32 v6, v16;
	v20 =	vand.u32 $0xFFFFFFFB, v20;
	v23 =	vbroadcast v18, $0x0  }
0x7b: {  	v28 =	vld.idx.msk [tilespmem:v27+s2+$0x0], $0xffff;
	v20 =	vbroadcast v20, $0x0  }
0x7c: {  	s29 =	sor.u32 $0x2, s22  }
0x7d: {  	s30 =	sor.u32 $0x5, s22;
	v27 =	vld.idx.msk [tilespmem:v27+s12+$0x0], $0xffff;
	v18 =	vmov s29  }
0x7e: {  	v24 =	vmov s30;
	v26 =	vld.idx.msk [tilespmem:v21+s2+$0x0], $0xffff;
	v18 =	vand.u32 $0xFFFFFFFA, v18;
	[tilespmem:s21+$0x7460] =	vst v19  }
0x7f: {  	v31 =	vbroadcast v18, $0x0;
	v18 =	vand.u32 $0xFFFFFFFD, v24;
	v32 =	vld.idx.msk [tilespmem:v22+s11+$0x0], $0xffff  }
0x80: {  	s22 =	sor.u32 $0x6, s22;
	v40 =	vadd.s32 v0, v28;
	v19 =	vbroadcast v18, $0x0;
	v25 =	vld.idx.msk [tilespmem:v23+s2+$0x0], $0xffff  }
0x81: {  	v22 =	vmov s22;
	v30 =	vld.idx.msk [tilespmem:v20+s2+$0x0], $0xffff  }
0x82: {  	v24 =	vand.u32 $0xFFFFFFFE, v22;
	v22 =	vld.idx.msk [tilespmem:v23+s12+$0x0], $0xffff  }
0x83: {  	v23 =	vld.idx.msk [tilespmem:v20+s12+$0x0], $0xffff;
	v20 =	vadd.s32 v0, v26  }
0x84: {  	v21 =	vld.idx.msk [tilespmem:v21+s12+$0x0], $0xffff;
	v35 =	vbroadcast v24, $0x0  }
0x85: {  	v40 =	vld.idx.msk [tilespmem:v40+s9+$0x0], $0xffff  }
0x86: {  	v33 =	vadd.s32 v0, v25;
	v29 =	vld.idx.msk [tilespmem:v19+s2+$0x0], $0xffff  }
0x87: {  	v18 =	vld.idx.msk [tilespmem:v31+s12+$0x0], $0xffff  }
0x88: {  	v34 =	vadd.s32 v0, v30;
	v20 =	vld.idx.msk [tilespmem:v20+s9+$0x0], $0xffff  }
0x89: {  	v39 =	vadd.s32 v0, v21;
	v24 =	vld.idx.msk [tilespmem:v19+s12+$0x0], $0xffff  }
0x8a: {  	v19 =	vld.idx.msk [tilespmem:v35+s2+$0x0], $0xffff  }
0x8b: {  	v33 =	vld.idx.msk [tilespmem:v33+s9+$0x0], $0xffff;
	v36 =	vadd.s32 v0, v29  }
0x8c: {  	v31 =	vld.idx.msk [tilespmem:v31+s2+$0x0], $0xffff;
	v37 =	vadd.s32 v0, v22  }
0x8d: {  	v56 =	vadd.s32 v0, v27;
	v34 =	vld.idx.msk [tilespmem:v34+s9+$0x0], $0xffff;
	[tilespmem:s21+$0x7600] =	vst v20  }
0x8e: {  	v38 =	vadd.s32 v0, v23;
	v39 =	vld.idx.msk [tilespmem:v39+s11+$0x0], $0xffff  }
0x8f: {  	v42 =	vadd.s32 v1, v26;
	v20 =	vld.idx.msk [tilespmem:v35+s12+$0x0], $0xffff  }
0x90: {  	v57 =	vadd.s32 v0, v19;
	[tilespmem:s21+$0x7480] =	vst v33;
	v52 =	vld.idx.msk [tilespmem:v36+s9+$0x0], $0xffff  }
0x91: {  	[tilespmem:s21+$0x7780] =	vst v40;
	v54 =	vadd.s32 v0, v24;
	v53 =	vld.idx.msk [tilespmem:v37+s11+$0x0], $0xffff  }
0x92: {  	v55 =	vadd.s32 v1, v25;
	v33 =	vld.idx.msk [tilespmem:v56+s11+$0x0], $0xffff;
	[tilespmem:s21+$0x7580] =	vst v34  }
0x93: {  	v63 =	vadd.s32 v1, v28;
	v38 =	vld.idx.msk [tilespmem:v38+s11+$0x0], $0xffff;
	[tilespmem:s21+$0x7E00] =	vst v39  }
0x94: {  	v41 =	vadd.s32 v1, v30;
	v39 =	vld.idx.msk [tilespmem:v42+s9+$0x0], $0xffff  }
0x95: {  	v61 =	vadd.s32 v1, v21;
	v62 =	vld.idx.msk [tilespmem:v57+s9+$0x0], $0xffff;
	[tilespmem:s21+$0x7680] =	vst v52  }
0x96: {  	v46 =	vadd.s32 v0, v20;
	[tilespmem:s21+$0x7C80] =	vst v53;
	v34 =	vld.idx.msk [tilespmem:v54+s11+$0x0], $0xffff  }
0x97: {  	v58 =	vadd.s32 v1, v29;
	[tilespmem:s21+$0x7F80] =	vst v33;
	v36 =	vld.idx.msk [tilespmem:v55+s9+$0x0], $0xffff  }
0x98: {  	v59 =	vadd.s32 v1, v22;
	v49 =	vld.idx.msk [tilespmem:v63+s9+$0x0], $0xffff;
	[tilespmem:s21+$0x7D80] =	vst v38  }
0x99: {  	v52 =	vadd.s32 v1, v27;
	v41 =	vld.idx.msk [tilespmem:v41+s9+$0x0], $0xffff;
	[tilespmem:s21+$0x7610] =	vst v39  }
0x9a: {  	v60 =	vadd.s32 v1, v23;
	[tilespmem:s21+$0x7700] =	vst v62;
	v39 =	vld.idx.msk [tilespmem:v61+s11+$0x0], $0xffff  }
0x9b: {  	v50 =	vadd.s32 v2, v26;
	v51 =	vld.idx.msk [tilespmem:v46+s11+$0x0], $0xffff;
	[tilespmem:s21+$0x7E80] =	vst v34  }
0x9c: {  	v54 =	vadd.s32 v1, v19;
	[tilespmem:s21+$0x7490] =	vst v36;
	v45 =	vld.idx.msk [tilespmem:v58+s9+$0x0], $0xffff  }
0x9d: {  	v46 =	vadd.s32 v7, v17;
	[tilespmem:s21+$0x7790] =	vst v49;
	v38 =	vld.idx.msk [tilespmem:v59+s11+$0x0], $0xffff  }
0x9e: {  	v47 =	vadd.s32 v1, v24;
	[tilespmem:s21+$0x7590] =	vst v41;
	v59 =	vld.idx.msk [tilespmem:v52+s11+$0x0], $0xffff  }
0x9f: {  	v43 =	vadd.s32 v2, v25;
	v40 =	vld.idx.msk [tilespmem:v60+s11+$0x0], $0xffff;
	[tilespmem:s21+$0x7E10] =	vst v39  }
0xa0: {  	v48 =	vadd.s32 v2, v30;
	[tilespmem:s21+$0x7F00] =	vst v51;
	v35 =	vld.idx.msk [tilespmem:v50+s9+$0x0], $0xffff  }
0xa1: {  	[tilespmem:s21+$0x7C60] =	vst v32;
	v60 =	vadd.s32 v2, v21;
	v61 =	vld.idx.msk [tilespmem:v54+s9+$0x0], $0xffff  }
0xa2: {  	v63 =	vadd.s32 v1, v20;
	v32 =	vld.idx.msk [tilespmem:v46+s9+$0x0], $0xffff;
	[tilespmem:s21+$0x7690] =	vst v45  }
0xa3: {  	v62 =	vadd.s32 v2, v28;
	[tilespmem:s21+$0x7C90] =	vst v38;
	v53 =	vld.idx.msk [tilespmem:v47+s11+$0x0], $0xffff  }
0xa4: {  	v56 =	vadd.s32 v2, v29;
	v55 =	vld.idx.msk [tilespmem:v43+s9+$0x0], $0xffff;
	[tilespmem:s21+$0x7D90] =	vst v40  }
0xa5: {  	v57 =	vadd.s32 v2, v22;
	v33 =	vld.idx.msk [tilespmem:v48+s9+$0x0], $0xffff;
	[tilespmem:s21+$0x7620] =	vst v35  }
0xa6: {  	v58 =	vadd.s32 v2, v23;
	[tilespmem:s21+$0x7710] =	vst v61;
	v35 =	vld.idx.msk [tilespmem:v60+s11+$0x0], $0xffff  }
0xa7: {  	v49 =	vadd.s32 v3, v26;
	[tilespmem:s21+$0x7F90] =	vst v59;
	v50 =	vld.idx.msk [tilespmem:v63+s11+$0x0], $0xffff  }
0xa8: {  	v54 =	vadd.s32 v2, v19;
	v48 =	vld.idx.msk [tilespmem:v62+s9+$0x0], $0xffff;
	[tilespmem:s21+$0x7E90] =	vst v53  }
0xa9: {  	v51 =	vadd.s32 v2, v27;
	[tilespmem:s21+$0x74A0] =	vst v55;
	v40 =	vld.idx.msk [tilespmem:v56+s9+$0x0], $0xffff  }
0xaa: {  	v45 =	vadd.s32 v2, v24;
	v42 =	vld.idx.msk [tilespmem:v57+s11+$0x0], $0xffff;
	[tilespmem:s21+$0x75A0] =	vst v33  }
0xab: {  	v52 =	vadd.s32 v3, v25;
	v34 =	vld.idx.msk [tilespmem:v58+s11+$0x0], $0xffff;
	[tilespmem:s21+$0x7E20] =	vst v35  }
0xac: {  	v47 =	vadd.s32 v3, v30;
	[tilespmem:s21+$0x7F10] =	vst v50;
	v38 =	vld.idx.msk [tilespmem:v49+s9+$0x0], $0xffff  }
0xad: {  	v56 =	vadd.s32 v3, v21;
	[tilespmem:s21+$0x77A0] =	vst v48;
	v35 =	vld.idx.msk [tilespmem:v54+s9+$0x0], $0xffff  }
0xae: {  	v60 =	vadd.s32 v2, v20;
	[tilespmem:s21+$0x76A0] =	vst v40;
	v40 =	vld.idx.msk [tilespmem:v51+s11+$0x0], $0xffff  }
0xaf: {  	v57 =	vadd.s32 v3, v28;
	v33 =	vld.idx.msk [tilespmem:v45+s11+$0x0], $0xffff;
	[tilespmem:s21+$0x7CA0] =	vst v42  }
0xb0: {  	v53 =	vadd.s32 v3, v29;
	[tilespmem:s21+$0x7DA0] =	vst v34;
	v41 =	vld.idx.msk [tilespmem:v52+s9+$0x0], $0xffff  }
0xb1: {  	v58 =	vadd.s32 v3, v22;
	v36 =	vld.idx.msk [tilespmem:v47+s9+$0x0], $0xffff;
	[tilespmem:s21+$0x7630] =	vst v38  }
0xb2: {  	v55 =	vadd.s32 v3, v23;
	[tilespmem:s21+$0x7720] =	vst v35;
	v42 =	vld.idx.msk [tilespmem:v56+s11+$0x0], $0xffff  }
0xb3: {  	v48 =	vadd.s32 v0, v31;
	v38 =	vld.idx.msk [tilespmem:v60+s11+$0x0], $0xffff;
	[tilespmem:s21+$0x7FA0] =	vst v40  }
0xb4: {  	v62 =	vadd.s32 v4, v26;
	[tilespmem:s21+$0x7EA0] =	vst v33;
	v34 =	vld.idx.msk [tilespmem:v57+s9+$0x0], $0xffff  }
0xb5: {  	v47 =	vadd.s32 v3, v19;
	v33 =	vld.idx.msk [tilespmem:v53+s9+$0x0], $0xffff;
	[tilespmem:s21+$0x74B0] =	vst v41  }
0xb6: {  	v63 =	vadd.s32 v3, v27;
	[tilespmem:s21+$0x75B0] =	vst v36;
	v39 =	vld.idx.msk [tilespmem:v58+s11+$0x0], $0xffff  }
0xb7: {  	v59 =	vadd.s32 v3, v24;
	v37 =	vld.idx.msk [tilespmem:v55+s11+$0x0], $0xffff  }
0xb8: {  	v45 =	vadd.s32 v4, v25;
	[tilespmem:s21+$0x7E30] =	vst v42;
	v42 =	vld.idx.msk [tilespmem:v48+s9+$0x0], $0xffff  }
0xb9: {  	v61 =	vadd.s32 v4, v30;
	[tilespmem:s21+$0x7F20] =	vst v38;
	v41 =	vld.idx.msk [tilespmem:v62+s9+$0x0], $0xffff  }
0xba: {  	v54 =	vadd.s32 v0, v18;
	v40 =	vld.idx.msk [tilespmem:v47+s9+$0x0], $0xffff;
	[tilespmem:s21+$0x77B0] =	vst v34  }
0xbb: {  	v50 =	vadd.s32 v4, v21;
	[tilespmem:s21+$0x76B0] =	vst v33;
	v33 =	vld.idx.msk [tilespmem:v63+s11+$0x0], $0xffff  }
0xbc: {  	v51 =	vadd.s32 v4, v28;
	v36 =	vld.idx.msk [tilespmem:v59+s11+$0x0], $0xffff;
	[tilespmem:s21+$0x7CB0] =	vst v39  }
0xbd: {  	v46 =	vadd.s32 v4, v29;
	[tilespmem:s21+$0x7DB0] =	vst v37;
	v35 =	vld.idx.msk [tilespmem:v45+s9+$0x0], $0xffff  }
0xbe: {  	v52 =	vadd.s32 v4, v22;
	[tilespmem:s21+$0x7500] =	vst v42;
	v37 =	vld.idx.msk [tilespmem:v61+s9+$0x0], $0xffff  }
0xbf: {  	v53 =	vadd.s32 v3, v20;
	[tilespmem:s21+$0x7640] =	vst v41;
	v41 =	vld.idx.msk [tilespmem:v54+s11+$0x0], $0xffff  }
0xc0: {  	v49 =	vadd.s32 v4, v23;
	v39 =	vld.idx.msk [tilespmem:v50+s11+$0x0], $0xffff;
	[tilespmem:s21+$0x7FB0] =	vst v33  }
0xc1: {  	v63 =	vadd.s32 v1, v31;
	[tilespmem:s21+$0x7EB0] =	vst v36;
	v56 =	vld.idx.msk [tilespmem:v51+s9+$0x0], $0xffff  }
0xc2: {  	v58 =	vadd.s32 v5, v26;
	v36 =	vld.idx.msk [tilespmem:v46+s9+$0x0], $0xffff;
	[tilespmem:s21+$0x74C0] =	vst v35  }
0xc3: {  	v59 =	vadd.s32 v4, v27;
	[tilespmem:s21+$0x7730] =	vst v40;
	v57 =	vld.idx.msk [tilespmem:v52+s11+$0x0], $0xffff  }
0xc4: {  	v44 =	vadd.s32 v4, v24;
	[tilespmem:s21+$0x75C0] =	vst v37;
	v37 =	vld.idx.msk [tilespmem:v53+s11+$0x0], $0xffff  }
0xc5: {  	v60 =	vadd.s32 v5, v25;
	[tilespmem:s21+$0x7D00] =	vst v41;
	v34 =	vld.idx.msk [tilespmem:v49+s11+$0x0], $0xffff  }
0xc6: {  	v62 =	vadd.s32 v4, v19;
	[tilespmem:s21+$0x7E40] =	vst v39;
	v39 =	vld.idx.msk [tilespmem:v63+s9+$0x0], $0xffff  }
0xc7: {  	v55 =	vadd.s32 v5, v30;
	v43 =	vld.idx.msk [tilespmem:v58+s9+$0x0], $0xffff;
	[tilespmem:s21+$0x77C0] =	vst v56  }
0xc8: {  	v51 =	vadd.s32 v5, v21;
	[tilespmem:s21+$0x76C0] =	vst v36;
	v49 =	vld.idx.msk [tilespmem:v59+s11+$0x0], $0xffff  }
0xc9: {  	v56 =	vadd.s32 v1, v18;
	v36 =	vld.idx.msk [tilespmem:v44+s11+$0x0], $0xffff;
	[tilespmem:s21+$0x7CC0] =	vst v57  }
0xca: {  	v52 =	vadd.s32 v5, v28;
	[tilespmem:s21+$0x7F30] =	vst v37;
	v50 =	vld.idx.msk [tilespmem:v60+s9+$0x0], $0xffff  }
0xcb: {  	v61 =	vadd.s32 v5, v29;
	[tilespmem:s21+$0x7DC0] =	vst v34;
	v34 =	vld.idx.msk [tilespmem:v62+s9+$0x0], $0xffff  }
0xcc: {  	v53 =	vadd.s32 v5, v22;
	v33 =	vld.idx.msk [tilespmem:v55+s9+$0x0], $0xffff;
	[tilespmem:s21+$0x7650] =	vst v43  }
0xcd: {  	[tilespmem:s21+$0x7510] =	vst v39;
	v55 =	vadd.s32 v4, v20;
	v44 =	vld.idx.msk [tilespmem:v51+s11+$0x0], $0xffff  }
0xce: {  	v48 =	vadd.s32 v5, v23;
	v43 =	vld.idx.msk [tilespmem:v56+s11+$0x0], $0xffff;
	[tilespmem:s21+$0x7FC0] =	vst v49  }
0xcf: {  	v58 =	vadd.s32 v6, v26;
	[tilespmem:s21+$0x7EC0] =	vst v36;
	v37 =	vld.idx.msk [tilespmem:v52+s9+$0x0], $0xffff  }
0xd0: {  	v63 =	vadd.s32 v2, v31;
	v36 =	vld.idx.msk [tilespmem:v61+s9+$0x0], $0xffff;
	[tilespmem:s21+$0x74D0] =	vst v50  }
0xd1: {  	v59 =	vadd.s32 v5, v27;
	[tilespmem:s21+$0x7740] =	vst v34;
	v40 =	vld.idx.msk [tilespmem:v53+s11+$0x0], $0xffff  }
0xd2: {  	v54 =	vadd.s32 v5, v24;
	[tilespmem:s21+$0x75D0] =	vst v33;
	v35 =	vld.idx.msk [tilespmem:v55+s11+$0x0], $0xffff  }
0xd3: {  	v60 =	vadd.s32 v6, v25;
	v33 =	vld.idx.msk [tilespmem:v48+s11+$0x0], $0xffff;
	[tilespmem:s21+$0x7E50] =	vst v44  }
0xd4: {  	v62 =	vadd.s32 v5, v19;
	[tilespmem:s21+$0x7D10] =	vst v43;
	v42 =	vld.idx.msk [tilespmem:v58+s9+$0x0], $0xffff  }
0xd5: {  	v57 =	vadd.s32 v6, v30;
	v44 =	vld.idx.msk [tilespmem:v63+s9+$0x0], $0xffff;
	[tilespmem:s21+$0x77D0] =	vst v37  }
0xd6: {  	v49 =	vadd.s32 v6, v21;
	[tilespmem:s21+$0x76D0] =	vst v36;
	v34 =	vld.idx.msk [tilespmem:v59+s11+$0x0], $0xffff  }
0xd7: {  	v50 =	vadd.s32 v6, v28;
	v36 =	vld.idx.msk [tilespmem:v54+s11+$0x0], $0xffff;
	[tilespmem:s21+$0x7CD0] =	vst v40  }
0xd8: {  	[tilespmem:s21+$0x7F40] =	vst v35;
	v54 =	vadd.s32 v2, v18;
	v40 =	vld.idx.msk [tilespmem:v60+s9+$0x0], $0xffff  }
0xd9: {  	v61 =	vadd.s32 v6, v29;
	[tilespmem:s21+$0x7DD0] =	vst v33;
	v38 =	vld.idx.msk [tilespmem:v62+s9+$0x0], $0xffff  }
0xda: {  	v51 =	vadd.s32 v6, v22;
	v33 =	vld.idx.msk [tilespmem:v57+s9+$0x0], $0xffff;
	[tilespmem:s21+$0x7660] =	vst v42  }
0xdb: {  	v53 =	vadd.s32 v5, v20;
	v41 =	vld.idx.msk [tilespmem:v49+s11+$0x0], $0xffff;
	[tilespmem:s21+$0x7FD0] =	vst v34  }
0xdc: {  	v48 =	vadd.s32 v6, v23;
	[tilespmem:s21+$0x7520] =	vst v44;
	v35 =	vld.idx.msk [tilespmem:v50+s9+$0x0], $0xffff  }
0xdd: {  	v56 =	vadd.s32 v7, v26;
	[tilespmem:s21+$0x7ED0] =	vst v36;
	v42 =	vld.idx.msk [tilespmem:v54+s11+$0x0], $0xffff  }
0xde: {  	v57 =	vadd.s32 v6, v27;
	v36 =	vld.idx.msk [tilespmem:v61+s9+$0x0], $0xffff;
	[tilespmem:s21+$0x74E0] =	vst v40  }
0xdf: {  	[tilespmem:s21+$0x7750] =	vst v38;
	v61 =	vadd.s32 v3, v31;
	v39 =	vld.idx.msk [tilespmem:v51+s11+$0x0], $0xffff  }
0xe0: {  	v52 =	vadd.s32 v6, v24;
	[tilespmem:s21+$0x75E0] =	vst v33;
	v37 =	vld.idx.msk [tilespmem:v53+s11+$0x0], $0xffff  }
0xe1: {  	v58 =	vadd.s32 v7, v25;
	v33 =	vld.idx.msk [tilespmem:v48+s11+$0x0], $0xffff;
	[tilespmem:s21+$0x7E60] =	vst v41  }
0xe2: {  	v60 =	vadd.s32 v6, v19;
	v40 =	vld.idx.msk [tilespmem:v56+s9+$0x0], $0xffff;
	[tilespmem:s21+$0x77E0] =	vst v35  }
0xe3: {  	v55 =	vadd.s32 v7, v30;
	[tilespmem:s21+$0x7D20] =	vst v42;
	v38 =	vld.idx.msk [tilespmem:v57+s11+$0x0], $0xffff  }
0xe4: {  	v63 =	vadd.s32 v7, v21;
	[tilespmem:s21+$0x76E0] =	vst v36;
	v41 =	vld.idx.msk [tilespmem:v61+s9+$0x0], $0xffff  }
0xe5: {  	v48 =	vadd.s32 v7, v28;
	v36 =	vld.idx.msk [tilespmem:v52+s11+$0x0], $0xffff;
	[tilespmem:s21+$0x7CE0] =	vst v39  }
0xe6: {  	[tilespmem:s21+$0x7F50] =	vst v37;
	v52 =	vadd.s32 v3, v18;
	v39 =	vld.idx.msk [tilespmem:v58+s9+$0x0], $0xffff  }
0xe7: {  	v59 =	vadd.s32 v7, v29;
	[tilespmem:s21+$0x7DE0] =	vst v33;
	v34 =	vld.idx.msk [tilespmem:v60+s9+$0x0], $0xffff  }
0xe8: {  	v49 =	vadd.s32 v7, v22;
	v33 =	vld.idx.msk [tilespmem:v55+s9+$0x0], $0xffff;
	[tilespmem:s21+$0x7670] =	vst v40  }
0xe9: {  	v51 =	vadd.s32 v6, v20;
	v43 =	vld.idx.msk [tilespmem:v63+s11+$0x0], $0xffff;
	[tilespmem:s21+$0x7FE0] =	vst v38  }
0xea: {  	v62 =	vadd.s32 v7, v23;
	[tilespmem:s21+$0x7530] =	vst v41;
	v37 =	vld.idx.msk [tilespmem:v48+s9+$0x0], $0xffff  }
0xeb: {  	v54 =	vadd.s32 v8, v26;
	[tilespmem:s21+$0x7EE0] =	vst v36;
	v40 =	vld.idx.msk [tilespmem:v52+s11+$0x0], $0xffff  }
0xec: {  	v55 =	vadd.s32 v7, v27;
	v36 =	vld.idx.msk [tilespmem:v59+s9+$0x0], $0xffff;
	[tilespmem:s21+$0x74F0] =	vst v39  }
0xed: {  	[tilespmem:s21+$0x7760] =	vst v34;
	v59 =	vadd.s32 v4, v31;
	v39 =	vld.idx.msk [tilespmem:v49+s11+$0x0], $0xffff  }
0xee: {  	v50 =	vadd.s32 v7, v24;
	[tilespmem:s21+$0x75F0] =	vst v33;
	v35 =	vld.idx.msk [tilespmem:v51+s11+$0x0], $0xffff  }
0xef: {  	v56 =	vadd.s32 v8, v25;
	v33 =	vld.idx.msk [tilespmem:v62+s11+$0x0], $0xffff;
	[tilespmem:s21+$0x7E70] =	vst v43  }
0xf0: {  	v58 =	vadd.s32 v7, v19;
	v44 =	vld.idx.msk [tilespmem:v54+s9+$0x0], $0xffff;
	[tilespmem:s21+$0x77F0] =	vst v37  }
0xf1: {  	v53 =	vadd.s32 v8, v30;
	[tilespmem:s21+$0x7D30] =	vst v40;
	v34 =	vld.idx.msk [tilespmem:v55+s11+$0x0], $0xffff  }
0xf2: {  	v61 =	vadd.s32 v8, v21;
	[tilespmem:s21+$0x76F0] =	vst v36;
	v43 =	vld.idx.msk [tilespmem:v59+s9+$0x0], $0xffff  }
0xf3: {  	v62 =	vadd.s32 v8, v28;
	v36 =	vld.idx.msk [tilespmem:v50+s11+$0x0], $0xffff;
	[tilespmem:s21+$0x7CF0] =	vst v39  }
0xf4: {  	v51 =	vadd.s32 v4, v18;
	[tilespmem:s21+$0x7F60] =	vst v35;
	v39 =	vld.idx.msk [tilespmem:v56+s9+$0x0], $0xffff  }
0xf5: {  	v57 =	vadd.s32 v8, v29;
	[tilespmem:s21+$0x7DF0] =	vst v33;
	v48 =	vld.idx.msk [tilespmem:v58+s9+$0x0], $0xffff  }
0xf6: {  	v63 =	vadd.s32 v8, v22;
	v38 =	vld.idx.msk [tilespmem:v53+s9+$0x0], $0xffff;
	[tilespmem:s21+$0x7A00] =	vst v44  }
0xf7: {  	v50 =	vadd.s32 v7, v20;
	v42 =	vld.idx.msk [tilespmem:v61+s11+$0x0], $0xffff;
	[tilespmem:s21+$0x7FF0] =	vst v34  }
0xf8: {  	v60 =	vadd.s32 v8, v23;
	[tilespmem:s21+$0x7540] =	vst v43;
	v35 =	vld.idx.msk [tilespmem:v62+s9+$0x0], $0xffff  }
0xf9: {  	v53 =	vadd.s32 v9, v26;
	[tilespmem:s21+$0x7EF0] =	vst v36;
	v43 =	vld.idx.msk [tilespmem:v51+s11+$0x0], $0xffff  }
0xfa: {  	v54 =	vadd.s32 v8, v27;
	v33 =	vld.idx.msk [tilespmem:v57+s9+$0x0], $0xffff;
	[tilespmem:s21+$0x7880] =	vst v39  }
0xfb: {  	v58 =	vadd.s32 v5, v31;
	[tilespmem:s21+$0x7770] =	vst v48;
	v36 =	vld.idx.msk [tilespmem:v63+s11+$0x0], $0xffff  }
0xfc: {  	v49 =	vadd.s32 v8, v24;
	[tilespmem:s21+$0x7980] =	vst v38;
	v38 =	vld.idx.msk [tilespmem:v50+s11+$0x0], $0xffff  }
0xfd: {  	v55 =	vadd.s32 v9, v25;
	v37 =	vld.idx.msk [tilespmem:v60+s11+$0x0], $0xffff;
	[tilespmem:s21+$0x8200] =	vst v42  }
0xfe: {  	v57 =	vadd.s32 v8, v19;
	v39 =	vld.idx.msk [tilespmem:v53+s9+$0x0], $0xffff;
	[tilespmem:s21+$0x7B80] =	vst v35  }
0xff: {  	v52 =	vadd.s32 v9, v30;
	[tilespmem:s21+$0x7D40] =	vst v43;
	v60 =	vld.idx.msk [tilespmem:v54+s11+$0x0], $0xffff  }
0x100: {  	v62 =	vadd.s32 v9, v21;
	[tilespmem:s21+$0x7A80] =	vst v33;
	v43 =	vld.idx.msk [tilespmem:v58+s9+$0x0], $0xffff  }
0x101: {  	v63 =	vadd.s32 v9, v28;
	v33 =	vld.idx.msk [tilespmem:v49+s11+$0x0], $0xffff;
	[tilespmem:s21+$0x8080] =	vst v36  }
0x102: {  	v51 =	vadd.s32 v5, v18;
	[tilespmem:s21+$0x7F70] =	vst v38;
	v61 =	vld.idx.msk [tilespmem:v55+s9+$0x0], $0xffff  }
0x103: {  	v56 =	vadd.s32 v9, v29;
	[tilespmem:s21+$0x8180] =	vst v37;
	v42 =	vld.idx.msk [tilespmem:v57+s9+$0x0], $0xffff  }
0x104: {  	v48 =	vadd.s32 v9, v22;
	v34 =	vld.idx.msk [tilespmem:v52+s9+$0x0], $0xffff;
	[tilespmem:s21+$0x7A10] =	vst v39  }
0x105: {  	v50 =	vadd.s32 v8, v20;
	v41 =	vld.idx.msk [tilespmem:v62+s11+$0x0], $0xffff;
	[tilespmem:s21+$0x8380] =	vst v60  }
0x106: {  	v59 =	vadd.s32 v9, v23;
	[tilespmem:s21+$0x7550] =	vst v43;
	v37 =	vld.idx.msk [tilespmem:v63+s9+$0x0], $0xffff  }
0x107: {  	v53 =	vadd.s32 v10, v26;
	[tilespmem:s21+$0x8280] =	vst v33;
	v43 =	vld.idx.msk [tilespmem:v51+s11+$0x0], $0xffff  }
0x108: {  	v54 =	vadd.s32 v9, v27;
	v33 =	vld.idx.msk [tilespmem:v56+s9+$0x0], $0xffff;
	[tilespmem:s21+$0x7890] =	vst v61  }
0x109: {  	v58 =	vadd.s32 v6, v31;
	[tilespmem:s21+$0x7B00] =	vst v42;
	v38 =	vld.idx.msk [tilespmem:v48+s11+$0x0], $0xffff  }
0x10a: {  	v49 =	vadd.s32 v9, v24;
	[tilespmem:s21+$0x7990] =	vst v34;
	v39 =	vld.idx.msk [tilespmem:v50+s11+$0x0], $0xffff  }
0x10b: {  	v55 =	vadd.s32 v10, v25;
	v35 =	vld.idx.msk [tilespmem:v59+s11+$0x0], $0xffff;
	[tilespmem:s21+$0x8210] =	vst v41  }
0x10c: {  	v57 =	vadd.s32 v9, v19;
	v40 =	vld.idx.msk [tilespmem:v53+s9+$0x0], $0xffff;
	[tilespmem:s21+$0x7B90] =	vst v37  }
0x10d: {  	v52 =	vadd.s32 v10, v30;
	[tilespmem:s21+$0x7D50] =	vst v43;
	v34 =	vld.idx.msk [tilespmem:v54+s11+$0x0], $0xffff  }
0x10e: {  	v60 =	vadd.s32 v10, v21;
	[tilespmem:s21+$0x7A90] =	vst v33;
	v43 =	vld.idx.msk [tilespmem:v58+s9+$0x0], $0xffff  }
0x10f: {  	v61 =	vadd.s32 v10, v28;
	v33 =	vld.idx.msk [tilespmem:v49+s11+$0x0], $0xffff;
	[tilespmem:s21+$0x8090] =	vst v38  }
0x110: {  	v56 =	vadd.s32 v10, v29;
	[tilespmem:s21+$0x8300] =	vst v39;
	v38 =	vld.idx.msk [tilespmem:v55+s9+$0x0], $0xffff  }
0x111: {  	v49 =	vadd.s32 v6, v18;
	[tilespmem:s21+$0x8190] =	vst v35;
	v41 =	vld.idx.msk [tilespmem:v57+s9+$0x0], $0xffff  }
0x112: {  	v62 =	vadd.s32 v10, v22;
	v36 =	vld.idx.msk [tilespmem:v52+s9+$0x0], $0xffff;
	[tilespmem:s21+$0x7A20] =	vst v40  }
0x113: {  	v48 =	vadd.s32 v9, v20;
	v42 =	vld.idx.msk [tilespmem:v60+s11+$0x0], $0xffff;
	[tilespmem:s21+$0x8390] =	vst v34  }
0x114: {  	v59 =	vadd.s32 v10, v23;
	[tilespmem:s21+$0x8290] =	vst v33;
	v35 =	vld.idx.msk [tilespmem:v61+s9+$0x0], $0xffff  }
0x115: {  	v51 =	vadd.s32 v11, v26;
	[tilespmem:s21+$0x7560] =	vst v43;
	v33 =	vld.idx.msk [tilespmem:v56+s9+$0x0], $0xffff  }
0x116: {  	v63 =	vadd.s32 v10, v24;
	v43 =	vld.idx.msk [tilespmem:v49+s11+$0x0], $0xffff;
	[tilespmem:s21+$0x78A0] =	vst v38  }
0x117: {  	v52 =	vadd.s32 v10, v27;
	[tilespmem:s21+$0x7B10] =	vst v41;
	v38 =	vld.idx.msk [tilespmem:v62+s11+$0x0], $0xffff  }
0x118: {  	v56 =	vadd.s32 v7, v31;
	[tilespmem:s21+$0x79A0] =	vst v36;
	v40 =	vld.idx.msk [tilespmem:v48+s11+$0x0], $0xffff  }
0x119: {  	v53 =	vadd.s32 v11, v25;
	v37 =	vld.idx.msk [tilespmem:v59+s11+$0x0], $0xffff;
	[tilespmem:s21+$0x8220] =	vst v42  }
0x11a: {  	v50 =	vadd.s32 v11, v30;
	v39 =	vld.idx.msk [tilespmem:v51+s9+$0x0], $0xffff;
	[tilespmem:s21+$0x7AA0] =	vst v33  }
0x11b: {  	v55 =	vadd.s32 v10, v19;
	[tilespmem:s21+$0x7BA0] =	vst v35;
	v33 =	vld.idx.msk [tilespmem:v63+s11+$0x0], $0xffff  }
0x11c: {  	v54 =	vadd.s32 v11, v29;
	[tilespmem:s21+$0x7D60] =	vst v43;
	v36 =	vld.idx.msk [tilespmem:v52+s11+$0x0], $0xffff  }
0x11d: {  	v58 =	vadd.s32 v11, v21;
	v43 =	vld.idx.msk [tilespmem:v56+s9+$0x0], $0xffff;
	[tilespmem:s21+$0x80A0] =	vst v38  }
0x11e: {  	v59 =	vadd.s32 v11, v28;
	[tilespmem:s21+$0x81A0] =	vst v37;
	v38 =	vld.idx.msk [tilespmem:v53+s9+$0x0], $0xffff  }
0x11f: {  	v45 =	vadd.s32 v7, v18;
	[tilespmem:s21+$0x8310] =	vst v40;
	v34 =	vld.idx.msk [tilespmem:v50+s9+$0x0], $0xffff  }
0x120: {  	v57 =	vadd.s32 v11, v23;
	v42 =	vld.idx.msk [tilespmem:v55+s9+$0x0], $0xffff;
	[tilespmem:s21+$0x82A0] =	vst v33  }
0x121: {  	v60 =	vadd.s32 v11, v22;
	[tilespmem:s21+$0x7A30] =	vst v39;
	v33 =	vld.idx.msk [tilespmem:v54+s9+$0x0], $0xffff  }
0x122: {  	v61 =	vadd.s32 v11, v24;
	v41 =	vld.idx.msk [tilespmem:v58+s11+$0x0], $0xffff;
	[tilespmem:s21+$0x83A0] =	vst v36  }
0x123: {  	v62 =	vadd.s32 v10, v20;
	[tilespmem:s21+$0x7570] =	vst v43;
	v47 =	vld.idx.msk [tilespmem:v59+s9+$0x0], $0xffff  }
0x124: {  	v50 =	vadd.s32 v12, v26;
	v40 =	vld.idx.msk [tilespmem:v45+s11+$0x0], $0xffff;
	[tilespmem:s21+$0x79B0] =	vst v34  }
0x125: {  	v63 =	vadd.s32 v11, v27;
	[tilespmem:s21+$0x78B0] =	vst v38;
	v35 =	vld.idx.msk [tilespmem:v57+s11+$0x0], $0xffff  }
0x126: {  	v46 =	vadd.s32 v12, v30;
	v49 =	vld.idx.msk [tilespmem:v60+s11+$0x0], $0xffff;
	[tilespmem:s21+$0x7AB0] =	vst v33  }
0x127: {  	v52 =	vadd.s32 v12, v25;
	[tilespmem:s21+$0x7B20] =	vst v42;
	v51 =	vld.idx.msk [tilespmem:v61+s11+$0x0], $0xffff  }
0x128: {  	v48 =	vadd.s32 v12, v29;
	v39 =	vadd.s32 v9, v18;
	v44 =	vld.idx.msk [tilespmem:v62+s11+$0x0], $0xffff;
	[tilespmem:s21+$0x8230] =	vst v41  }
0x129: {  	v36 =	vadd.s32 v8, v18;
	v38 =	vadd.s32 v10, v18;
	v41 =	vld.idx.msk [tilespmem:v50+s9+$0x0], $0xffff;
	[tilespmem:s21+$0x7BB0] =	vst v47  }
0x12a: {  	v42 =	vadd.s32 v8, v31;
	v47 =	vadd.s32 v11, v19;
	v43 =	vld.idx.msk [tilespmem:v63+s11+$0x0], $0xffff;
	[tilespmem:s21+$0x81B0] =	vst v35  }
0x12b: {  	v34 =	vadd.s32 v12, v18;
	v33 =	vadd.s32 v12, v28;
	[tilespmem:s21+$0x80B0] =	vst v49;
	v37 =	vld.idx.msk [tilespmem:v46+s9+$0x0], $0xffff  }
0x12c: {  	s22 =	simm.s32 $0x8;
	v35 =	vadd.s32 v11, v18;
	v45 =	vld.idx.msk [tilespmem:v52+s9+$0x0], $0xffff;
	v46 =	vadd.s32 v12, v23;
	[tilespmem:s21+$0x82B0] =	vst v51  }
.LBB2_5:
0x12d: {  	s24 =	sor.u32 s20, s22  }
0x12e: {  	p1 =	slt.u32 s22, $0x38;
	v49 =	vadd.s32 v13, v30;
	v50 =	vadd.s32 v12, v21;
	v48 =	vld.idx.msk [tilespmem:v48+s9+$0x0], $0xffff;
	[tilespmem:s21+$0x8320] =	vst v44;
	s23 =	smov.u32 s22;
	s22 =	sadd.s32 $0x8, s22  }
0x12f: {  	v51 =	vadd.s32 v12, v22;
	v52 =	vadd.s32 v12, v24;
	v44 =	vmov s24;
	s25 =	sor.u32 $0x1, s24;
	s26 =	sor.u32 $0x2, s24;
	s28 =	sor.u32 $0x5, s24;
	[tilespmem:s21+$0x7D70] =	vst v40;
	v47 =	vld.idx.msk [tilespmem:v47+s9+$0x0], $0xffff  }
0x130: {  	v40 =	vand.u32 $0xFFFFFFF8, v44;
	v44 =	vmov s25;
	v53 =	vmov s26;
	s25 =	sor.u32 $0x4, s24;
	s26 =	sor.u32 $0x6, s24;
	v54 =	vld.idx.msk [tilespmem:v42+s9+$0x0], $0xffff;
	[tilespmem:s21+$0x79C0] =	vst v37  }
0x131: {  	s29 =	sor.u32 $0x3, s24;
	v55 =	vbroadcast v40, $0x0;
	v42 =	vand.u32 $0xFFFFFFF9, v44;
	v40 =	vand.u32 $0xFFFFFFFA, v53;
	v46 =	vld.idx.msk [tilespmem:v46+s11+$0x0], $0xffff;
	[tilespmem:s21+$0x7A40] =	vst v41  }
0x132: {  	v37 =	vmov s29;
	v41 =	vmov s25;
	v53 =	vmov s26;
	[tilespmem:s21+$0x83B0] =	vst v43  }
0x133: {  	v44 =	vand.u32 $0xFFFFFFFB, v37;
	v37 =	vmov s28;
	v43 =	vand.u32 $0xFFFFFFFC, v41;
	[tilespmem:s21+$0x78C0] =	vst v45;
	v45 =	vld.idx.msk [tilespmem:v33+s9+$0x0], $0xffff  }
0x134: {  	v41 =	vand.u32 $0xFFFFFFFD, v37;
	v33 =	vand.u32 $0xFFFFFFFE, v53;
	v51 =	vld.idx.msk [tilespmem:v51+s11+$0x0], $0xffff;
	[tilespmem:s21+$0x7AC0] =	vst v48  }
0x135: {  	v48 =	vld.idx.msk [tilespmem:v52+s11+$0x0], $0xffff;
	[tilespmem:s21+$0x7B30] =	vst v47;
	v47 =	vadd.s32 v12, v27  }
0x136: {  	v52 =	vadd.s32 v13, v25;
	[tilespmem:s21+$0x7900] =	vst v54;
	v50 =	vld.idx.msk [tilespmem:v50+s11+$0x0], $0xffff  }
0x137: {  	v37 =	vld.idx.msk [tilespmem:v55+s2+$0x0], $0xffff;
	[tilespmem:s21+$0x81C0] =	vst v46;
	v46 =	vadd.s32 v13, v29  }
0x138: {  	v53 =	vadd.s32 v13, v26;
	v49 =	vld.idx.msk [tilespmem:v49+s9+$0x0], $0xffff  }
0x139: {  	v54 =	vld.idx.msk [tilespmem:v36+s11+$0x0], $0xffff;
	[tilespmem:s21+$0x7BC0] =	vst v45  }
0x13a: {  	v45 =	vadd.s32 v13, v23;
	[tilespmem:s21+$0x80C0] =	vst v51;
	v47 =	vld.idx.msk [tilespmem:v47+s11+$0x0], $0xffff  }
0x13b: {  	v51 =	vld.idx.msk [tilespmem:v52+s9+$0x0], $0xffff;
	v52 =	vadd.s32 v9, v31;
	[tilespmem:s21+$0x82C0] =	vst v48  }
0x13c: {  	v48 =	vadd.s32 v13, v28;
	[tilespmem:s21+$0x8240] =	vst v50;
	v46 =	vld.idx.msk [tilespmem:v46+s9+$0x0], $0xffff  }
0x13d: {  	v50 =	vadd.s32 v0, v37;
	v53 =	vld.idx.msk [tilespmem:v53+s9+$0x0], $0xffff  }
0x13e: {  	v36 =	vld.idx.msk [tilespmem:v55+s12+$0x0], $0xffff;
	[tilespmem:s21+$0x79D0] =	vst v49;
	v49 =	vadd.s32 v13, v24  }
0x13f: {  	v55 =	vadd.s32 v13, v22;
	[tilespmem:s21+$0x8100] =	vst v54;
	v45 =	vld.idx.msk [tilespmem:v45+s11+$0x0], $0xffff  }
0x140: {  	v54 =	vadd.s32 v13, v21;
	v52 =	vld.idx.msk [tilespmem:v52+s9+$0x0], $0xffff;
	[tilespmem:s21+$0x83C0] =	vst v47  }
0x141: {  	v47 =	vadd.s32 v14, v30;
	[tilespmem:s21+$0x78D0] =	vst v51;
	v48 =	vld.idx.msk [tilespmem:v48+s9+$0x0], $0xffff  }
0x142: {  	v50 =	vld.idx.msk [tilespmem:v50+s9+$0x0], $0xffff;
	[tilespmem:s21+$0x7AD0] =	vst v46  }
0x143: {  	[tilespmem:s21+$0x7A50] =	vst v53;
	v46 =	vld.idx.msk [tilespmem:v49+s11+$0x0], $0xffff;
	v49 =	vadd.s32 v13, v27  }
0x144: {  	v51 =	vadd.s32 v0, v36;
	v53 =	vld.idx.msk [tilespmem:v55+s11+$0x0], $0xffff  }
0x145: {  	[tilespmem:s21+$0x81D0] =	vst v45;
	v45 =	vld.idx.msk [tilespmem:v54+s11+$0x0], $0xffff;
	v54 =	vadd.s32 v14, v29  }
0x146: {  	s23 =	sshll.u32 s23, $0x9;
	v55 =	vadd.s32 v14, v25;
	[tilespmem:s21+$0x7910] =	vst v52;
	v47 =	vld.idx.msk [tilespmem:v47+s9+$0x0], $0xffff  }
0x147: {  	s23 =	sand.u32 $0x3FFFFE00, s23;
	v52 =	vadd.s32 v14, v26;
	v39 =	vld.idx.msk [tilespmem:v39+s11+$0x0], $0xffff;
	[tilespmem:s21+$0x7BD0] =	vst v48  }
0x148: {  	v48 =	vadd.s32 v14, v23;
	[tilespmem:s23+$0x7400] =	vst v50;
	v49 =	vld.idx.msk [tilespmem:v49+s11+$0x0], $0xffff  }
0x149: {  	v50 =	vld.idx.msk [tilespmem:v51+s11+$0x0], $0xffff;
	v51 =	vadd.s32 v10, v31;
	[tilespmem:s21+$0x82D0] =	vst v46  }
0x14a: {  	[tilespmem:s21+$0x80D0] =	vst v53;
	v46 =	vld.idx.msk [tilespmem:v54+s9+$0x0], $0xffff;
	v53 =	vadd.s32 v14, v28  }
0x14b: {  	v54 =	vadd.s32 v1, v37;
	v55 =	vld.idx.msk [tilespmem:v55+s9+$0x0], $0xffff;
	[tilespmem:s21+$0x8250] =	vst v45  }
0x14c: {  	[tilespmem:s21+$0x79E0] =	vst v47;
	v45 =	vld.idx.msk [tilespmem:v52+s9+$0x0], $0xffff;
	v47 =	vadd.s32 v14, v24  }
0x14d: {  	v52 =	vadd.s32 v14, v22;
	[tilespmem:s21+$0x8110] =	vst v39;
	v39 =	vld.idx.msk [tilespmem:v48+s11+$0x0], $0xffff  }
0x14e: {  	v48 =	vld.idx.msk [tilespmem:v51+s9+$0x0], $0xffff;
	v51 =	vadd.s32 v14, v21;
	[tilespmem:s21+$0x83D0] =	vst v49  }
0x14f: {  	v30 =	vadd.s32 v15, v30;
	[tilespmem:s23+$0x7C00] =	vst v50;
	v49 =	vld.idx.msk [tilespmem:v53+s9+$0x0], $0xffff  }
0x150: {  	v50 =	vld.idx.msk [tilespmem:v54+s9+$0x0], $0xffff;
	[tilespmem:s21+$0x7AE0] =	vst v46  }
0x151: {  	[tilespmem:s21+$0x78E0] =	vst v55;
	v46 =	vld.idx.msk [tilespmem:v47+s11+$0x0], $0xffff;
	v47 =	vadd.s32 v14, v27  }
0x152: {  	v53 =	vadd.s32 v1, v36;
	v52 =	vld.idx.msk [tilespmem:v52+s11+$0x0], $0xffff;
	[tilespmem:s21+$0x7A60] =	vst v45  }
0x153: {  	v29 =	vadd.s32 v15, v29;
	[tilespmem:s21+$0x81E0] =	vst v39;
	v39 =	vld.idx.msk [tilespmem:v51+s11+$0x0], $0xffff  }
0x154: {  	v25 =	vadd.s32 v15, v25;
	[tilespmem:s21+$0x7920] =	vst v48;
	v30 =	vld.idx.msk [tilespmem:v30+s9+$0x0], $0xffff  }
0x155: {  	v26 =	vadd.s32 v15, v26;
	v38 =	vld.idx.msk [tilespmem:v38+s11+$0x0], $0xffff;
	[tilespmem:s21+$0x7BE0] =	vst v49  }
0x156: {  	v23 =	vadd.s32 v15, v23;
	[tilespmem:s23+$0x7410] =	vst v50;
	v45 =	vld.idx.msk [tilespmem:v47+s11+$0x0], $0xffff  }
0x157: {  	v48 =	vadd.s32 v11, v31;
	v47 =	vld.idx.msk [tilespmem:v53+s11+$0x0], $0xffff;
	[tilespmem:s21+$0x82E0] =	vst v46  }
0x158: {  	v28 =	vadd.s32 v15, v28;
	[tilespmem:s21+$0x80E0] =	vst v52;
	v29 =	vld.idx.msk [tilespmem:v29+s9+$0x0], $0xffff  }
0x159: {  	v46 =	vadd.s32 v2, v37;
	v25 =	vld.idx.msk [tilespmem:v25+s9+$0x0], $0xffff;
	[tilespmem:s21+$0x8260] =	vst v39  }
0x15a: {  	v24 =	vadd.s32 v15, v24;
	[tilespmem:s21+$0x79F0] =	vst v30;
	v26 =	vld.idx.msk [tilespmem:v26+s9+$0x0], $0xffff  }
0x15b: {  	v22 =	vadd.s32 v15, v22;
	[tilespmem:s21+$0x8120] =	vst v38;
	v23 =	vld.idx.msk [tilespmem:v23+s11+$0x0], $0xffff  }
0x15c: {  	v21 =	vadd.s32 v15, v21;
	v30 =	vld.idx.msk [tilespmem:v48+s9+$0x0], $0xffff;
	[tilespmem:s21+$0x83E0] =	vst v45  }
0x15d: {  	v38 =	vadd.s32 v11, v20;
	[tilespmem:s23+$0x7C10] =	vst v47;
	v28 =	vld.idx.msk [tilespmem:v28+s9+$0x0], $0xffff  }
0x15e: {  	v45 =	vadd.s32 v7, v16;
	v39 =	vld.idx.msk [tilespmem:v46+s9+$0x0], $0xffff;
	[tilespmem:s21+$0x7AF0] =	vst v29  }
0x15f: {  	[tilespmem:s21+$0x78F0] =	vst v25;
	v24 =	vld.idx.msk [tilespmem:v24+s11+$0x0], $0xffff;
	v25 =	vadd.s32 v15, v27  }
0x160: {  	v27 =	vadd.s32 v2, v36;
	v22 =	vld.idx.msk [tilespmem:v22+s11+$0x0], $0xffff;
	[tilespmem:s21+$0x7A70] =	vst v26  }
0x161: {  	[tilespmem:s21+$0x7470] =	vst v32;
	v21 =	vld.idx.msk [tilespmem:v21+s11+$0x0], $0xffff  }
0x162: {  	[tilespmem:s21+$0x7930] =	vst v30;
	v26 =	vld.idx.msk [tilespmem:v38+s11+$0x0], $0xffff  }
0x163: {  	v29 =	vld.idx.msk [tilespmem:v45+s11+$0x0], $0xffff;
	[tilespmem:s21+$0x7BF0] =	vst v28  }
0x164: {  	v28 =	vadd.s32 v12, v19;
	[tilespmem:s23+$0x7420] =	vst v39;
	v25 =	vld.idx.msk [tilespmem:v25+s11+$0x0], $0xffff  }
0x165: {  	v30 =	vadd.s32 v8, v17;
	v27 =	vld.idx.msk [tilespmem:v27+s11+$0x0], $0xffff;
	[tilespmem:s21+$0x82F0] =	vst v24  }
0x166: {  	[tilespmem:s21+$0x80F0] =	vst v22;
	v22 =	vld.idx.msk [tilespmem:v35+s11+$0x0], $0xffff  }
0x167: {  	v24 =	vadd.s32 v3, v37;
	[tilespmem:s21+$0x8270] =	vst v21  }
0x168: {  	v21 =	vadd.s32 v12, v31;
	[tilespmem:s21+$0x8330] =	vst v26  }
0x169: {  	[tilespmem:s21+$0x7C70] =	vst v29;
	v26 =	vld.idx.msk [tilespmem:v28+s9+$0x0], $0xffff  }
0x16a: {  	v28 =	vld.idx.msk [tilespmem:v30+s9+$0x0], $0xffff;
	[tilespmem:s21+$0x83F0] =	vst v25  }
0x16b: {  	v25 =	vadd.s32 v12, v20;
	[tilespmem:s23+$0x7C20] =	vst v27  }
0x16c: {  	v27 =	vadd.s32 v8, v16;
	v24 =	vld.idx.msk [tilespmem:v24+s9+$0x0], $0xffff;
	[tilespmem:s21+$0x8130] =	vst v22  }
0x16d: {  	v21 =	vld.idx.msk [tilespmem:v21+s9+$0x0], $0xffff;
	[tilespmem:s21+$0x81F0] =	vst v23  }
0x16e: {  	v22 =	vadd.s32 v3, v36  }
0x16f: {  	[tilespmem:s21+$0x7B40] =	vst v26  }
0x170: {  	[tilespmem:s21+$0x7800] =	vst v28;
	v23 =	vld.idx.msk [tilespmem:v25+s11+$0x0], $0xffff  }
0x171: {  	v25 =	vld.idx.msk [tilespmem:v27+s11+$0x0], $0xffff  }
0x172: {  	[tilespmem:s23+$0x7430] =	vst v24;
	v24 =	vadd.s32 v13, v19  }
0x173: {  	v26 =	vadd.s32 v9, v17;
	v22 =	vld.idx.msk [tilespmem:v22+s11+$0x0], $0xffff;
	[tilespmem:s21+$0x7940] =	vst v21  }
0x174: {  	v21 =	vld.idx.msk [tilespmem:v34+s11+$0x0], $0xffff  }
0x175: {  	v27 =	vadd.s32 v4, v37  }
0x176: {  	v28 =	vadd.s32 v13, v31;
	[tilespmem:s21+$0x8340] =	vst v23  }
0x177: {  	[tilespmem:s21+$0x8000] =	vst v25;
	v23 =	vld.idx.msk [tilespmem:v24+s9+$0x0], $0xffff  }
0x178: {  	v24 =	vld.idx.msk [tilespmem:v26+s9+$0x0], $0xffff  }
0x179: {  	[tilespmem:s23+$0x7C30] =	vst v22;
	v22 =	vadd.s32 v13, v20  }
0x17a: {  	v26 =	vadd.s32 v9, v16;
	v25 =	vld.idx.msk [tilespmem:v27+s9+$0x0], $0xffff;
	[tilespmem:s21+$0x8140] =	vst v21  }
0x17b: {  	v21 =	vld.idx.msk [tilespmem:v28+s9+$0x0], $0xffff  }
0x17c: {  	v27 =	vadd.s32 v4, v36  }
0x17d: {  	v28 =	vadd.s32 v13, v18;
	[tilespmem:s21+$0x7B50] =	vst v23  }
0x17e: {  	[tilespmem:s21+$0x7810] =	vst v24;
	v22 =	vld.idx.msk [tilespmem:v22+s11+$0x0], $0xffff  }
0x17f: {  	v23 =	vld.idx.msk [tilespmem:v26+s11+$0x0], $0xffff  }
0x180: {  	v24 =	vadd.s32 v14, v19;
	[tilespmem:s23+$0x7440] =	vst v25  }
0x181: {  	v26 =	vadd.s32 v10, v17;
	v25 =	vld.idx.msk [tilespmem:v27+s11+$0x0], $0xffff;
	[tilespmem:s21+$0x7950] =	vst v21  }
0x182: {  	v21 =	vld.idx.msk [tilespmem:v28+s11+$0x0], $0xffff  }
0x183: {  	v27 =	vadd.s32 v5, v37  }
0x184: {  	v28 =	vadd.s32 v14, v31;
	[tilespmem:s21+$0x8350] =	vst v22  }
0x185: {  	[tilespmem:s21+$0x8010] =	vst v23;
	v22 =	vld.idx.msk [tilespmem:v24+s9+$0x0], $0xffff  }
0x186: {  	v23 =	vld.idx.msk [tilespmem:v26+s9+$0x0], $0xffff  }
0x187: {  	v24 =	vadd.s32 v14, v20;
	[tilespmem:s23+$0x7C40] =	vst v25  }
0x188: {  	v26 =	vadd.s32 v10, v16;
	v25 =	vld.idx.msk [tilespmem:v27+s9+$0x0], $0xffff;
	[tilespmem:s21+$0x8150] =	vst v21  }
0x189: {  	v21 =	vld.idx.msk [tilespmem:v28+s9+$0x0], $0xffff  }
0x18a: {  	v27 =	vadd.s32 v5, v36  }
0x18b: {  	v28 =	vadd.s32 v14, v18;
	[tilespmem:s21+$0x7B60] =	vst v22  }
0x18c: {  	[tilespmem:s21+$0x7820] =	vst v23;
	v22 =	vld.idx.msk [tilespmem:v24+s11+$0x0], $0xffff  }
0x18d: {  	v23 =	vld.idx.msk [tilespmem:v26+s11+$0x0], $0xffff  }
0x18e: {  	v19 =	vadd.s32 v15, v19;
	[tilespmem:s23+$0x7450] =	vst v25  }
0x18f: {  	v25 =	vadd.s32 v11, v17;
	v24 =	vld.idx.msk [tilespmem:v27+s11+$0x0], $0xffff;
	[tilespmem:s21+$0x7960] =	vst v21  }
0x190: {  	v21 =	vld.idx.msk [tilespmem:v28+s11+$0x0], $0xffff  }
0x191: {  	v26 =	vadd.s32 v6, v37  }
0x192: {  	v27 =	vadd.s32 v15, v31;
	[tilespmem:s21+$0x8360] =	vst v22  }
0x193: {  	[tilespmem:s21+$0x8020] =	vst v23;
	v19 =	vld.idx.msk [tilespmem:v19+s9+$0x0], $0xffff  }
0x194: {  	v22 =	vld.idx.msk [tilespmem:v25+s9+$0x0], $0xffff  }
0x195: {  	v20 =	vadd.s32 v15, v20;
	[tilespmem:s23+$0x7C50] =	vst v24  }
0x196: {  	v24 =	vadd.s32 v11, v16;
	v23 =	vld.idx.msk [tilespmem:v26+s9+$0x0], $0xffff;
	[tilespmem:s21+$0x8160] =	vst v21  }
0x197: {  	v21 =	vld.idx.msk [tilespmem:v27+s9+$0x0], $0xffff  }
0x198: {  	v25 =	vadd.s32 v6, v36;
	v27 =	vbroadcast v42, $0x0  }
0x199: {  	v31 =	vbroadcast v40, $0x0;
	[tilespmem:s21+$0x7B70] =	vst v19  }
0x19a: {  	v19 =	vbroadcast v44, $0x0;
	[tilespmem:s21+$0x7830] =	vst v22;
	v20 =	vld.idx.msk [tilespmem:v20+s11+$0x0], $0xffff  }
0x19b: {  	v22 =	vbroadcast v43, $0x0;
	v24 =	vld.idx.msk [tilespmem:v24+s11+$0x0], $0xffff  }
0x19c: {  	[tilespmem:s23+$0x7460] =	vst v23  }
0x19d: {  	v32 =	vld.idx.msk [tilespmem:v25+s11+$0x0], $0xffff;
	[tilespmem:s21+$0x7970] =	vst v21  }
0x19e: {  	v28 =	vadd.s32 v12, v17;
	v23 =	vbroadcast v41, $0x0;
	v25 =	vld.idx.msk [tilespmem:v27+s2+$0x0], $0xffff  }
0x19f: {  	v48 =	vld.idx.msk [tilespmem:v31+s12+$0x0], $0xffff  }
0x1a0: {  	v30 =	vld.idx.msk [tilespmem:v19+s2+$0x0], $0xffff;
	[tilespmem:s21+$0x8370] =	vst v20  }
0x1a1: {  	v26 =	vld.idx.msk [tilespmem:v22+s2+$0x0], $0xffff;
	[tilespmem:s21+$0x8030] =	vst v24  }
0x1a2: {  	s24 =	sor.u32 $0x7, s24;
	v21 =	vld.idx.msk [tilespmem:v22+s12+$0x0], $0xffff  }
0x1a3: {  	v20 =	vmov s24;
	v38 =	vld.idx.msk [tilespmem:v28+s9+$0x0], $0xffff  }
0x1a4: {  	v34 =	vadd.s32 v0, v25;
	v46 =	vadd.s32 v2, v25;
	v29 =	vld.idx.msk [tilespmem:v23+s2+$0x0], $0xffff  }
0x1a5: {  	v22 =	vld.idx.msk [tilespmem:v27+s12+$0x0], $0xffff;
	v27 =	vadd.s32 v12, v16  }
0x1a6: {  	v39 =	vadd.s32 v0, v30;
	v24 =	vld.idx.msk [tilespmem:v23+s12+$0x0], $0xffff  }
0x1a7: {  	v45 =	vbroadcast v33, $0x0;
	v23 =	vld.idx.msk [tilespmem:v19+s12+$0x0], $0xffff;
	v19 =	vadd.s32 v0, v26  }
0x1a8: {  	v50 =	vadd.s32 v13, v17;
	v28 =	vld.idx.msk [tilespmem:v20+s2+$0x0], $0xffff  }
0x1a9: {  	v35 =	vadd.s32 v5, v48;
	v51 =	vld.idx.msk [tilespmem:v34+s9+$0x0], $0xffff;
	v34 =	vadd.s32 v6, v48;
	[tilespmem:s21+$0x7840] =	vst v38  }
0x1aa: {  	v52 =	vadd.s32 v0, v29;
	v49 =	vadd.s32 v4, v29;
	v44 =	vadd.s32 v5, v29;
	v53 =	vld.idx.msk [tilespmem:v27+s11+$0x0], $0xffff  }
0x1ab: {  	v42 =	vadd.s32 v6, v29;
	v40 =	vadd.s32 v7, v29;
	v54 =	vadd.s32 v0, v22;
	v55 =	vld.idx.msk [tilespmem:v39+s9+$0x0], $0xffff  }
0x1ac: {  	v47 =	vadd.s32 v4, v24;
	v43 =	vadd.s32 v5, v24;
	v38 =	vadd.s32 v8, v24;
	v56 =	vld.idx.msk [tilespmem:v19+s9+$0x0], $0xffff  }
0x1ad: {  	v41 =	vadd.s32 v6, v24;
	v39 =	vadd.s32 v7, v24;
	v57 =	vadd.s32 v0, v23;
	v19 =	vld.idx.msk [tilespmem:v45+s2+$0x0], $0xffff  }
0x1ae: {  	v58 =	vadd.s32 v0, v21;
	v33 =	vadd.s32 v12, v28;
	v27 =	vld.idx.msk [tilespmem:v20+s12+$0x0], $0xffff  }
0x1af: {  	[tilespmem:s23+$0x7480] =	vst v51;
	v20 =	vld.idx.msk [tilespmem:v52+s9+$0x0], $0xffff;
	v51 =	vadd.s32 v0, v28  }
0x1b0: {  	v52 =	vld.idx.msk [tilespmem:v54+s11+$0x0], $0xffff;
	[tilespmem:s21+$0x8040] =	vst v53  }
0x1b1: {  	v53 =	vadd.s32 v0, v24;
	[tilespmem:s23+$0x7580] =	vst v55;
	v50 =	vld.idx.msk [tilespmem:v50+s9+$0x0], $0xffff  }
0x1b2: {  	v54 =	vadd.s32 v1, v25;
	v55 =	vld.idx.msk [tilespmem:v57+s11+$0x0], $0xffff;
	[tilespmem:s23+$0x7600] =	vst v56  }
0x1b3: {  	v57 =	vadd.s32 v13, v16;
	v56 =	vld.idx.msk [tilespmem:v58+s11+$0x0], $0xffff  }
0x1b4: {  	v58 =	vadd.s32 v1, v30;
	v51 =	vld.idx.msk [tilespmem:v51+s9+$0x0], $0xffff  }
0x1b5: {  	v59 =	vadd.s32 v1, v26;
	[tilespmem:s23+$0x7680] =	vst v20;
	v20 =	vld.idx.msk [tilespmem:v45+s12+$0x0], $0xffff  }
0x1b6: {  	[tilespmem:s23+$0x7C80] =	vst v52;
	v52 =	vld.idx.msk [tilespmem:v53+s11+$0x0], $0xffff;
	v53 =	vadd.s32 v0, v27  }
0x1b7: {  	v60 =	vadd.s32 v0, v19;
	v54 =	vld.idx.msk [tilespmem:v54+s9+$0x0], $0xffff;
	[tilespmem:s21+$0x7850] =	vst v50  }
0x1b8: {  	v50 =	vadd.s32 v1, v29;
	[tilespmem:s23+$0x7D80] =	vst v55;
	v55 =	vld.idx.msk [tilespmem:v57+s11+$0x0], $0xffff  }
0x1b9: {  	v57 =	vadd.s32 v1, v22;
	v58 =	vld.idx.msk [tilespmem:v58+s9+$0x0], $0xffff;
	[tilespmem:s23+$0x7E00] =	vst v56  }
0x1ba: {  	v45 =	vadd.s32 v1, v48;
	v56 =	vld.idx.msk [tilespmem:v59+s9+$0x0], $0xffff;
	[tilespmem:s23+$0x7780] =	vst v51;
	v51 =	vadd.s32 v14, v17  }
0x1bb: {  	v59 =	vadd.s32 v1, v23;
	v53 =	vld.idx.msk [tilespmem:v53+s11+$0x0], $0xffff  }
0x1bc: {  	v61 =	vadd.s32 v1, v21;
	[tilespmem:s23+$0x7E80] =	vst v52;
	v52 =	vld.idx.msk [tilespmem:v60+s9+$0x0], $0xffff  }
0x1bd: {  	[tilespmem:s23+$0x7490] =	vst v54;
	v50 =	vld.idx.msk [tilespmem:v50+s9+$0x0], $0xffff;
	v54 =	vadd.s32 v1, v28  }
0x1be: {  	v60 =	vadd.s32 v0, v20;
	v57 =	vld.idx.msk [tilespmem:v57+s11+$0x0], $0xffff;
	[tilespmem:s21+$0x8050] =	vst v55  }
0x1bf: {  	v55 =	vadd.s32 v1, v24;
	[tilespmem:s23+$0x7590] =	vst v58;
	v51 =	vld.idx.msk [tilespmem:v51+s9+$0x0], $0xffff  }
0x1c0: {  	v58 =	vld.idx.msk [tilespmem:v59+s11+$0x0], $0xffff;
	[tilespmem:s23+$0x7610] =	vst v56  }
0x1c1: {  	v56 =	vld.idx.msk [tilespmem:v61+s11+$0x0], $0xffff;
	[tilespmem:s23+$0x7F80] =	vst v53;
	v53 =	vadd.s32 v14, v16  }
0x1c2: {  	v59 =	vadd.s32 v2, v30;
	[tilespmem:s23+$0x7700] =	vst v52;
	v52 =	vld.idx.msk [tilespmem:v54+s9+$0x0], $0xffff  }
0x1c3: {  	v54 =	vadd.s32 v2, v26;
	[tilespmem:s23+$0x7690] =	vst v50;
	v50 =	vld.idx.msk [tilespmem:v60+s11+$0x0], $0xffff  }
0x1c4: {  	[tilespmem:s23+$0x7C90] =	vst v57;
	v55 =	vld.idx.msk [tilespmem:v55+s11+$0x0], $0xffff;
	v57 =	vadd.s32 v1, v27  }
0x1c5: {  	v61 =	vadd.s32 v1, v19;
	v60 =	vld.idx.msk [tilespmem:v46+s9+$0x0], $0xffff;
	[tilespmem:s21+$0x7860] =	vst v51  }
0x1c6: {  	v51 =	vadd.s32 v2, v29;
	[tilespmem:s23+$0x7D90] =	vst v58;
	v53 =	vld.idx.msk [tilespmem:v53+s11+$0x0], $0xffff  }
0x1c7: {  	v58 =	vadd.s32 v2, v22;
	v59 =	vld.idx.msk [tilespmem:v59+s9+$0x0], $0xffff;
	[tilespmem:s23+$0x7E10] =	vst v56  }
0x1c8: {  	v46 =	vadd.s32 v2, v48;
	v54 =	vld.idx.msk [tilespmem:v54+s9+$0x0], $0xffff;
	[tilespmem:s23+$0x7790] =	vst v52;
	v52 =	vadd.s32 v15, v17;
	v17 =	vmov v37  }
0x1c9: {  	v37 =	vadd.s32 v2, v23;
	[tilespmem:s23+$0x7F00] =	vst v50;
	v50 =	vld.idx.msk [tilespmem:v57+s11+$0x0], $0xffff  }
0x1ca: {  	v56 =	vadd.s32 v2, v21;
	[tilespmem:s23+$0x7E90] =	vst v55;
	v55 =	vld.idx.msk [tilespmem:v61+s9+$0x0], $0xffff  }
0x1cb: {  	v57 =	vadd.s32 v2, v28;
	[tilespmem:s23+$0x74A0] =	vst v60;
	v51 =	vld.idx.msk [tilespmem:v51+s9+$0x0], $0xffff  }
0x1cc: {  	v60 =	vadd.s32 v1, v20;
	v58 =	vld.idx.msk [tilespmem:v58+s11+$0x0], $0xffff;
	[tilespmem:s21+$0x8060] =	vst v53  }
0x1cd: {  	v53 =	vadd.s32 v2, v24;
	[tilespmem:s23+$0x75A0] =	vst v59;
	v52 =	vld.idx.msk [tilespmem:v52+s9+$0x0], $0xffff  }
0x1ce: {  	v59 =	vadd.s32 v7, v17;
	v37 =	vld.idx.msk [tilespmem:v37+s11+$0x0], $0xffff;
	[tilespmem:s23+$0x7620] =	vst v54  }
0x1cf: {  	v54 =	vld.idx.msk [tilespmem:v56+s11+$0x0], $0xffff;
	[tilespmem:s23+$0x7F90] =	vst v50;
	v50 =	vadd.s32 v15, v16;
	v16 =	vmov v36  }
0x1d0: {  	v36 =	vadd.s32 v3, v30;
	[tilespmem:s23+$0x7710] =	vst v55;
	v55 =	vld.idx.msk [tilespmem:v57+s9+$0x0], $0xffff  }
0x1d1: {  	v56 =	vadd.s32 v3, v26;
	[tilespmem:s23+$0x76A0] =	vst v51;
	v51 =	vld.idx.msk [tilespmem:v60+s11+$0x0], $0xffff  }
0x1d2: {  	v57 =	vadd.s32 v2, v27;
	[tilespmem:s23+$0x7C60] =	vst v32;
	v53 =	vld.idx.msk [tilespmem:v53+s11+$0x0], $0xffff  }
0x1d3: {  	v32 =	vld.idx.msk [tilespmem:v59+s9+$0x0], $0xffff;
	v59 =	vadd.s32 v3, v25;
	[tilespmem:s21+$0x7870] =	vst v52  }
0x1d4: {  	[tilespmem:s23+$0x7DA0] =	vst v37;
	v37 =	vadd.s32 v3, v29;
	v50 =	vld.idx.msk [tilespmem:v50+s11+$0x0], $0xffff  }
0x1d5: {  	v52 =	vld.idx.msk [tilespmem:v36+s9+$0x0], $0xffff;
	[tilespmem:s23+$0x7E20] =	vst v54;
	v54 =	vadd.s32 v2, v19  }
0x1d6: {  	v36 =	vadd.s32 v3, v48;
	v56 =	vld.idx.msk [tilespmem:v56+s9+$0x0], $0xffff;
	[tilespmem:s23+$0x77A0] =	vst v55  }
0x1d7: {  	v55 =	vadd.s32 v3, v23;
	[tilespmem:s23+$0x7CA0] =	vst v58;
	v57 =	vld.idx.msk [tilespmem:v57+s11+$0x0], $0xffff  }
0x1d8: {  	v58 =	vld.idx.msk [tilespmem:v59+s9+$0x0], $0xffff;
	v59 =	vadd.s32 v3, v21;
	[tilespmem:s23+$0x7EA0] =	vst v53  }
0x1d9: {  	v37 =	vld.idx.msk [tilespmem:v37+s9+$0x0], $0xffff;
	[tilespmem:s23+$0x7F10] =	vst v51;
	v51 =	vadd.s32 v3, v28  }
0x1da: {  	v53 =	vadd.s32 v3, v22;
	v54 =	vld.idx.msk [tilespmem:v54+s9+$0x0], $0xffff;
	[tilespmem:s21+$0x8070] =	vst v50  }
0x1db: {  	v50 =	vadd.s32 v3, v24;
	v31 =	vld.idx.msk [tilespmem:v31+s2+$0x0], $0xffff;
	[tilespmem:s23+$0x75B0] =	vst v52  }
0x1dc: {  	v52 =	vld.idx.msk [tilespmem:v55+s11+$0x0], $0xffff;
	[tilespmem:s23+$0x7630] =	vst v56;
	v55 =	vadd.s32 v2, v20  }
0x1dd: {  	v56 =	vld.idx.msk [tilespmem:v59+s11+$0x0], $0xffff;
	[tilespmem:s23+$0x7FA0] =	vst v57;
	v57 =	vadd.s32 v15, v18;
	v18 =	vmov v48  }
0x1de: {  	v48 =	vadd.s32 v4, v30;
	[tilespmem:s23+$0x74B0] =	vst v58;
	v51 =	vld.idx.msk [tilespmem:v51+s9+$0x0], $0xffff  }
0x1df: {  	v58 =	vadd.s32 v4, v26;
	v53 =	vld.idx.msk [tilespmem:v53+s11+$0x0], $0xffff;
	[tilespmem:s23+$0x76B0] =	vst v37  }
0x1e0: {  	v37 =	vld.idx.msk [tilespmem:v50+s11+$0x0], $0xffff;
	[tilespmem:s23+$0x7720] =	vst v54;
	v50 =	vadd.s32 v3, v27  }
0x1e1: {  	v54 =	vadd.s32 v4, v25;
	v55 =	vld.idx.msk [tilespmem:v55+s11+$0x0], $0xffff  }
0x1e2: {  	[tilespmem:s23+$0x7DB0] =	vst v52;
	v52 =	vld.idx.msk [tilespmem:v57+s11+$0x0], $0xffff  }
0x1e3: {  	v57 =	vld.idx.msk [tilespmem:v48+s9+$0x0], $0xffff;
	[tilespmem:s23+$0x7E30] =	vst v56;
	v56 =	vadd.s32 v3, v19  }
0x1e4: {  	v59 =	vadd.s32 v0, v31;
	v48 =	vadd.s32 v4, v18;
	v58 =	vld.idx.msk [tilespmem:v58+s9+$0x0], $0xffff;
	[tilespmem:s23+$0x77B0] =	vst v51  }
0x1e5: {  	v51 =	vadd.s32 v4, v23;
	[tilespmem:s23+$0x7CB0] =	vst v53;
	v50 =	vld.idx.msk [tilespmem:v50+s11+$0x0], $0xffff  }
0x1e6: {  	v53 =	vld.idx.msk [tilespmem:v54+s9+$0x0], $0xffff;
	v54 =	vadd.s32 v4, v21;
	[tilespmem:s23+$0x7EB0] =	vst v37  }
0x1e7: {  	v37 =	vld.idx.msk [tilespmem:v49+s9+$0x0], $0xffff;
	[tilespmem:s23+$0x7F20] =	vst v55;
	v49 =	vadd.s32 v4, v28  }
0x1e8: {  	v55 =	vadd.s32 v4, v22;
	v56 =	vld.idx.msk [tilespmem:v56+s9+$0x0], $0xffff;
	[tilespmem:s21+$0x8170] =	vst v52;
	s21 =	smov.u32 s23  }
0x1e9: {  	v52 =	vld.idx.msk [tilespmem:v59+s9+$0x0], $0xffff;
	[tilespmem:s21+$0x75C0] =	vst v57  }
0x1ea: {  	v57 =	vadd.s32 v3, v20;
	v51 =	vld.idx.msk [tilespmem:v51+s11+$0x0], $0xffff;
	[tilespmem:s21+$0x7640] =	vst v58  }
0x1eb: {  	v58 =	vadd.s32 v0, v18;
	v54 =	vld.idx.msk [tilespmem:v54+s11+$0x0], $0xffff;
	[tilespmem:s21+$0x7FB0] =	vst v50  }
0x1ec: {  	v50 =	vadd.s32 v5, v30;
	[tilespmem:s21+$0x74C0] =	vst v53;
	v49 =	vld.idx.msk [tilespmem:v49+s9+$0x0], $0xffff  }
0x1ed: {  	v53 =	vld.idx.msk [tilespmem:v55+s11+$0x0], $0xffff;
	v55 =	vadd.s32 v5, v26;
	[tilespmem:s21+$0x76C0] =	vst v37  }
0x1ee: {  	v37 =	vld.idx.msk [tilespmem:v47+s11+$0x0], $0xffff;
	[tilespmem:s21+$0x7730] =	vst v56;
	v47 =	vadd.s32 v4, v27  }
0x1ef: {  	v56 =	vadd.s32 v5, v25;
	[tilespmem:s21+$0x7500] =	vst v52;
	v52 =	vld.idx.msk [tilespmem:v57+s11+$0x0], $0xffff  }
0x1f0: {  	v57 =	vld.idx.msk [tilespmem:v58+s11+$0x0], $0xffff;
	[tilespmem:s21+$0x7DC0] =	vst v51  }
0x1f1: {  	v51 =	vadd.s32 v4, v19;
	v50 =	vld.idx.msk [tilespmem:v50+s9+$0x0], $0xffff;
	[tilespmem:s21+$0x7E40] =	vst v54  }
0x1f2: {  	v54 =	vadd.s32 v1, v31;
	v55 =	vld.idx.msk [tilespmem:v55+s9+$0x0], $0xffff;
	[tilespmem:s21+$0x77C0] =	vst v49  }
0x1f3: {  	v49 =	vadd.s32 v5, v23;
	[tilespmem:s21+$0x7CC0] =	vst v53;
	v47 =	vld.idx.msk [tilespmem:v47+s11+$0x0], $0xffff  }
0x1f4: {  	v53 =	vld.idx.msk [tilespmem:v56+s9+$0x0], $0xffff;
	v56 =	vadd.s32 v5, v21;
	[tilespmem:s21+$0x7EC0] =	vst v37  }
0x1f5: {  	v37 =	vld.idx.msk [tilespmem:v44+s9+$0x0], $0xffff;
	[tilespmem:s21+$0x7F30] =	vst v52;
	v44 =	vadd.s32 v5, v28  }
0x1f6: {  	v52 =	vadd.s32 v5, v22;
	[tilespmem:s21+$0x7D00] =	vst v57;
	v51 =	vld.idx.msk [tilespmem:v51+s9+$0x0], $0xffff  }
0x1f7: {  	v54 =	vld.idx.msk [tilespmem:v54+s9+$0x0], $0xffff;
	[tilespmem:s21+$0x75D0] =	vst v50  }
0x1f8: {  	v50 =	vadd.s32 v4, v20;
	v49 =	vld.idx.msk [tilespmem:v49+s11+$0x0], $0xffff;
	[tilespmem:s21+$0x7650] =	vst v55  }
0x1f9: {  	v55 =	vld.idx.msk [tilespmem:v56+s11+$0x0], $0xffff;
	[tilespmem:s21+$0x7FC0] =	vst v47  }
0x1fa: {  	v47 =	vadd.s32 v6, v30;
	[tilespmem:s21+$0x74D0] =	vst v53;
	v44 =	vld.idx.msk [tilespmem:v44+s9+$0x0], $0xffff  }
0x1fb: {  	v53 =	vadd.s32 v6, v26;
	v52 =	vld.idx.msk [tilespmem:v52+s11+$0x0], $0xffff;
	[tilespmem:s21+$0x76D0] =	vst v37  }
0x1fc: {  	v37 =	vld.idx.msk [tilespmem:v43+s11+$0x0], $0xffff;
	[tilespmem:s21+$0x7740] =	vst v51;
	v43 =	vadd.s32 v5, v27  }
0x1fd: {  	v51 =	vadd.s32 v6, v25;
	[tilespmem:s21+$0x7510] =	vst v54;
	v50 =	vld.idx.msk [tilespmem:v50+s11+$0x0], $0xffff  }
0x1fe: {  	v45 =	vld.idx.msk [tilespmem:v45+s11+$0x0], $0xffff;
	[tilespmem:s21+$0x7DD0] =	vst v49  }
0x1ff: {  	v49 =	vadd.s32 v5, v19;
	v47 =	vld.idx.msk [tilespmem:v47+s9+$0x0], $0xffff;
	[tilespmem:s21+$0x7E50] =	vst v55  }
0x200: {  	v54 =	vadd.s32 v2, v31;
	v53 =	vld.idx.msk [tilespmem:v53+s9+$0x0], $0xffff;
	[tilespmem:s21+$0x77D0] =	vst v44  }
0x201: {  	v44 =	vadd.s32 v6, v23;
	[tilespmem:s21+$0x7CD0] =	vst v52;
	v43 =	vld.idx.msk [tilespmem:v43+s11+$0x0], $0xffff  }
0x202: {  	v52 =	vadd.s32 v6, v21;
	v51 =	vld.idx.msk [tilespmem:v51+s9+$0x0], $0xffff;
	[tilespmem:s21+$0x7ED0] =	vst v37  }
0x203: {  	v37 =	vld.idx.msk [tilespmem:v42+s9+$0x0], $0xffff;
	[tilespmem:s21+$0x7F40] =	vst v50;
	v42 =	vadd.s32 v6, v28  }
0x204: {  	v50 =	vadd.s32 v6, v22;
	[tilespmem:s21+$0x7D10] =	vst v45;
	v45 =	vld.idx.msk [tilespmem:v49+s9+$0x0], $0xffff  }
0x205: {  	v49 =	vld.idx.msk [tilespmem:v54+s9+$0x0], $0xffff;
	[tilespmem:s21+$0x75E0] =	vst v47  }
0x206: {  	v47 =	vadd.s32 v5, v20;
	v44 =	vld.idx.msk [tilespmem:v44+s11+$0x0], $0xffff;
	[tilespmem:s21+$0x7660] =	vst v53  }
0x207: {  	v52 =	vld.idx.msk [tilespmem:v52+s11+$0x0], $0xffff;
	[tilespmem:s21+$0x7FD0] =	vst v43  }
0x208: {  	v43 =	vadd.s32 v7, v30;
	[tilespmem:s21+$0x74E0] =	vst v51;
	v42 =	vld.idx.msk [tilespmem:v42+s9+$0x0], $0xffff  }
0x209: {  	v51 =	vadd.s32 v7, v26;
	v50 =	vld.idx.msk [tilespmem:v50+s11+$0x0], $0xffff;
	[tilespmem:s21+$0x76E0] =	vst v37  }
0x20a: {  	v41 =	vld.idx.msk [tilespmem:v41+s11+$0x0], $0xffff;
	[tilespmem:s21+$0x7750] =	vst v45;
	v45 =	vadd.s32 v6, v27  }
0x20b: {  	v53 =	vadd.s32 v7, v25;
	[tilespmem:s21+$0x7520] =	vst v49;
	v47 =	vld.idx.msk [tilespmem:v47+s11+$0x0], $0xffff  }
0x20c: {  	v46 =	vld.idx.msk [tilespmem:v46+s11+$0x0], $0xffff;
	[tilespmem:s21+$0x7DE0] =	vst v44  }
0x20d: {  	v44 =	vadd.s32 v6, v19;
	v43 =	vld.idx.msk [tilespmem:v43+s9+$0x0], $0xffff;
	[tilespmem:s21+$0x7E60] =	vst v52  }
0x20e: {  	v37 =	vadd.s32 v7, v18;
	v49 =	vadd.s32 v3, v31;
	v51 =	vld.idx.msk [tilespmem:v51+s9+$0x0], $0xffff;
	[tilespmem:s21+$0x77E0] =	vst v42  }
0x20f: {  	v42 =	vadd.s32 v7, v23;
	[tilespmem:s21+$0x7CE0] =	vst v50;
	v45 =	vld.idx.msk [tilespmem:v45+s11+$0x0], $0xffff  }
0x210: {  	v52 =	vadd.s32 v7, v21;
	v50 =	vld.idx.msk [tilespmem:v53+s9+$0x0], $0xffff;
	[tilespmem:s21+$0x7EE0] =	vst v41  }
0x211: {  	v41 =	vadd.s32 v7, v28;
	v40 =	vld.idx.msk [tilespmem:v40+s9+$0x0], $0xffff;
	[tilespmem:s21+$0x7F50] =	vst v47  }
0x212: {  	v47 =	vadd.s32 v7, v22;
	[tilespmem:s21+$0x7D20] =	vst v46;
	v44 =	vld.idx.msk [tilespmem:v44+s9+$0x0], $0xffff  }
0x213: {  	v46 =	vld.idx.msk [tilespmem:v49+s9+$0x0], $0xffff;
	[tilespmem:s21+$0x75F0] =	vst v43  }
0x214: {  	v43 =	vadd.s32 v6, v20;
	v42 =	vld.idx.msk [tilespmem:v42+s11+$0x0], $0xffff;
	[tilespmem:s21+$0x7670] =	vst v51  }
0x215: {  	v49 =	vld.idx.msk [tilespmem:v52+s11+$0x0], $0xffff;
	[tilespmem:s21+$0x7FE0] =	vst v45  }
0x216: {  	v45 =	vadd.s32 v8, v30;
	[tilespmem:s21+$0x74F0] =	vst v50;
	v41 =	vld.idx.msk [tilespmem:v41+s9+$0x0], $0xffff  }
0x217: {  	v50 =	vadd.s32 v8, v26;
	v47 =	vld.idx.msk [tilespmem:v47+s11+$0x0], $0xffff;
	[tilespmem:s21+$0x76F0] =	vst v40  }
0x218: {  	v40 =	vadd.s32 v7, v27;
	v39 =	vld.idx.msk [tilespmem:v39+s11+$0x0], $0xffff;
	[tilespmem:s21+$0x7760] =	vst v44  }
0x219: {  	v44 =	vadd.s32 v8, v25;
	[tilespmem:s21+$0x7530] =	vst v46;
	v43 =	vld.idx.msk [tilespmem:v43+s11+$0x0], $0xffff  }
0x21a: {  	v46 =	vld.idx.msk [tilespmem:v36+s11+$0x0], $0xffff;
	[tilespmem:s21+$0x7DF0] =	vst v42;
	v42 =	vadd.s32 v8, v29  }
0x21b: {  	v45 =	vld.idx.msk [tilespmem:v45+s9+$0x0], $0xffff;
	[tilespmem:s21+$0x7E70] =	vst v49;
	v49 =	vadd.s32 v7, v19  }
0x21c: {  	v51 =	vadd.s32 v4, v31;
	v36 =	vadd.s32 v8, v18;
	v50 =	vld.idx.msk [tilespmem:v50+s9+$0x0], $0xffff;
	[tilespmem:s21+$0x77F0] =	vst v41  }
0x21d: {  	v41 =	vadd.s32 v8, v23;
	[tilespmem:s21+$0x7CF0] =	vst v47;
	v40 =	vld.idx.msk [tilespmem:v40+s11+$0x0], $0xffff  }
0x21e: {  	v47 =	vadd.s32 v8, v21;
	v44 =	vld.idx.msk [tilespmem:v44+s9+$0x0], $0xffff;
	[tilespmem:s21+$0x7EF0] =	vst v39  }
0x21f: {  	v39 =	vld.idx.msk [tilespmem:v42+s9+$0x0], $0xffff;
	[tilespmem:s21+$0x7F60] =	vst v43;
	v42 =	vadd.s32 v8, v28  }
0x220: {  	v43 =	vadd.s32 v8, v22;
	[tilespmem:s21+$0x7D30] =	vst v46;
	v46 =	vld.idx.msk [tilespmem:v49+s9+$0x0], $0xffff  }
0x221: {  	v49 =	vld.idx.msk [tilespmem:v51+s9+$0x0], $0xffff;
	[tilespmem:s21+$0x7980] =	vst v45  }
0x222: {  	v45 =	vadd.s32 v7, v20;
	v41 =	vld.idx.msk [tilespmem:v41+s11+$0x0], $0xffff;
	[tilespmem:s21+$0x7A00] =	vst v50  }
0x223: {  	v47 =	vld.idx.msk [tilespmem:v47+s11+$0x0], $0xffff;
	[tilespmem:s21+$0x7FF0] =	vst v40  }
0x224: {  	v40 =	vadd.s32 v9, v30;
	[tilespmem:s21+$0x7880] =	vst v44;
	v42 =	vld.idx.msk [tilespmem:v42+s9+$0x0], $0xffff  }
0x225: {  	v44 =	vadd.s32 v9, v26;
	v43 =	vld.idx.msk [tilespmem:v43+s11+$0x0], $0xffff;
	[tilespmem:s21+$0x7A80] =	vst v39  }
0x226: {  	v38 =	vld.idx.msk [tilespmem:v38+s11+$0x0], $0xffff;
	[tilespmem:s21+$0x7770] =	vst v46;
	v46 =	vadd.s32 v8, v27  }
0x227: {  	v50 =	vadd.s32 v9, v25;
	[tilespmem:s21+$0x7540] =	vst v49;
	v45 =	vld.idx.msk [tilespmem:v45+s11+$0x0], $0xffff  }
0x228: {  	v48 =	vld.idx.msk [tilespmem:v48+s11+$0x0], $0xffff;
	[tilespmem:s21+$0x8180] =	vst v41;
	v41 =	vadd.s32 v9, v29  }
0x229: {  	v40 =	vld.idx.msk [tilespmem:v40+s9+$0x0], $0xffff;
	[tilespmem:s21+$0x8200] =	vst v47;
	v47 =	vadd.s32 v8, v19  }
0x22a: {  	v39 =	vadd.s32 v9, v18;
	v49 =	vadd.s32 v5, v31;
	v44 =	vld.idx.msk [tilespmem:v44+s9+$0x0], $0xffff;
	[tilespmem:s21+$0x7B80] =	vst v42  }
0x22b: {  	v42 =	vadd.s32 v9, v23;
	[tilespmem:s21+$0x8080] =	vst v43;
	v43 =	vld.idx.msk [tilespmem:v46+s11+$0x0], $0xffff  }
0x22c: {  	v46 =	vld.idx.msk [tilespmem:v50+s9+$0x0], $0xffff;
	v50 =	vadd.s32 v9, v21;
	[tilespmem:s21+$0x8280] =	vst v38  }
0x22d: {  	v38 =	vld.idx.msk [tilespmem:v41+s9+$0x0], $0xffff;
	[tilespmem:s21+$0x7F70] =	vst v45;
	v41 =	vadd.s32 v9, v28  }
0x22e: {  	v45 =	vadd.s32 v9, v22;
	[tilespmem:s21+$0x7D40] =	vst v48;
	v47 =	vld.idx.msk [tilespmem:v47+s9+$0x0], $0xffff  }
0x22f: {  	v48 =	vld.idx.msk [tilespmem:v49+s9+$0x0], $0xffff;
	[tilespmem:s21+$0x7990] =	vst v40;
	v40 =	vadd.s32 v9, v24  }
0x230: {  	v42 =	vld.idx.msk [tilespmem:v42+s11+$0x0], $0xffff;
	[tilespmem:s21+$0x7A10] =	vst v44;
	v44 =	vadd.s32 v8, v20  }
0x231: {  	v49 =	vld.idx.msk [tilespmem:v50+s11+$0x0], $0xffff;
	[tilespmem:s21+$0x8380] =	vst v43  }
0x232: {  	v43 =	vadd.s32 v10, v30;
	[tilespmem:s21+$0x7890] =	vst v46;
	v41 =	vld.idx.msk [tilespmem:v41+s9+$0x0], $0xffff  }
0x233: {  	v46 =	vadd.s32 v10, v26;
	v45 =	vld.idx.msk [tilespmem:v45+s11+$0x0], $0xffff;
	[tilespmem:s21+$0x7A90] =	vst v38  }
0x234: {  	v40 =	vld.idx.msk [tilespmem:v40+s11+$0x0], $0xffff;
	[tilespmem:s21+$0x7B00] =	vst v47;
	v47 =	vadd.s32 v9, v27  }
0x235: {  	v50 =	vadd.s32 v10, v25;
	[tilespmem:s21+$0x7550] =	vst v48;
	v44 =	vld.idx.msk [tilespmem:v44+s11+$0x0], $0xffff  }
0x236: {  	v35 =	vld.idx.msk [tilespmem:v35+s11+$0x0], $0xffff;
	[tilespmem:s21+$0x8190] =	vst v42;
	v42 =	vadd.s32 v10, v29  }
0x237: {  	v48 =	vadd.s32 v9, v19;
	v43 =	vld.idx.msk [tilespmem:v43+s9+$0x0], $0xffff;
	[tilespmem:s21+$0x8210] =	vst v49  }
0x238: {  	v38 =	vadd.s32 v10, v18;
	v49 =	vadd.s32 v6, v31;
	v46 =	vld.idx.msk [tilespmem:v46+s9+$0x0], $0xffff;
	[tilespmem:s21+$0x7B90] =	vst v41  }
0x239: {  	v41 =	vadd.s32 v10, v23;
	[tilespmem:s21+$0x8090] =	vst v45;
	v45 =	vld.idx.msk [tilespmem:v47+s11+$0x0], $0xffff  }
0x23a: {  	v47 =	vld.idx.msk [tilespmem:v50+s9+$0x0], $0xffff;
	v50 =	vadd.s32 v10, v21;
	[tilespmem:s21+$0x8290] =	vst v40  }
0x23b: {  	v40 =	vld.idx.msk [tilespmem:v42+s9+$0x0], $0xffff;
	[tilespmem:s21+$0x8300] =	vst v44;
	v42 =	vadd.s32 v10, v28  }
0x23c: {  	v44 =	vadd.s32 v10, v22;
	[tilespmem:s21+$0x7D50] =	vst v35;
	v35 =	vld.idx.msk [tilespmem:v48+s9+$0x0], $0xffff  }
0x23d: {  	v48 =	vld.idx.msk [tilespmem:v49+s9+$0x0], $0xffff;
	[tilespmem:s21+$0x79A0] =	vst v43;
	v43 =	vadd.s32 v10, v24  }
0x23e: {  	v41 =	vld.idx.msk [tilespmem:v41+s11+$0x0], $0xffff;
	[tilespmem:s21+$0x7A20] =	vst v46;
	v46 =	vadd.s32 v9, v20  }
0x23f: {  	v49 =	vld.idx.msk [tilespmem:v50+s11+$0x0], $0xffff;
	[tilespmem:s21+$0x8390] =	vst v45  }
0x240: {  	v45 =	vadd.s32 v11, v30;
	[tilespmem:s21+$0x78A0] =	vst v47;
	v42 =	vld.idx.msk [tilespmem:v42+s9+$0x0], $0xffff  }
0x241: {  	v47 =	vadd.s32 v11, v26;
	v44 =	vld.idx.msk [tilespmem:v44+s11+$0x0], $0xffff;
	[tilespmem:s21+$0x7AA0] =	vst v40  }
0x242: {  	v40 =	vld.idx.msk [tilespmem:v43+s11+$0x0], $0xffff;
	[tilespmem:s21+$0x7B10] =	vst v35;
	v43 =	vadd.s32 v10, v27  }
0x243: {  	v50 =	vadd.s32 v11, v25;
	[tilespmem:s21+$0x7560] =	vst v48;
	v46 =	vld.idx.msk [tilespmem:v46+s11+$0x0], $0xffff  }
0x244: {  	v34 =	vld.idx.msk [tilespmem:v34+s11+$0x0], $0xffff;
	[tilespmem:s21+$0x81A0] =	vst v41;
	v41 =	vadd.s32 v11, v29  }
0x245: {  	v48 =	vadd.s32 v10, v19;
	v45 =	vld.idx.msk [tilespmem:v45+s9+$0x0], $0xffff;
	[tilespmem:s21+$0x8220] =	vst v49  }
0x246: {  	v35 =	vadd.s32 v11, v18;
	v49 =	vadd.s32 v7, v31;
	v47 =	vld.idx.msk [tilespmem:v47+s9+$0x0], $0xffff;
	[tilespmem:s21+$0x7BA0] =	vst v42  }
0x247: {  	v42 =	vadd.s32 v11, v23;
	[tilespmem:s21+$0x80A0] =	vst v44;
	v43 =	vld.idx.msk [tilespmem:v43+s11+$0x0], $0xffff  }
0x248: {  	v44 =	vld.idx.msk [tilespmem:v50+s9+$0x0], $0xffff;
	v50 =	vadd.s32 v11, v21;
	[tilespmem:s21+$0x82A0] =	vst v40  }
0x249: {  	v40 =	vld.idx.msk [tilespmem:v41+s9+$0x0], $0xffff;
	[tilespmem:s21+$0x8310] =	vst v46;
	v41 =	vadd.s32 v11, v28  }
0x24a: {  	v46 =	vadd.s32 v11, v22;
	[tilespmem:s21+$0x7D60] =	vst v34;
	v34 =	vld.idx.msk [tilespmem:v48+s9+$0x0], $0xffff  }
0x24b: {  	v48 =	vld.idx.msk [tilespmem:v49+s9+$0x0], $0xffff;
	[tilespmem:s21+$0x79B0] =	vst v45;
	v45 =	vadd.s32 v11, v24  }
0x24c: {  	v42 =	vld.idx.msk [tilespmem:v42+s11+$0x0], $0xffff;
	[tilespmem:s21+$0x7A30] =	vst v47;
	v47 =	vadd.s32 v10, v20  }
0x24d: {  	v49 =	vld.idx.msk [tilespmem:v50+s11+$0x0], $0xffff;
	[tilespmem:s21+$0x83A0] =	vst v43  }
0x24e: {  	v43 =	vadd.s32 v12, v30;
	[tilespmem:s21+$0x78B0] =	vst v44;
	v50 =	vld.idx.msk [tilespmem:v41+s9+$0x0], $0xffff  }
0x24f: {  	v41 =	vadd.s32 v12, v26;
	v46 =	vld.idx.msk [tilespmem:v46+s11+$0x0], $0xffff;
	[tilespmem:s21+$0x7AB0] =	vst v40  }
0x250: {  	v51 =	vld.idx.msk [tilespmem:v45+s11+$0x0], $0xffff;
	[tilespmem:s21+$0x7B20] =	vst v34;
	v45 =	vadd.s32 v11, v27  }
0x251: {  	v52 =	vadd.s32 v12, v25;
	[tilespmem:s21+$0x7570] =	vst v48;
	v44 =	vld.idx.msk [tilespmem:v47+s11+$0x0], $0xffff  }
.Ltmp1:
0x252: {  	v48 =	vadd.s32 v12, v29;
	v40 =	vld.idx.msk [tilespmem:v37+s11+$0x0], $0xffff;
	[tilespmem:s21+$0x81B0] =	vst v42;
	(pc) =	sbr.rel @p1 .LBB2_5-.Ltmp1, $4  }
0x253: {  	v47 =	vadd.s32 v11, v19;
	v37 =	vld.idx.msk [tilespmem:v43+s9+$0x0], $0xffff;
	[tilespmem:s21+$0x8230] =	vst v49  }
0x254: {  	v34 =	vadd.s32 v12, v18;
	v42 =	vadd.s32 v8, v31;
	v41 =	vld.idx.msk [tilespmem:v41+s9+$0x0], $0xffff;
	[tilespmem:s21+$0x7BB0] =	vst v50  }
0x255: {  	[tilespmem:s21+$0x80B0] =	vst v46;
	v46 =	vadd.s32 v12, v23;
	v43 =	vld.idx.msk [tilespmem:v45+s11+$0x0], $0xffff  }
0x256: {  	v45 =	vld.idx.msk [tilespmem:v52+s9+$0x0], $0xffff;
	[tilespmem:s21+$0x82B0] =	vst v51  }
0x257: {  	_ =	sdelay $0x2  }
0x258: {  	[tilespmem:s21+$0x8320] =	vst v44  }
0x259: {  	v54 =	vld.idx.msk [tilespmem:v48+s9+$0x0], $0xffff;
	v55 =	vadd.s32 v12, v22;
	[tilespmem:s21+$0x7D70] =	vst v40  }
0x25a: {  	v57 =	vadd.s32 v12, v21;
	v47 =	vld.idx.msk [tilespmem:v47+s9+$0x0], $0xffff;
	[tilespmem:s21+$0x79C0] =	vst v37  }
0x25b: {  	v56 =	vadd.s32 v12, v24;
	v46 =	vld.idx.msk [tilespmem:v46+s11+$0x0], $0xffff;
	[tilespmem:s21+$0x7A40] =	vst v41  }
0x25c: {  	v58 =	vadd.s32 v13, v30;
	v42 =	vld.idx.msk [tilespmem:v42+s9+$0x0], $0xffff;
	[tilespmem:s21+$0x83B0] =	vst v43  }
0x25d: {  	[tilespmem:s21+$0x78C0] =	vst v45;
	v33 =	vld.idx.msk [tilespmem:v33+s9+$0x0], $0xffff  }
0x25e: {  	v60 =	vadd.s32 v12, v27;
	v59 =	vld.idx.msk [tilespmem:v55+s11+$0x0], $0xffff;
	[tilespmem:s21+$0x7AC0] =	vst v54  }
0x25f: {  	v61 =	vadd.s32 v13, v25;
	v37 =	vld.idx.msk [tilespmem:v57+s11+$0x0], $0xffff;
	[tilespmem:s21+$0x7B30] =	vst v47  }
0x260: {  	v63 =	vadd.s32 v13, v26;
	v40 =	vld.idx.msk [tilespmem:v56+s11+$0x0], $0xffff;
	[tilespmem:s21+$0x81C0] =	vst v46  }
0x261: {  	v62 =	vadd.s32 v13, v29;
	[tilespmem:s21+$0x7900] =	vst v42;
	v41 =	vld.idx.msk [tilespmem:v58+s9+$0x0], $0xffff  }
0x262: {  	v48 =	vadd.s32 v13, v23;
	v36 =	vld.idx.msk [tilespmem:v36+s11+$0x0], $0xffff;
	[tilespmem:s21+$0x7BC0] =	vst v33  }
0x263: {  	v50 =	vadd.s32 v9, v31;
	[tilespmem:s21+$0x80C0] =	vst v59;
	v49 =	vld.idx.msk [tilespmem:v60+s11+$0x0], $0xffff  }
0x264: {  	v52 =	vadd.s32 v7, v16;
	[tilespmem:s21+$0x8240] =	vst v37;
	v45 =	vld.idx.msk [tilespmem:v61+s9+$0x0], $0xffff  }
0x265: {  	[tilespmem:s21+$0x82C0] =	vst v40;
	v42 =	vld.idx.msk [tilespmem:v63+s9+$0x0], $0xffff  }
0x266: {  	v51 =	vld.idx.msk [tilespmem:v62+s9+$0x0], $0xffff;
	[tilespmem:s21+$0x79D0] =	vst v41  }
0x267: {  	[tilespmem:s21+$0x8100] =	vst v36;
	v33 =	vld.idx.msk [tilespmem:v48+s11+$0x0], $0xffff  }
0x268: {  	v36 =	vld.idx.msk [tilespmem:v50+s9+$0x0], $0xffff;
	[tilespmem:s21+$0x7470] =	vst v32  }
0x269: {  	v32 =	vld.idx.msk [tilespmem:v52+s11+$0x0], $0xffff  }
0x26a: {  	v53 =	vadd.s32 v8, v17;
	_ =	sdelay $0x3  }
0x26b: {  	[tilespmem:s21+$0x7C70] =	vst v32  }
0x26c: {  	v32 =	vld.idx.msk [tilespmem:v53+s9+$0x0], $0xffff  }
0x26d: {  	v54 =	vadd.s32 v8, v16;
	_ =	sdelay $0x3  }
0x26e: {  	[tilespmem:s21+$0x7800] =	vst v32  }
0x26f: {  	v32 =	vld.idx.msk [tilespmem:v54+s11+$0x0], $0xffff  }
0x270: {  	v55 =	vadd.s32 v9, v17;
	_ =	sdelay $0x3  }
0x271: {  	[tilespmem:s21+$0x8000] =	vst v32  }
0x272: {  	v32 =	vld.idx.msk [tilespmem:v55+s9+$0x0], $0xffff  }
0x273: {  	v56 =	vadd.s32 v9, v16;
	_ =	sdelay $0x3  }
0x274: {  	[tilespmem:s21+$0x7810] =	vst v32  }
0x275: {  	v32 =	vld.idx.msk [tilespmem:v56+s11+$0x0], $0xffff  }
0x276: {  	v57 =	vadd.s32 v10, v17;
	[tilespmem:s21+$0x7910] =	vst v36  }
0x277: {  	v36 =	vld.idx.msk [tilespmem:v39+s11+$0x0], $0xffff  }
0x278: {  	v58 =	vadd.s32 v10, v31;
	_ =	sdelay $0x1  }
0x279: {  	[tilespmem:s21+$0x8010] =	vst v32  }
0x27a: {  	v32 =	vld.idx.msk [tilespmem:v57+s9+$0x0], $0xffff  }
0x27b: {  	v59 =	vadd.s32 v10, v16;
	[tilespmem:s21+$0x8110] =	vst v36  }
0x27c: {  	v36 =	vld.idx.msk [tilespmem:v58+s9+$0x0], $0xffff;
	_ =	sdelay $0x2  }
0x27d: {  	[tilespmem:s21+$0x7820] =	vst v32  }
0x27e: {  	v32 =	vld.idx.msk [tilespmem:v59+s11+$0x0], $0xffff  }
0x27f: {  	v60 =	vadd.s32 v11, v17;
	[tilespmem:s21+$0x7920] =	vst v36  }
0x280: {  	v36 =	vld.idx.msk [tilespmem:v38+s11+$0x0], $0xffff  }
0x281: {  	v61 =	vadd.s32 v11, v31;
	_ =	sdelay $0x1  }
0x282: {  	[tilespmem:s21+$0x8020] =	vst v32  }
0x283: {  	v62 =	vadd.s32 v13, v28;
	v46 =	vld.idx.msk [tilespmem:v60+s9+$0x0], $0xffff  }
0x284: {  	v48 =	vadd.s32 v11, v16;
	[tilespmem:s21+$0x8120] =	vst v36  }
0x285: {  	v63 =	vadd.s32 v11, v20;
	v47 =	vld.idx.msk [tilespmem:v61+s9+$0x0], $0xffff  }
0x286: {  	[tilespmem:s21+$0x83C0] =	vst v49  }
0x287: {  	[tilespmem:s21+$0x7AD0] =	vst v51;
	v51 =	vadd.s32 v13, v21  }
0x288: {  	v50 =	vadd.s32 v13, v22;
	v40 =	vld.idx.msk [tilespmem:v62+s9+$0x0], $0xffff;
	[tilespmem:s21+$0x7830] =	vst v46  }
0x289: {  	v49 =	vadd.s32 v13, v24;
	[tilespmem:s21+$0x78D0] =	vst v45;
	v53 =	vld.idx.msk [tilespmem:v48+s11+$0x0], $0xffff  }
0x28a: {  	v54 =	vadd.s32 v12, v17;
	[tilespmem:s21+$0x7930] =	vst v47;
	v32 =	vld.idx.msk [tilespmem:v63+s11+$0x0], $0xffff  }
0x28b: {  	v52 =	vadd.s32 v12, v19;
	[tilespmem:s21+$0x7A50] =	vst v42;
	v35 =	vld.idx.msk [tilespmem:v35+s11+$0x0], $0xffff  }
0x28c: {  	[tilespmem:s21+$0x81D0] =	vst v33;
	v37 =	vld.idx.msk [tilespmem:v51+s11+$0x0], $0xffff;
	v55 =	vadd.s32 v12, v31  }
0x28d: {  	v45 =	vadd.s32 v14, v26;
	v43 =	vld.idx.msk [tilespmem:v50+s11+$0x0], $0xffff;
	[tilespmem:s21+$0x7BD0] =	vst v40  }
0x28e: {  	v41 =	vld.idx.msk [tilespmem:v49+s11+$0x0], $0xffff;
	v56 =	vadd.s32 v14, v30;
	[tilespmem:s21+$0x8030] =	vst v53  }
0x28f: {  	v57 =	vadd.s32 v13, v27;
	[tilespmem:s21+$0x8330] =	vst v32;
	v60 =	vld.idx.msk [tilespmem:v54+s9+$0x0], $0xffff  }
0x290: {  	v61 =	vadd.s32 v12, v16;
	[tilespmem:s21+$0x8130] =	vst v35;
	v36 =	vld.idx.msk [tilespmem:v52+s9+$0x0], $0xffff  }
0x291: {  	[tilespmem:s21+$0x8250] =	vst v37;
	v33 =	vld.idx.msk [tilespmem:v55+s9+$0x0], $0xffff;
	v59 =	vadd.s32 v12, v20  }
0x292: {  	[tilespmem:s21+$0x80D0] =	vst v43;
	v37 =	vld.idx.msk [tilespmem:v45+s9+$0x0], $0xffff  }
0x293: {  	[tilespmem:s21+$0x82D0] =	vst v41;
	v58 =	vadd.s32 v14, v29;
	v62 =	vld.idx.msk [tilespmem:v56+s9+$0x0], $0xffff  }
0x294: {  	v40 =	vld.idx.msk [tilespmem:v57+s11+$0x0], $0xffff;
	v63 =	vadd.s32 v14, v25;
	[tilespmem:s21+$0x7840] =	vst v60  }
0x295: {  	v46 =	vadd.s32 v14, v23;
	[tilespmem:s21+$0x7B40] =	vst v36;
	v48 =	vld.idx.msk [tilespmem:v61+s11+$0x0], $0xffff  }
0x296: {  	v49 =	vadd.s32 v13, v17;
	[tilespmem:s21+$0x7940] =	vst v33;
	v38 =	vld.idx.msk [tilespmem:v59+s11+$0x0], $0xffff  }
0x297: {  	[tilespmem:s21+$0x7A60] =	vst v37;
	v47 =	vadd.s32 v13, v19;
	v34 =	vld.idx.msk [tilespmem:v34+s11+$0x0], $0xffff  }
0x298: {  	v51 =	vadd.s32 v13, v31;
	[tilespmem:s21+$0x79E0] =	vst v62;
	v32 =	vld.idx.msk [tilespmem:v58+s9+$0x0], $0xffff  }
0x299: {  	[tilespmem:s21+$0x83D0] =	vst v40;
	v50 =	vld.idx.msk [tilespmem:v63+s9+$0x0], $0xffff;
	v52 =	vadd.s32 v14, v28  }
0x29a: {  	v36 =	vld.idx.msk [tilespmem:v46+s11+$0x0], $0xffff;
	v53 =	vadd.s32 v14, v24;
	[tilespmem:s21+$0x8040] =	vst v48  }
0x29b: {  	v30 =	vadd.s32 v15, v30;
	[tilespmem:s21+$0x8340] =	vst v38;
	v56 =	vld.idx.msk [tilespmem:v49+s9+$0x0], $0xffff  }
0x29c: {  	[tilespmem:s21+$0x8140] =	vst v34;
	v58 =	vadd.s32 v13, v16;
	v35 =	vld.idx.msk [tilespmem:v47+s9+$0x0], $0xffff  }
0x29d: {  	v55 =	vadd.s32 v13, v20;
	v57 =	vld.idx.msk [tilespmem:v51+s9+$0x0], $0xffff;
	[tilespmem:s21+$0x7AE0] =	vst v32  }
0x29e: {  	[tilespmem:s21+$0x78E0] =	vst v50;
	v59 =	vld.idx.msk [tilespmem:v52+s9+$0x0], $0xffff;
	v60 =	vadd.s32 v13, v18  }
0x29f: {  	v54 =	vadd.s32 v14, v22;
	[tilespmem:s21+$0x81E0] =	vst v36;
	v32 =	vld.idx.msk [tilespmem:v53+s11+$0x0], $0xffff  }
0x2a0: {  	v63 =	vadd.s32 v14, v27;
	v30 =	vld.idx.msk [tilespmem:v30+s9+$0x0], $0xffff;
	[tilespmem:s21+$0x7850] =	vst v56  }
0x2a1: {  	v61 =	vadd.s32 v14, v21;
	[tilespmem:s21+$0x7B50] =	vst v35;
	v45 =	vld.idx.msk [tilespmem:v58+s11+$0x0], $0xffff  }
0x2a2: {  	[tilespmem:s21+$0x7950] =	vst v57;
	v46 =	vadd.s32 v14, v17;
	v33 =	vld.idx.msk [tilespmem:v55+s11+$0x0], $0xffff  }
0x2a3: {  	v44 =	vadd.s32 v14, v19;
	[tilespmem:s21+$0x7BE0] =	vst v59;
	v37 =	vld.idx.msk [tilespmem:v60+s11+$0x0], $0xffff  }
0x2a4: {  	v62 =	vld.idx.msk [tilespmem:v54+s11+$0x0], $0xffff;
	[tilespmem:s21+$0x82E0] =	vst v32;
	v48 =	vadd.s32 v14, v31  }
0x2a5: {  	v29 =	vadd.s32 v15, v29;
	[tilespmem:s21+$0x79F0] =	vst v30;
	v35 =	vld.idx.msk [tilespmem:v63+s11+$0x0], $0xffff  }
0x2a6: {  	v25 =	vadd.s32 v15, v25;
	v47 =	vld.idx.msk [tilespmem:v61+s11+$0x0], $0xffff;
	[tilespmem:s21+$0x8050] =	vst v45  }
0x2a7: {  	v26 =	vadd.s32 v15, v26;
	[tilespmem:s21+$0x8350] =	vst v33;
	v50 =	vld.idx.msk [tilespmem:v46+s9+$0x0], $0xffff  }
0x2a8: {  	v51 =	vadd.s32 v14, v16;
	[tilespmem:s21+$0x8150] =	vst v37;
	v33 =	vld.idx.msk [tilespmem:v44+s9+$0x0], $0xffff  }
0x2a9: {  	[tilespmem:s21+$0x80E0] =	vst v62;
	v49 =	vadd.s32 v14, v20;
	v32 =	vld.idx.msk [tilespmem:v48+s9+$0x0], $0xffff  }
0x2aa: {  	v30 =	vadd.s32 v14, v18;
	v29 =	vld.idx.msk [tilespmem:v29+s9+$0x0], $0xffff;
	[tilespmem:s21+$0x83E0] =	vst v35  }
0x2ab: {  	v28 =	vadd.s32 v15, v28;
	v25 =	vld.idx.msk [tilespmem:v25+s9+$0x0], $0xffff;
	[tilespmem:s21+$0x8260] =	vst v47  }
0x2ac: {  	v22 =	vadd.s32 v15, v22;
	v26 =	vld.idx.msk [tilespmem:v26+s9+$0x0], $0xffff;
	[tilespmem:s21+$0x7860] =	vst v50  }
0x2ad: {  	v24 =	vadd.s32 v15, v24;
	[tilespmem:s21+$0x7B60] =	vst v33;
	v52 =	vld.idx.msk [tilespmem:v51+s11+$0x0], $0xffff  }
0x2ae: {  	v17 =	vadd.s32 v15, v17;
	[tilespmem:s21+$0x7960] =	vst v32;
	v33 =	vld.idx.msk [tilespmem:v49+s11+$0x0], $0xffff  }
0x2af: {  	v19 =	vadd.s32 v15, v19;
	[tilespmem:s21+$0x7AF0] =	vst v29;
	v29 =	vld.idx.msk [tilespmem:v30+s11+$0x0], $0xffff  }
0x2b0: {  	v28 =	vld.idx.msk [tilespmem:v28+s9+$0x0], $0xffff;
	[tilespmem:s21+$0x78F0] =	vst v25;
	v25 =	vadd.s32 v15, v31  }
0x2b1: {  	v23 =	vadd.s32 v15, v23;
	v22 =	vld.idx.msk [tilespmem:v22+s11+$0x0], $0xffff;
	[tilespmem:s21+$0x7A70] =	vst v26  }
0x2b2: {  	v21 =	vadd.s32 v15, v21;
	v24 =	vld.idx.msk [tilespmem:v24+s11+$0x0], $0xffff;
	[tilespmem:s21+$0x8060] =	vst v52  }
0x2b3: {  	v26 =	vadd.s32 v15, v27;
	[tilespmem:s21+$0x8360] =	vst v33;
	v17 =	vld.idx.msk [tilespmem:v17+s9+$0x0], $0xffff  }
0x2b4: {  	v16 =	vadd.s32 v15, v16;
	[tilespmem:s21+$0x8160] =	vst v29;
	v19 =	vld.idx.msk [tilespmem:v19+s9+$0x0], $0xffff  }
0x2b5: {  	v20 =	vadd.s32 v15, v20;
	[tilespmem:s21+$0x7BF0] =	vst v28;
	v25 =	vld.idx.msk [tilespmem:v25+s9+$0x0], $0xffff  }
0x2b6: {  	v18 =	vadd.s32 v15, v18;
	[tilespmem:s21+$0x80F0] =	vst v22;
	v22 =	vld.idx.msk [tilespmem:v23+s11+$0x0], $0xffff  }
0x2b7: {  	[tilespmem:s21+$0x82F0] =	vst v24;
	v21 =	vld.idx.msk [tilespmem:v21+s11+$0x0], $0xffff  }
0x2b8: {  	v24 =	vld.idx.msk [tilespmem:v26+s11+$0x0], $0xffff;
	[tilespmem:s21+$0x7870] =	vst v17  }
0x2b9: {  	[tilespmem:s21+$0x7B70] =	vst v19;
	v16 =	vld.idx.msk [tilespmem:v16+s11+$0x0], $0xffff  }
0x2ba: {  	s20 =	sshllo.u32 s19, $0x1;
	[tilespmem:s21+$0x7970] =	vst v25;
	v19 =	vld.idx.msk [tilespmem:v20+s11+$0x0], $0xffff  }
0x2bb: {  	s23 =	simm.s32 $0x0;
	s22 =	sshll.u32 s20, $0x6;
	[tilespmem:s21+$0x81F0] =	vst v22;
	v17 =	vld.idx.msk [tilespmem:v18+s11+$0x0], $0xffff  }
0x2bc: {  	s23 =	sor.u32 s22, s23;
	[tilespmem:s21+$0x8270] =	vst v21  }
0x2bd: {  	[tilespmem:s21+$0x83F0] =	vst v24;
	v18 =	vmov s23  }
0x2be: {  	[tilespmem:s21+$0x8070] =	vst v16;
	v16 =	vand.u32 $0xFFFFFFF8, v18  }
0x2bf: {  	s24 =	sshll.u32 s19, $0xD;
	[tilespmem:s21+$0x8370] =	vst v19;
	v16 =	vbroadcast v16, $0x0  }
0x2c0: {  	s24 =	sadd.s32 s24, s7;
	[tilespmem:s21+$0x8170] =	vst v17;
	s21 =	simm.s32 @!p0 $0x2  }
0x2c1: {  	[hbm4b:s24+s2] =	stream.linear.scatter [tilespmem:s13], [sflag:$0x1], $0x8000, $0x38;
	[tilespmem:$0x17400] =	vst v63  }
0x2c2: {  	_ =	swait.ge @!p0 [sflag:s21], $0x8000  }
0x2c3: {  	[sflag:s21] =	ssyncset.done @!p0 $0x0  }
0x2c4: {  	[sflag:s21] =	ssyncadd.s32 @!p0 $0xFFFF8000  }
0x2c5: {  	v17 =	vld.idx.msk [tilespmem:v16+s2+$0x0], $0xffff;
	_ =	sdelay $0x4  }
0x2c6: {  	v18 =	vadd.s32 v0, v17  }
0x2c7: {  	v16 =	vld.idx.msk [tilespmem:v16+s12+$0x0], $0xffff;
	_ =	sdelay $0x3  }
0x2c8: {  	v18 =	vld.idx.msk [tilespmem:v18+s9+$0x0], $0xffff  }
0x2c9: {  	v19 =	vadd.s32 v0, v16;
	_ =	sdelay $0x1  }
0x2ca: {  	s25 =	simm.s32 $0x0  }
0x2cb: {  	s21 =	sand.u32 $0x3FFFFE00, s25  }
0x2cc: {  	[tilespmem:s21+$0xF400] =	vst v18  }
0x2cd: {  	v18 =	vld.idx.msk [tilespmem:v19+s11+$0x0], $0xffff  }
0x2ce: {  	v19 =	vadd.s32 v1, v17;
	_ =	sdelay $0x3  }
0x2cf: {  	[tilespmem:s21+$0xFC00] =	vst v18  }
0x2d0: {  	v18 =	vld.idx.msk [tilespmem:v19+s9+$0x0], $0xffff  }
0x2d1: {  	v19 =	vadd.s32 v1, v16;
	_ =	sdelay $0x3  }
0x2d2: {  	[tilespmem:s21+$0xF410] =	vst v18  }
0x2d3: {  	v18 =	vld.idx.msk [tilespmem:v19+s11+$0x0], $0xffff  }
0x2d4: {  	v19 =	vadd.s32 v2, v17;
	_ =	sdelay $0x3  }
0x2d5: {  	[tilespmem:s21+$0xFC10] =	vst v18  }
0x2d6: {  	v18 =	vld.idx.msk [tilespmem:v19+s9+$0x0], $0xffff  }
0x2d7: {  	v19 =	vadd.s32 v2, v16;
	_ =	sdelay $0x3  }
0x2d8: {  	[tilespmem:s21+$0xF420] =	vst v18  }
0x2d9: {  	v18 =	vld.idx.msk [tilespmem:v19+s11+$0x0], $0xffff  }
0x2da: {  	v19 =	vadd.s32 v3, v17;
	_ =	sdelay $0x3  }
0x2db: {  	[tilespmem:s21+$0xFC20] =	vst v18  }
0x2dc: {  	v18 =	vld.idx.msk [tilespmem:v19+s9+$0x0], $0xffff  }
0x2dd: {  	v19 =	vadd.s32 v3, v16;
	_ =	sdelay $0x3  }
0x2de: {  	[tilespmem:s21+$0xF430] =	vst v18  }
0x2df: {  	v18 =	vld.idx.msk [tilespmem:v19+s11+$0x0], $0xffff  }
0x2e0: {  	v19 =	vadd.s32 v4, v17;
	_ =	sdelay $0x3  }
0x2e1: {  	[tilespmem:s21+$0xFC30] =	vst v18  }
0x2e2: {  	v18 =	vld.idx.msk [tilespmem:v19+s9+$0x0], $0xffff  }
0x2e3: {  	v19 =	vadd.s32 v4, v16;
	_ =	sdelay $0x3  }
0x2e4: {  	[tilespmem:s21+$0xF440] =	vst v18  }
0x2e5: {  	v18 =	vld.idx.msk [tilespmem:v19+s11+$0x0], $0xffff  }
0x2e6: {  	v19 =	vadd.s32 v5, v17;
	_ =	sdelay $0x3  }
0x2e7: {  	[tilespmem:s21+$0xFC40] =	vst v18  }
0x2e8: {  	v18 =	vld.idx.msk [tilespmem:v19+s9+$0x0], $0xffff  }
0x2e9: {  	v19 =	vadd.s32 v5, v16;
	_ =	sdelay $0x3  }
0x2ea: {  	[tilespmem:s21+$0xF450] =	vst v18  }
0x2eb: {  	v18 =	vld.idx.msk [tilespmem:v19+s11+$0x0], $0xffff  }
0x2ec: {  	s28 =	sor.u32 $0x4, s23;
	v19 =	vadd.s32 v6, v17  }
0x2ed: {  	s31 =	sor.u32 $0x7, s23;
	v21 =	vmov s28  }
0x2ee: {  	v27 =	vmov s31;
	v21 =	vand.u32 $0xFFFFFFFC, v21  }
0x2ef: {  	s26 =	sor.u32 $0x1, s23;
	v21 =	vbroadcast v21, $0x0  }
0x2f0: {  	v20 =	vmov s26;
	s25 =	sor.u32 $0x3, s23;
	[tilespmem:s21+$0xFC50] =	vst v18  }
0x2f1: {  	v18 =	vand.u32 $0xFFFFFFF9, v20;
	v20 =	vmov s25;
	v19 =	vld.idx.msk [tilespmem:v19+s9+$0x0], $0xffff  }
0x2f2: {  	v22 =	vadd.s32 v6, v16;
	v20 =	vand.u32 $0xFFFFFFFB, v20;
	v23 =	vbroadcast v18, $0x0  }
0x2f3: {  	v28 =	vld.idx.msk [tilespmem:v27+s2+$0x0], $0xffff;
	v20 =	vbroadcast v20, $0x0  }
0x2f4: {  	s29 =	sor.u32 $0x2, s23  }
0x2f5: {  	s30 =	sor.u32 $0x5, s23;
	v26 =	vld.idx.msk [tilespmem:v21+s2+$0x0], $0xffff;
	v18 =	vmov s29  }
0x2f6: {  	v24 =	vmov s30;
	v21 =	vld.idx.msk [tilespmem:v21+s12+$0x0], $0xffff;
	v18 =	vand.u32 $0xFFFFFFFA, v18;
	[tilespmem:s21+$0xF460] =	vst v19  }
0x2f7: {  	v31 =	vbroadcast v18, $0x0;
	v18 =	vand.u32 $0xFFFFFFFD, v24;
	v32 =	vld.idx.msk [tilespmem:v22+s11+$0x0], $0xffff  }
0x2f8: {  	s23 =	sor.u32 $0x6, s23;
	v60 =	vadd.s32 v0, v28;
	v19 =	vbroadcast v18, $0x0;
	v25 =	vld.idx.msk [tilespmem:v23+s2+$0x0], $0xffff  }
0x2f9: {  	v22 =	vmov s23;
	v30 =	vld.idx.msk [tilespmem:v20+s2+$0x0], $0xffff  }
0x2fa: {  	v24 =	vand.u32 $0xFFFFFFFE, v22;
	v22 =	vld.idx.msk [tilespmem:v23+s12+$0x0], $0xffff  }
0x2fb: {  	v23 =	vld.idx.msk [tilespmem:v20+s12+$0x0], $0xffff;
	v20 =	vadd.s32 v0, v26  }
0x2fc: {  	v27 =	vld.idx.msk [tilespmem:v27+s12+$0x0], $0xffff;
	v55 =	vbroadcast v24, $0x0  }
0x2fd: {  	v40 =	vld.idx.msk [tilespmem:v60+s9+$0x0], $0xffff  }
0x2fe: {  	v53 =	vadd.s32 v0, v25;
	v29 =	vld.idx.msk [tilespmem:v19+s2+$0x0], $0xffff  }
0x2ff: {  	v18 =	vld.idx.msk [tilespmem:v31+s12+$0x0], $0xffff;
	v54 =	vadd.s32 v0, v30  }
0x300: {  	v20 =	vld.idx.msk [tilespmem:v20+s9+$0x0], $0xffff  }
0x301: {  	v59 =	vadd.s32 v0, v21;
	v24 =	vld.idx.msk [tilespmem:v19+s12+$0x0], $0xffff  }
0x302: {  	v19 =	vld.idx.msk [tilespmem:v55+s2+$0x0], $0xffff  }
0x303: {  	v33 =	vld.idx.msk [tilespmem:v53+s9+$0x0], $0xffff;
	v56 =	vadd.s32 v0, v29  }
0x304: {  	v57 =	vadd.s32 v0, v22;
	v34 =	vld.idx.msk [tilespmem:v54+s9+$0x0], $0xffff  }
0x305: {  	v31 =	vld.idx.msk [tilespmem:v31+s2+$0x0], $0xffff;
	v58 =	vadd.s32 v0, v23;
	[tilespmem:s21+$0xF600] =	vst v20  }
0x306: {  	v48 =	vadd.s32 v0, v27;
	v39 =	vld.idx.msk [tilespmem:v59+s11+$0x0], $0xffff  }
0x307: {  	v47 =	vadd.s32 v1, v26;
	v20 =	vld.idx.msk [tilespmem:v55+s12+$0x0], $0xffff  }
0x308: {  	v49 =	vadd.s32 v0, v19;
	[tilespmem:s21+$0xF480] =	vst v33;
	v61 =	vld.idx.msk [tilespmem:v56+s9+$0x0], $0xffff  }
0x309: {  	v63 =	vadd.s32 v0, v24;
	v62 =	vld.idx.msk [tilespmem:v57+s11+$0x0], $0xffff;
	[tilespmem:s21+$0xF580] =	vst v34  }
0x30a: {  	[tilespmem:s21+$0xF780] =	vst v40;
	v45 =	vadd.s32 v1, v25;
	v38 =	vld.idx.msk [tilespmem:v58+s11+$0x0], $0xffff  }
0x30b: {  	v46 =	vadd.s32 v1, v30;
	v33 =	vld.idx.msk [tilespmem:v48+s11+$0x0], $0xffff;
	[tilespmem:s21+$0xFE00] =	vst v39  }
0x30c: {  	v55 =	vadd.s32 v1, v28;
	v39 =	vld.idx.msk [tilespmem:v47+s9+$0x0], $0xffff  }
0x30d: {  	v53 =	vadd.s32 v1, v21;
	v54 =	vld.idx.msk [tilespmem:v49+s9+$0x0], $0xffff;
	[tilespmem:s21+$0xF680] =	vst v61  }
0x30e: {  	v57 =	vadd.s32 v0, v20;
	[tilespmem:s21+$0xFC80] =	vst v62;
	v34 =	vld.idx.msk [tilespmem:v63+s11+$0x0], $0xffff  }
0x30f: {  	v50 =	vadd.s32 v1, v29;
	v36 =	vld.idx.msk [tilespmem:v45+s9+$0x0], $0xffff;
	[tilespmem:s21+$0xFD80] =	vst v38  }
0x310: {  	v51 =	vadd.s32 v1, v22;
	[tilespmem:s21+$0xFF80] =	vst v33;
	v41 =	vld.idx.msk [tilespmem:v46+s9+$0x0], $0xffff  }
0x311: {  	v52 =	vadd.s32 v1, v23;
	v61 =	vld.idx.msk [tilespmem:v55+s9+$0x0], $0xffff;
	[tilespmem:s21+$0xF610] =	vst v39  }
0x312: {  	v45 =	vadd.s32 v1, v27;
	[tilespmem:s21+$0xF700] =	vst v54;
	v39 =	vld.idx.msk [tilespmem:v53+s11+$0x0], $0xffff  }
0x313: {  	v62 =	vadd.s32 v2, v26;
	v63 =	vld.idx.msk [tilespmem:v57+s11+$0x0], $0xffff;
	[tilespmem:s21+$0xFE80] =	vst v34  }
0x314: {  	v47 =	vadd.s32 v1, v19;
	[tilespmem:s21+$0xF490] =	vst v36;
	v56 =	vld.idx.msk [tilespmem:v50+s9+$0x0], $0xffff  }
0x315: {  	v58 =	vadd.s32 v1, v24;
	v38 =	vld.idx.msk [tilespmem:v51+s11+$0x0], $0xffff;
	[tilespmem:s21+$0xF590] =	vst v41  }
0x316: {  	v59 =	vadd.s32 v2, v25;
	[tilespmem:s21+$0xF790] =	vst v61;
	v40 =	vld.idx.msk [tilespmem:v52+s11+$0x0], $0xffff  }
0x317: {  	v60 =	vadd.s32 v2, v30;
	[tilespmem:s21+$0xFE10] =	vst v39;
	v52 =	vld.idx.msk [tilespmem:v45+s11+$0x0], $0xffff  }
0x318: {  	v55 =	vadd.s32 v2, v28;
	[tilespmem:s21+$0xFF00] =	vst v63;
	v35 =	vld.idx.msk [tilespmem:v62+s9+$0x0], $0xffff  }
0x319: {  	v53 =	vadd.s32 v2, v21;
	v54 =	vld.idx.msk [tilespmem:v47+s9+$0x0], $0xffff;
	[tilespmem:s21+$0xF690] =	vst v56  }
0x31a: {  	v56 =	vadd.s32 v1, v20;
	[tilespmem:s21+$0xFC90] =	vst v38;
	v46 =	vld.idx.msk [tilespmem:v58+s11+$0x0], $0xffff  }
0x31b: {  	v58 =	vadd.s32 v7, v17;
	v48 =	vld.idx.msk [tilespmem:v59+s9+$0x0], $0xffff;
	[tilespmem:s21+$0xFD90] =	vst v40  }
0x31c: {  	v49 =	vadd.s32 v2, v29;
	[tilespmem:s21+$0xFF90] =	vst v52;
	v33 =	vld.idx.msk [tilespmem:v60+s9+$0x0], $0xffff  }
0x31d: {  	v50 =	vadd.s32 v2, v22;
	[tilespmem:s21+$0xF620] =	vst v35;
	v60 =	vld.idx.msk [tilespmem:v55+s9+$0x0], $0xffff  }
0x31e: {  	v51 =	vadd.s32 v2, v23;
	[tilespmem:s21+$0xF710] =	vst v54;
	v35 =	vld.idx.msk [tilespmem:v53+s11+$0x0], $0xffff  }
0x31f: {  	[tilespmem:s21+$0xFC60] =	vst v32;
	v61 =	vadd.s32 v3, v26;
	v62 =	vld.idx.msk [tilespmem:v56+s11+$0x0], $0xffff  }
0x320: {  	[tilespmem:s21+$0xFE90] =	vst v46;
	v32 =	vld.idx.msk [tilespmem:v58+s9+$0x0], $0xffff;
	v46 =	vadd.s32 v2, v19  }
0x321: {  	v63 =	vadd.s32 v2, v27;
	[tilespmem:s21+$0xF4A0] =	vst v48;
	v40 =	vld.idx.msk [tilespmem:v49+s9+$0x0], $0xffff  }
0x322: {  	v57 =	vadd.s32 v2, v24;
	v42 =	vld.idx.msk [tilespmem:v50+s11+$0x0], $0xffff;
	[tilespmem:s21+$0xF5A0] =	vst v33  }
0x323: {  	v44 =	vadd.s32 v3, v25;
	v34 =	vld.idx.msk [tilespmem:v51+s11+$0x0], $0xffff;
	[tilespmem:s21+$0xFE20] =	vst v35  }
0x324: {  	v59 =	vadd.s32 v3, v30;
	v38 =	vld.idx.msk [tilespmem:v61+s9+$0x0], $0xffff;
	[tilespmem:s21+$0xFF10] =	vst v62  }
0x325: {  	v48 =	vadd.s32 v3, v21;
	[tilespmem:s21+$0xF7A0] =	vst v60;
	v35 =	vld.idx.msk [tilespmem:v46+s9+$0x0], $0xffff  }
0x326: {  	v52 =	vadd.s32 v2, v20;
	[tilespmem:s21+$0xF6A0] =	vst v40;
	v40 =	vld.idx.msk [tilespmem:v63+s11+$0x0], $0xffff  }
0x327: {  	v49 =	vadd.s32 v3, v28;
	v33 =	vld.idx.msk [tilespmem:v57+s11+$0x0], $0xffff;
	[tilespmem:s21+$0xFCA0] =	vst v42  }
0x328: {  	v45 =	vadd.s32 v3, v29;
	[tilespmem:s21+$0xFDA0] =	vst v34;
	v41 =	vld.idx.msk [tilespmem:v44+s9+$0x0], $0xffff  }
0x329: {  	v50 =	vadd.s32 v3, v22;
	v36 =	vld.idx.msk [tilespmem:v59+s9+$0x0], $0xffff;
	[tilespmem:s21+$0xF630] =	vst v38  }
0x32a: {  	v47 =	vadd.s32 v3, v23;
	v42 =	vld.idx.msk [tilespmem:v48+s11+$0x0], $0xffff;
	[tilespmem:s21+$0xF720] =	vst v35  }
0x32b: {  	v59 =	vadd.s32 v0, v31;
	[tilespmem:s21+$0xFFA0] =	vst v40;
	v38 =	vld.idx.msk [tilespmem:v52+s11+$0x0], $0xffff  }
0x32c: {  	v54 =	vadd.s32 v4, v26;
	[tilespmem:s21+$0xFEA0] =	vst v33;
	v34 =	vld.idx.msk [tilespmem:v49+s9+$0x0], $0xffff  }
0x32d: {  	v58 =	vadd.s32 v3, v19;
	v33 =	vld.idx.msk [tilespmem:v45+s9+$0x0], $0xffff;
	[tilespmem:s21+$0xF4B0] =	vst v41  }
0x32e: {  	v55 =	vadd.s32 v3, v27;
	[tilespmem:s21+$0xF5B0] =	vst v36;
	v39 =	vld.idx.msk [tilespmem:v50+s11+$0x0], $0xffff  }
0x32f: {  	v51 =	vadd.s32 v3, v24;
	v37 =	vld.idx.msk [tilespmem:v47+s11+$0x0], $0xffff  }
0x330: {  	v56 =	vadd.s32 v4, v25;
	[tilespmem:s21+$0xFE30] =	vst v42;
	v42 =	vld.idx.msk [tilespmem:v59+s9+$0x0], $0xffff  }
0x331: {  	v53 =	vadd.s32 v4, v30;
	v41 =	vld.idx.msk [tilespmem:v54+s9+$0x0], $0xffff;
	[tilespmem:s21+$0xFF20] =	vst v38  }
0x332: {  	v50 =	vadd.s32 v0, v18;
	[tilespmem:s21+$0xF7B0] =	vst v34;
	v40 =	vld.idx.msk [tilespmem:v58+s9+$0x0], $0xffff  }
0x333: {  	v61 =	vadd.s32 v4, v21;
	[tilespmem:s21+$0xF6B0] =	vst v33;
	v33 =	vld.idx.msk [tilespmem:v55+s11+$0x0], $0xffff  }
0x334: {  	v62 =	vadd.s32 v4, v28;
	v36 =	vld.idx.msk [tilespmem:v51+s11+$0x0], $0xffff;
	[tilespmem:s21+$0xFCB0] =	vst v39  }
0x335: {  	v57 =	vadd.s32 v4, v29;
	[tilespmem:s21+$0xFDB0] =	vst v37;
	v35 =	vld.idx.msk [tilespmem:v56+s9+$0x0], $0xffff  }
0x336: {  	v63 =	vadd.s32 v4, v22;
	[tilespmem:s21+$0xF500] =	vst v42;
	v37 =	vld.idx.msk [tilespmem:v53+s9+$0x0], $0xffff  }
0x337: {  	v49 =	vadd.s32 v3, v20;
	[tilespmem:s21+$0xF640] =	vst v41;
	v41 =	vld.idx.msk [tilespmem:v50+s11+$0x0], $0xffff  }
0x338: {  	v60 =	vadd.s32 v4, v23;
	v39 =	vld.idx.msk [tilespmem:v61+s11+$0x0], $0xffff;
	[tilespmem:s21+$0xFFB0] =	vst v33  }
0x339: {  	v59 =	vadd.s32 v1, v31;
	[tilespmem:s21+$0xFEB0] =	vst v36;
	v52 =	vld.idx.msk [tilespmem:v62+s9+$0x0], $0xffff  }
0x33a: {  	v54 =	vadd.s32 v5, v26;
	v36 =	vld.idx.msk [tilespmem:v57+s9+$0x0], $0xffff;
	[tilespmem:s21+$0xF4C0] =	vst v35  }
0x33b: {  	v55 =	vadd.s32 v4, v27;
	[tilespmem:s21+$0xF730] =	vst v40;
	v53 =	vld.idx.msk [tilespmem:v63+s11+$0x0], $0xffff  }
0x33c: {  	v48 =	vadd.s32 v4, v24;
	[tilespmem:s21+$0xF5C0] =	vst v37;
	v37 =	vld.idx.msk [tilespmem:v49+s11+$0x0], $0xffff  }
0x33d: {  	v56 =	vadd.s32 v5, v25;
	[tilespmem:s21+$0xFD00] =	vst v41;
	v34 =	vld.idx.msk [tilespmem:v60+s11+$0x0], $0xffff  }
0x33e: {  	v58 =	vadd.s32 v4, v19;
	[tilespmem:s21+$0xFE40] =	vst v39;
	v39 =	vld.idx.msk [tilespmem:v59+s9+$0x0], $0xffff  }
0x33f: {  	v51 =	vadd.s32 v5, v30;
	v43 =	vld.idx.msk [tilespmem:v54+s9+$0x0], $0xffff;
	[tilespmem:s21+$0xF7C0] =	vst v52  }
0x340: {  	v63 =	vadd.s32 v5, v21;
	[tilespmem:s21+$0xF6C0] =	vst v36;
	v61 =	vld.idx.msk [tilespmem:v55+s11+$0x0], $0xffff  }
0x341: {  	v52 =	vadd.s32 v1, v18;
	v36 =	vld.idx.msk [tilespmem:v48+s11+$0x0], $0xffff;
	[tilespmem:s21+$0xFCC0] =	vst v53  }
0x342: {  	[tilespmem:s21+$0xFF30] =	vst v37;
	v48 =	vadd.s32 v5, v28;
	v62 =	vld.idx.msk [tilespmem:v56+s9+$0x0], $0xffff  }
0x343: {  	v57 =	vadd.s32 v5, v29;
	[tilespmem:s21+$0xFDC0] =	vst v34;
	v34 =	vld.idx.msk [tilespmem:v58+s9+$0x0], $0xffff  }
0x344: {  	v49 =	vadd.s32 v5, v22;
	v33 =	vld.idx.msk [tilespmem:v51+s9+$0x0], $0xffff;
	[tilespmem:s21+$0xF650] =	vst v43  }
0x345: {  	[tilespmem:s21+$0xF510] =	vst v39;
	v51 =	vadd.s32 v4, v20;
	v44 =	vld.idx.msk [tilespmem:v63+s11+$0x0], $0xffff  }
0x346: {  	v60 =	vadd.s32 v5, v23;
	v43 =	vld.idx.msk [tilespmem:v52+s11+$0x0], $0xffff;
	[tilespmem:s21+$0xFFC0] =	vst v61  }
0x347: {  	v54 =	vadd.s32 v6, v26;
	[tilespmem:s21+$0xFEC0] =	vst v36;
	v37 =	vld.idx.msk [tilespmem:v48+s9+$0x0], $0xffff  }
0x348: {  	v59 =	vadd.s32 v2, v31;
	v36 =	vld.idx.msk [tilespmem:v57+s9+$0x0], $0xffff;
	[tilespmem:s21+$0xF4D0] =	vst v62  }
0x349: {  	v55 =	vadd.s32 v5, v27;
	[tilespmem:s21+$0xF740] =	vst v34;
	v40 =	vld.idx.msk [tilespmem:v49+s11+$0x0], $0xffff  }
0x34a: {  	v50 =	vadd.s32 v5, v24;
	[tilespmem:s21+$0xF5D0] =	vst v33;
	v35 =	vld.idx.msk [tilespmem:v51+s11+$0x0], $0xffff  }
0x34b: {  	v56 =	vadd.s32 v6, v25;
	v33 =	vld.idx.msk [tilespmem:v60+s11+$0x0], $0xffff;
	[tilespmem:s21+$0xFE50] =	vst v44  }
0x34c: {  	v58 =	vadd.s32 v5, v19;
	[tilespmem:s21+$0xFD10] =	vst v43;
	v42 =	vld.idx.msk [tilespmem:v54+s9+$0x0], $0xffff  }
0x34d: {  	v53 =	vadd.s32 v6, v30;
	v44 =	vld.idx.msk [tilespmem:v59+s9+$0x0], $0xffff;
	[tilespmem:s21+$0xF7D0] =	vst v37  }
0x34e: {  	v61 =	vadd.s32 v6, v21;
	[tilespmem:s21+$0xF6D0] =	vst v36;
	v34 =	vld.idx.msk [tilespmem:v55+s11+$0x0], $0xffff  }
0x34f: {  	v62 =	vadd.s32 v6, v28;
	v36 =	vld.idx.msk [tilespmem:v50+s11+$0x0], $0xffff;
	[tilespmem:s21+$0xFCD0] =	vst v40  }
0x350: {  	[tilespmem:s21+$0xFF40] =	vst v35;
	v50 =	vadd.s32 v2, v18;
	v40 =	vld.idx.msk [tilespmem:v56+s9+$0x0], $0xffff  }
0x351: {  	v57 =	vadd.s32 v6, v29;
	[tilespmem:s21+$0xFDD0] =	vst v33;
	v38 =	vld.idx.msk [tilespmem:v58+s9+$0x0], $0xffff  }
0x352: {  	v63 =	vadd.s32 v6, v22;
	v33 =	vld.idx.msk [tilespmem:v53+s9+$0x0], $0xffff;
	[tilespmem:s21+$0xF660] =	vst v42  }
0x353: {  	v49 =	vadd.s32 v5, v20;
	v41 =	vld.idx.msk [tilespmem:v61+s11+$0x0], $0xffff;
	[tilespmem:s21+$0xFFD0] =	vst v34  }
0x354: {  	v60 =	vadd.s32 v6, v23;
	[tilespmem:s21+$0xF520] =	vst v44;
	v35 =	vld.idx.msk [tilespmem:v62+s9+$0x0], $0xffff  }
0x355: {  	v52 =	vadd.s32 v7, v26;
	[tilespmem:s21+$0xFED0] =	vst v36;
	v42 =	vld.idx.msk [tilespmem:v50+s11+$0x0], $0xffff  }
0x356: {  	v53 =	vadd.s32 v6, v27;
	v36 =	vld.idx.msk [tilespmem:v57+s9+$0x0], $0xffff;
	[tilespmem:s21+$0xF4E0] =	vst v40  }
0x357: {  	[tilespmem:s21+$0xF750] =	vst v38;
	v57 =	vadd.s32 v3, v31;
	v39 =	vld.idx.msk [tilespmem:v63+s11+$0x0], $0xffff  }
0x358: {  	v48 =	vadd.s32 v6, v24;
	[tilespmem:s21+$0xF5E0] =	vst v33;
	v37 =	vld.idx.msk [tilespmem:v49+s11+$0x0], $0xffff  }
0x359: {  	v54 =	vadd.s32 v7, v25;
	v33 =	vld.idx.msk [tilespmem:v60+s11+$0x0], $0xffff;
	[tilespmem:s21+$0xFE60] =	vst v41  }
0x35a: {  	v56 =	vadd.s32 v6, v19;
	v40 =	vld.idx.msk [tilespmem:v52+s9+$0x0], $0xffff;
	[tilespmem:s21+$0xF7E0] =	vst v35  }
0x35b: {  	v51 =	vadd.s32 v7, v30;
	[tilespmem:s21+$0xFD20] =	vst v42;
	v38 =	vld.idx.msk [tilespmem:v53+s11+$0x0], $0xffff  }
0x35c: {  	v59 =	vadd.s32 v7, v21;
	[tilespmem:s21+$0xF6E0] =	vst v36;
	v41 =	vld.idx.msk [tilespmem:v57+s9+$0x0], $0xffff  }
0x35d: {  	v60 =	vadd.s32 v7, v28;
	v36 =	vld.idx.msk [tilespmem:v48+s11+$0x0], $0xffff;
	[tilespmem:s21+$0xFCE0] =	vst v39  }
0x35e: {  	[tilespmem:s21+$0xFF50] =	vst v37;
	v48 =	vadd.s32 v3, v18;
	v39 =	vld.idx.msk [tilespmem:v54+s9+$0x0], $0xffff  }
0x35f: {  	v55 =	vadd.s32 v7, v29;
	[tilespmem:s21+$0xFDE0] =	vst v33;
	v34 =	vld.idx.msk [tilespmem:v56+s9+$0x0], $0xffff  }
0x360: {  	v61 =	vadd.s32 v7, v22;
	v33 =	vld.idx.msk [tilespmem:v51+s9+$0x0], $0xffff;
	[tilespmem:s21+$0xF670] =	vst v40  }
0x361: {  	v63 =	vadd.s32 v6, v20;
	v43 =	vld.idx.msk [tilespmem:v59+s11+$0x0], $0xffff;
	[tilespmem:s21+$0xFFE0] =	vst v38  }
0x362: {  	v58 =	vadd.s32 v7, v23;
	[tilespmem:s21+$0xF530] =	vst v41;
	v37 =	vld.idx.msk [tilespmem:v60+s9+$0x0], $0xffff  }
0x363: {  	v50 =	vadd.s32 v8, v26;
	[tilespmem:s21+$0xFEE0] =	vst v36;
	v40 =	vld.idx.msk [tilespmem:v48+s11+$0x0], $0xffff  }
0x364: {  	v51 =	vadd.s32 v7, v27;
	v36 =	vld.idx.msk [tilespmem:v55+s9+$0x0], $0xffff;
	[tilespmem:s21+$0xF4F0] =	vst v39  }
0x365: {  	[tilespmem:s21+$0xF760] =	vst v34;
	v55 =	vadd.s32 v4, v31;
	v39 =	vld.idx.msk [tilespmem:v61+s11+$0x0], $0xffff  }
0x366: {  	v62 =	vadd.s32 v7, v24;
	[tilespmem:s21+$0xF5F0] =	vst v33;
	v35 =	vld.idx.msk [tilespmem:v63+s11+$0x0], $0xffff  }
0x367: {  	v52 =	vadd.s32 v8, v25;
	v33 =	vld.idx.msk [tilespmem:v58+s11+$0x0], $0xffff;
	[tilespmem:s21+$0xFE70] =	vst v43  }
0x368: {  	v54 =	vadd.s32 v7, v19;
	v44 =	vld.idx.msk [tilespmem:v50+s9+$0x0], $0xffff;
	[tilespmem:s21+$0xF7F0] =	vst v37  }
0x369: {  	v49 =	vadd.s32 v8, v30;
	[tilespmem:s21+$0xFD30] =	vst v40;
	v34 =	vld.idx.msk [tilespmem:v51+s11+$0x0], $0xffff  }
0x36a: {  	v57 =	vadd.s32 v8, v21;
	[tilespmem:s21+$0xF6F0] =	vst v36;
	v43 =	vld.idx.msk [tilespmem:v55+s9+$0x0], $0xffff  }
0x36b: {  	v58 =	vadd.s32 v8, v28;
	v36 =	vld.idx.msk [tilespmem:v62+s11+$0x0], $0xffff;
	[tilespmem:s21+$0xFCF0] =	vst v39  }
0x36c: {  	v63 =	vadd.s32 v4, v18;
	[tilespmem:s21+$0xFF60] =	vst v35;
	v39 =	vld.idx.msk [tilespmem:v52+s9+$0x0], $0xffff  }
0x36d: {  	v53 =	vadd.s32 v8, v29;
	[tilespmem:s21+$0xFDF0] =	vst v33;
	v60 =	vld.idx.msk [tilespmem:v54+s9+$0x0], $0xffff  }
0x36e: {  	v59 =	vadd.s32 v8, v22;
	v38 =	vld.idx.msk [tilespmem:v49+s9+$0x0], $0xffff;
	[tilespmem:s21+$0xFA00] =	vst v44  }
0x36f: {  	v62 =	vadd.s32 v7, v20;
	v42 =	vld.idx.msk [tilespmem:v57+s11+$0x0], $0xffff;
	[tilespmem:s21+$0xFFF0] =	vst v34  }
0x370: {  	v56 =	vadd.s32 v8, v23;
	[tilespmem:s21+$0xF540] =	vst v43;
	v35 =	vld.idx.msk [tilespmem:v58+s9+$0x0], $0xffff  }
0x371: {  	v49 =	vadd.s32 v9, v26;
	[tilespmem:s21+$0xFEF0] =	vst v36;
	v43 =	vld.idx.msk [tilespmem:v63+s11+$0x0], $0xffff  }
0x372: {  	v50 =	vadd.s32 v8, v27;
	v33 =	vld.idx.msk [tilespmem:v53+s9+$0x0], $0xffff;
	[tilespmem:s21+$0xF880] =	vst v39  }
0x373: {  	v54 =	vadd.s32 v5, v31;
	[tilespmem:s21+$0xF770] =	vst v60;
	v36 =	vld.idx.msk [tilespmem:v59+s11+$0x0], $0xffff  }
0x374: {  	v61 =	vadd.s32 v8, v24;
	[tilespmem:s21+$0xF980] =	vst v38;
	v38 =	vld.idx.msk [tilespmem:v62+s11+$0x0], $0xffff  }
0x375: {  	v51 =	vadd.s32 v9, v25;
	v37 =	vld.idx.msk [tilespmem:v56+s11+$0x0], $0xffff;
	[tilespmem:s21+$0x10200] =	vst v42  }
0x376: {  	v53 =	vadd.s32 v8, v19;
	v39 =	vld.idx.msk [tilespmem:v49+s9+$0x0], $0xffff;
	[tilespmem:s21+$0xFB80] =	vst v35  }
0x377: {  	v48 =	vadd.s32 v9, v30;
	[tilespmem:s21+$0xFD40] =	vst v43;
	v56 =	vld.idx.msk [tilespmem:v50+s11+$0x0], $0xffff  }
0x378: {  	v58 =	vadd.s32 v9, v21;
	[tilespmem:s21+$0xFA80] =	vst v33;
	v43 =	vld.idx.msk [tilespmem:v54+s9+$0x0], $0xffff  }
0x379: {  	v59 =	vadd.s32 v9, v28;
	v33 =	vld.idx.msk [tilespmem:v61+s11+$0x0], $0xffff;
	[tilespmem:s21+$0x10080] =	vst v36  }
0x37a: {  	v63 =	vadd.s32 v5, v18;
	[tilespmem:s21+$0xFF70] =	vst v38;
	v57 =	vld.idx.msk [tilespmem:v51+s9+$0x0], $0xffff  }
0x37b: {  	v52 =	vadd.s32 v9, v29;
	[tilespmem:s21+$0x10180] =	vst v37;
	v42 =	vld.idx.msk [tilespmem:v53+s9+$0x0], $0xffff  }
0x37c: {  	v60 =	vadd.s32 v9, v22;
	v34 =	vld.idx.msk [tilespmem:v48+s9+$0x0], $0xffff;
	[tilespmem:s21+$0xFA10] =	vst v39  }
0x37d: {  	v62 =	vadd.s32 v8, v20;
	v41 =	vld.idx.msk [tilespmem:v58+s11+$0x0], $0xffff;
	[tilespmem:s21+$0x10380] =	vst v56  }
0x37e: {  	v55 =	vadd.s32 v9, v23;
	[tilespmem:s21+$0xF550] =	vst v43;
	v37 =	vld.idx.msk [tilespmem:v59+s9+$0x0], $0xffff  }
0x37f: {  	v49 =	vadd.s32 v10, v26;
	[tilespmem:s21+$0x10280] =	vst v33;
	v43 =	vld.idx.msk [tilespmem:v63+s11+$0x0], $0xffff  }
0x380: {  	v50 =	vadd.s32 v9, v27;
	v33 =	vld.idx.msk [tilespmem:v52+s9+$0x0], $0xffff;
	[tilespmem:s21+$0xF890] =	vst v57  }
0x381: {  	v54 =	vadd.s32 v6, v31;
	[tilespmem:s21+$0xFB00] =	vst v42;
	v38 =	vld.idx.msk [tilespmem:v60+s11+$0x0], $0xffff  }
0x382: {  	v61 =	vadd.s32 v9, v24;
	[tilespmem:s21+$0xF990] =	vst v34;
	v39 =	vld.idx.msk [tilespmem:v62+s11+$0x0], $0xffff  }
0x383: {  	v51 =	vadd.s32 v10, v25;
	v35 =	vld.idx.msk [tilespmem:v55+s11+$0x0], $0xffff;
	[tilespmem:s21+$0x10210] =	vst v41  }
0x384: {  	v53 =	vadd.s32 v9, v19;
	v40 =	vld.idx.msk [tilespmem:v49+s9+$0x0], $0xffff;
	[tilespmem:s21+$0xFB90] =	vst v37  }
0x385: {  	v48 =	vadd.s32 v10, v30;
	[tilespmem:s21+$0xFD50] =	vst v43;
	v34 =	vld.idx.msk [tilespmem:v50+s11+$0x0], $0xffff  }
0x386: {  	v56 =	vadd.s32 v10, v21;
	[tilespmem:s21+$0xFA90] =	vst v33;
	v43 =	vld.idx.msk [tilespmem:v54+s9+$0x0], $0xffff  }
0x387: {  	v57 =	vadd.s32 v10, v28;
	v33 =	vld.idx.msk [tilespmem:v61+s11+$0x0], $0xffff;
	[tilespmem:s21+$0x10090] =	vst v38  }
0x388: {  	v52 =	vadd.s32 v10, v29;
	[tilespmem:s21+$0x10300] =	vst v39;
	v38 =	vld.idx.msk [tilespmem:v51+s9+$0x0], $0xffff  }
0x389: {  	v61 =	vadd.s32 v6, v18;
	[tilespmem:s21+$0x10190] =	vst v35;
	v41 =	vld.idx.msk [tilespmem:v53+s9+$0x0], $0xffff  }
0x38a: {  	v58 =	vadd.s32 v10, v22;
	v36 =	vld.idx.msk [tilespmem:v48+s9+$0x0], $0xffff;
	[tilespmem:s21+$0xFA20] =	vst v40  }
0x38b: {  	v60 =	vadd.s32 v9, v20;
	v42 =	vld.idx.msk [tilespmem:v56+s11+$0x0], $0xffff;
	[tilespmem:s21+$0x10390] =	vst v34  }
0x38c: {  	v55 =	vadd.s32 v10, v23;
	[tilespmem:s21+$0x10290] =	vst v33;
	v35 =	vld.idx.msk [tilespmem:v57+s9+$0x0], $0xffff  }
0x38d: {  	v63 =	vadd.s32 v11, v26;
	[tilespmem:s21+$0xF560] =	vst v43;
	v33 =	vld.idx.msk [tilespmem:v52+s9+$0x0], $0xffff  }
0x38e: {  	v59 =	vadd.s32 v10, v24;
	v43 =	vld.idx.msk [tilespmem:v61+s11+$0x0], $0xffff;
	[tilespmem:s21+$0xF8A0] =	vst v38  }
0x38f: {  	v48 =	vadd.s32 v10, v27;
	[tilespmem:s21+$0xFB10] =	vst v41;
	v38 =	vld.idx.msk [tilespmem:v58+s11+$0x0], $0xffff  }
0x390: {  	v52 =	vadd.s32 v7, v31;
	[tilespmem:s21+$0xF9A0] =	vst v36;
	v40 =	vld.idx.msk [tilespmem:v60+s11+$0x0], $0xffff  }
0x391: {  	v49 =	vadd.s32 v11, v25;
	v37 =	vld.idx.msk [tilespmem:v55+s11+$0x0], $0xffff;
	[tilespmem:s21+$0x10220] =	vst v42  }
0x392: {  	v62 =	vadd.s32 v11, v30;
	v39 =	vld.idx.msk [tilespmem:v63+s9+$0x0], $0xffff;
	[tilespmem:s21+$0xFAA0] =	vst v33  }
0x393: {  	v51 =	vadd.s32 v10, v19;
	[tilespmem:s21+$0xFBA0] =	vst v35;
	v33 =	vld.idx.msk [tilespmem:v59+s11+$0x0], $0xffff  }
0x394: {  	v50 =	vadd.s32 v11, v29;
	[tilespmem:s21+$0xFD60] =	vst v43;
	v36 =	vld.idx.msk [tilespmem:v48+s11+$0x0], $0xffff  }
0x395: {  	v54 =	vadd.s32 v11, v21;
	v43 =	vld.idx.msk [tilespmem:v52+s9+$0x0], $0xffff;
	[tilespmem:s21+$0x100A0] =	vst v38  }
0x396: {  	v55 =	vadd.s32 v11, v28;
	[tilespmem:s21+$0x101A0] =	vst v37;
	v38 =	vld.idx.msk [tilespmem:v49+s9+$0x0], $0xffff  }
0x397: {  	[tilespmem:s21+$0x10310] =	vst v40;
	v59 =	vadd.s32 v7, v18;
	v34 =	vld.idx.msk [tilespmem:v62+s9+$0x0], $0xffff  }
0x398: {  	v53 =	vadd.s32 v11, v23;
	v42 =	vld.idx.msk [tilespmem:v51+s9+$0x0], $0xffff;
	[tilespmem:s21+$0x102A0] =	vst v33  }
0x399: {  	v56 =	vadd.s32 v11, v22;
	[tilespmem:s21+$0xFA30] =	vst v39;
	v33 =	vld.idx.msk [tilespmem:v50+s9+$0x0], $0xffff  }
0x39a: {  	v57 =	vadd.s32 v11, v24;
	v60 =	vld.idx.msk [tilespmem:v54+s11+$0x0], $0xffff;
	[tilespmem:s21+$0x103A0] =	vst v36  }
0x39b: {  	v58 =	vadd.s32 v10, v20;
	[tilespmem:s21+$0xF570] =	vst v43;
	v37 =	vld.idx.msk [tilespmem:v55+s9+$0x0], $0xffff  }
0x39c: {  	v62 =	vadd.s32 v12, v26;
	v47 =	vld.idx.msk [tilespmem:v59+s11+$0x0], $0xffff;
	[tilespmem:s21+$0xF9B0] =	vst v34  }
0x39d: {  	v63 =	vadd.s32 v11, v27;
	[tilespmem:s21+$0xF8B0] =	vst v38;
	v35 =	vld.idx.msk [tilespmem:v53+s11+$0x0], $0xffff  }
0x39e: {  	v61 =	vadd.s32 v12, v30;
	v49 =	vld.idx.msk [tilespmem:v56+s11+$0x0], $0xffff;
	[tilespmem:s21+$0xFAB0] =	vst v33  }
0x39f: {  	v51 =	vadd.s32 v12, v25;
	[tilespmem:s21+$0xFB20] =	vst v42;
	v50 =	vld.idx.msk [tilespmem:v57+s11+$0x0], $0xffff  }
0x3a0: {  	v46 =	vadd.s32 v12, v29;
	v45 =	vadd.s32 v11, v19;
	v41 =	vld.idx.msk [tilespmem:v58+s11+$0x0], $0xffff;
	[tilespmem:s21+$0x10230] =	vst v60  }
0x3a1: {  	v44 =	vadd.s32 v9, v18;
	v48 =	vadd.s32 v8, v31;
	v40 =	vld.idx.msk [tilespmem:v62+s9+$0x0], $0xffff;
	[tilespmem:s21+$0xFBB0] =	vst v37  }
0x3a2: {  	v36 =	vadd.s32 v8, v18;
	v43 =	vadd.s32 v12, v23;
	v42 =	vld.idx.msk [tilespmem:v63+s11+$0x0], $0xffff;
	[tilespmem:s21+$0x101B0] =	vst v35  }
0x3a3: {  	v38 =	vadd.s32 v10, v18;
	v34 =	vadd.s32 v12, v18;
	[tilespmem:s21+$0x100B0] =	vst v49;
	v39 =	vld.idx.msk [tilespmem:v61+s9+$0x0], $0xffff  }
0x3a4: {  	s23 =	simm.s32 $0x8;
	v33 =	vadd.s32 v12, v28;
	v35 =	vadd.s32 v11, v18;
	v37 =	vld.idx.msk [tilespmem:v51+s9+$0x0], $0xffff;
	[tilespmem:s21+$0x102B0] =	vst v50  }
.LBB2_7:
0x3a5: {  	s25 =	sor.u32 s22, s23  }
0x3a6: {  	p0 =	slt.u32 s23, $0x38;
	v49 =	vadd.s32 v13, v30;
	v50 =	vadd.s32 v12, v21;
	v46 =	vld.idx.msk [tilespmem:v46+s9+$0x0], $0xffff;
	[tilespmem:s21+$0x10320] =	vst v41;
	s24 =	smov.u32 s23;
	s23 =	sadd.s32 $0x8, s23  }
0x3a7: {  	v51 =	vadd.s32 v12, v22;
	v41 =	vmov s25;
	s26 =	sor.u32 $0x1, s25;
	s28 =	sor.u32 $0x2, s25;
	s29 =	sor.u32 $0x5, s25;
	[tilespmem:s21+$0xFD70] =	vst v47;
	v47 =	vadd.s32 v12, v24;
	v45 =	vld.idx.msk [tilespmem:v45+s9+$0x0], $0xffff  }
0x3a8: {  	v41 =	vand.u32 $0xFFFFFFF8, v41;
	v52 =	vmov s26;
	v53 =	vmov s28;
	s26 =	sor.u32 $0x4, s25;
	s28 =	sor.u32 $0x6, s25;
	v48 =	vld.idx.msk [tilespmem:v48+s9+$0x0], $0xffff;
	[tilespmem:s21+$0xF9C0] =	vst v39  }
0x3a9: {  	s30 =	sor.u32 $0x3, s25;
	v54 =	vbroadcast v41, $0x0;
	v41 =	vand.u32 $0xFFFFFFF9, v52;
	v39 =	vand.u32 $0xFFFFFFFA, v53;
	v52 =	vld.idx.msk [tilespmem:v43+s11+$0x0], $0xffff;
	[tilespmem:s21+$0xFA40] =	vst v40  }
0x3aa: {  	v40 =	vmov s30;
	v53 =	vmov s26;
	v55 =	vmov s28;
	[tilespmem:s21+$0x103B0] =	vst v42  }
0x3ab: {  	v43 =	vand.u32 $0xFFFFFFFB, v40;
	v42 =	vand.u32 $0xFFFFFFFC, v53;
	v40 =	vmov s29;
	[tilespmem:s21+$0xF8C0] =	vst v37;
	v53 =	vld.idx.msk [tilespmem:v33+s9+$0x0], $0xffff  }
0x3ac: {  	v40 =	vand.u32 $0xFFFFFFFD, v40;
	v33 =	vand.u32 $0xFFFFFFFE, v55;
	v51 =	vld.idx.msk [tilespmem:v51+s11+$0x0], $0xffff;
	[tilespmem:s21+$0xFAC0] =	vst v46  }
0x3ad: {  	v46 =	vld.idx.msk [tilespmem:v47+s11+$0x0], $0xffff;
	[tilespmem:s21+$0xFB30] =	vst v45;
	v45 =	vadd.s32 v12, v27  }
0x3ae: {  	v47 =	vadd.s32 v13, v25;
	[tilespmem:s21+$0xF900] =	vst v48;
	v48 =	vld.idx.msk [tilespmem:v50+s11+$0x0], $0xffff  }
0x3af: {  	v50 =	vadd.s32 v13, v29;
	v37 =	vld.idx.msk [tilespmem:v54+s2+$0x0], $0xffff;
	[tilespmem:s21+$0x101C0] =	vst v52  }
0x3b0: {  	v52 =	vadd.s32 v13, v26;
	v49 =	vld.idx.msk [tilespmem:v49+s9+$0x0], $0xffff  }
0x3b1: {  	v55 =	vld.idx.msk [tilespmem:v36+s11+$0x0], $0xffff;
	[tilespmem:s21+$0xFBC0] =	vst v53  }
0x3b2: {  	[tilespmem:s21+$0x100C0] =	vst v51;
	v51 =	vadd.s32 v13, v23;
	v45 =	vld.idx.msk [tilespmem:v45+s11+$0x0], $0xffff  }
0x3b3: {  	v53 =	vadd.s32 v9, v31;
	v47 =	vld.idx.msk [tilespmem:v47+s9+$0x0], $0xffff;
	[tilespmem:s21+$0x102C0] =	vst v46  }
0x3b4: {  	[tilespmem:s21+$0x10240] =	vst v48;
	v46 =	vld.idx.msk [tilespmem:v50+s9+$0x0], $0xffff;
	v48 =	vadd.s32 v13, v28  }
0x3b5: {  	v50 =	vadd.s32 v0, v37;
	v52 =	vld.idx.msk [tilespmem:v52+s9+$0x0], $0xffff  }
0x3b6: {  	v36 =	vld.idx.msk [tilespmem:v54+s12+$0x0], $0xffff;
	[tilespmem:s21+$0xF9D0] =	vst v49;
	v49 =	vadd.s32 v13, v24  }
0x3b7: {  	v54 =	vadd.s32 v13, v22;
	[tilespmem:s21+$0x10100] =	vst v55;
	v51 =	vld.idx.msk [tilespmem:v51+s11+$0x0], $0xffff  }
0x3b8: {  	v55 =	vadd.s32 v13, v21;
	v53 =	vld.idx.msk [tilespmem:v53+s9+$0x0], $0xffff;
	[tilespmem:s21+$0x103C0] =	vst v45  }
0x3b9: {  	v45 =	vadd.s32 v14, v30;
	[tilespmem:s21+$0xF8D0] =	vst v47;
	v47 =	vld.idx.msk [tilespmem:v48+s9+$0x0], $0xffff  }
0x3ba: {  	v48 =	vld.idx.msk [tilespmem:v50+s9+$0x0], $0xffff;
	[tilespmem:s21+$0xFAD0] =	vst v46  }
0x3bb: {  	[tilespmem:s21+$0xFA50] =	vst v52;
	v46 =	vld.idx.msk [tilespmem:v49+s11+$0x0], $0xffff;
	v49 =	vadd.s32 v13, v27  }
0x3bc: {  	v50 =	vadd.s32 v0, v36;
	v52 =	vld.idx.msk [tilespmem:v54+s11+$0x0], $0xffff  }
0x3bd: {  	v54 =	vadd.s32 v14, v29;
	[tilespmem:s21+$0x101D0] =	vst v51;
	v51 =	vld.idx.msk [tilespmem:v55+s11+$0x0], $0xffff  }
0x3be: {  	s24 =	sshll.u32 s24, $0x9;
	v55 =	vadd.s32 v14, v25;
	[tilespmem:s21+$0xF910] =	vst v53;
	v45 =	vld.idx.msk [tilespmem:v45+s9+$0x0], $0xffff  }
0x3bf: {  	s24 =	sand.u32 $0x3FFFFE00, s24;
	v53 =	vadd.s32 v14, v26;
	v44 =	vld.idx.msk [tilespmem:v44+s11+$0x0], $0xffff;
	[tilespmem:s21+$0xFBD0] =	vst v47  }
0x3c0: {  	v47 =	vadd.s32 v14, v23;
	[tilespmem:s24+$0xF400] =	vst v48;
	v48 =	vld.idx.msk [tilespmem:v49+s11+$0x0], $0xffff  }
0x3c1: {  	v49 =	vld.idx.msk [tilespmem:v50+s11+$0x0], $0xffff;
	v50 =	vadd.s32 v10, v31;
	[tilespmem:s21+$0x102D0] =	vst v46  }
0x3c2: {  	[tilespmem:s21+$0x100D0] =	vst v52;
	v46 =	vld.idx.msk [tilespmem:v54+s9+$0x0], $0xffff;
	v52 =	vadd.s32 v14, v28  }
0x3c3: {  	v54 =	vadd.s32 v1, v37;
	v55 =	vld.idx.msk [tilespmem:v55+s9+$0x0], $0xffff;
	[tilespmem:s21+$0x10250] =	vst v51  }
0x3c4: {  	v51 =	vadd.s32 v14, v24;
	[tilespmem:s21+$0xF9E0] =	vst v45;
	v45 =	vld.idx.msk [tilespmem:v53+s9+$0x0], $0xffff  }
0x3c5: {  	v53 =	vadd.s32 v14, v22;
	[tilespmem:s21+$0x10110] =	vst v44;
	v44 =	vld.idx.msk [tilespmem:v47+s11+$0x0], $0xffff  }
0x3c6: {  	v47 =	vld.idx.msk [tilespmem:v50+s9+$0x0], $0xffff;
	v50 =	vadd.s32 v14, v21;
	[tilespmem:s21+$0x103D0] =	vst v48  }
0x3c7: {  	v30 =	vadd.s32 v15, v30;
	[tilespmem:s24+$0xFC00] =	vst v49;
	v48 =	vld.idx.msk [tilespmem:v52+s9+$0x0], $0xffff  }
0x3c8: {  	v49 =	vld.idx.msk [tilespmem:v54+s9+$0x0], $0xffff;
	[tilespmem:s21+$0xFAE0] =	vst v46  }
0x3c9: {  	[tilespmem:s21+$0xF8E0] =	vst v55;
	v46 =	vld.idx.msk [tilespmem:v51+s11+$0x0], $0xffff;
	v51 =	vadd.s32 v14, v27  }
0x3ca: {  	v52 =	vadd.s32 v1, v36;
	v53 =	vld.idx.msk [tilespmem:v53+s11+$0x0], $0xffff;
	[tilespmem:s21+$0xFA60] =	vst v45  }
0x3cb: {  	v29 =	vadd.s32 v15, v29;
	[tilespmem:s21+$0x101E0] =	vst v44;
	v44 =	vld.idx.msk [tilespmem:v50+s11+$0x0], $0xffff  }
0x3cc: {  	v25 =	vadd.s32 v15, v25;
	[tilespmem:s21+$0xF920] =	vst v47;
	v30 =	vld.idx.msk [tilespmem:v30+s9+$0x0], $0xffff  }
0x3cd: {  	v26 =	vadd.s32 v15, v26;
	v38 =	vld.idx.msk [tilespmem:v38+s11+$0x0], $0xffff;
	[tilespmem:s21+$0xFBE0] =	vst v48  }
0x3ce: {  	v23 =	vadd.s32 v15, v23;
	[tilespmem:s24+$0xF410] =	vst v49;
	v45 =	vld.idx.msk [tilespmem:v51+s11+$0x0], $0xffff  }
0x3cf: {  	v48 =	vadd.s32 v11, v31;
	v47 =	vld.idx.msk [tilespmem:v52+s11+$0x0], $0xffff;
	[tilespmem:s21+$0x102E0] =	vst v46  }
0x3d0: {  	v28 =	vadd.s32 v15, v28;
	[tilespmem:s21+$0x100E0] =	vst v53;
	v29 =	vld.idx.msk [tilespmem:v29+s9+$0x0], $0xffff  }
0x3d1: {  	v46 =	vadd.s32 v2, v37;
	v25 =	vld.idx.msk [tilespmem:v25+s9+$0x0], $0xffff;
	[tilespmem:s21+$0x10260] =	vst v44  }
0x3d2: {  	v24 =	vadd.s32 v15, v24;
	[tilespmem:s21+$0xF9F0] =	vst v30;
	v26 =	vld.idx.msk [tilespmem:v26+s9+$0x0], $0xffff  }
0x3d3: {  	v22 =	vadd.s32 v15, v22;
	[tilespmem:s21+$0x10120] =	vst v38;
	v23 =	vld.idx.msk [tilespmem:v23+s11+$0x0], $0xffff  }
0x3d4: {  	v21 =	vadd.s32 v15, v21;
	v30 =	vld.idx.msk [tilespmem:v48+s9+$0x0], $0xffff;
	[tilespmem:s21+$0x103E0] =	vst v45  }
0x3d5: {  	v38 =	vadd.s32 v11, v20;
	[tilespmem:s24+$0xFC10] =	vst v47;
	v28 =	vld.idx.msk [tilespmem:v28+s9+$0x0], $0xffff  }
0x3d6: {  	v45 =	vadd.s32 v7, v16;
	v44 =	vld.idx.msk [tilespmem:v46+s9+$0x0], $0xffff;
	[tilespmem:s21+$0xFAF0] =	vst v29  }
0x3d7: {  	[tilespmem:s21+$0xF8F0] =	vst v25;
	v24 =	vld.idx.msk [tilespmem:v24+s11+$0x0], $0xffff;
	v25 =	vadd.s32 v15, v27  }
0x3d8: {  	v27 =	vadd.s32 v2, v36;
	v22 =	vld.idx.msk [tilespmem:v22+s11+$0x0], $0xffff;
	[tilespmem:s21+$0xFA70] =	vst v26  }
0x3d9: {  	[tilespmem:s21+$0xF470] =	vst v32;
	v21 =	vld.idx.msk [tilespmem:v21+s11+$0x0], $0xffff  }
0x3da: {  	[tilespmem:s21+$0xF930] =	vst v30;
	v26 =	vld.idx.msk [tilespmem:v38+s11+$0x0], $0xffff  }
0x3db: {  	v29 =	vld.idx.msk [tilespmem:v45+s11+$0x0], $0xffff;
	[tilespmem:s21+$0xFBF0] =	vst v28  }
0x3dc: {  	v28 =	vadd.s32 v12, v19;
	[tilespmem:s24+$0xF420] =	vst v44;
	v25 =	vld.idx.msk [tilespmem:v25+s11+$0x0], $0xffff  }
0x3dd: {  	v30 =	vadd.s32 v8, v17;
	v27 =	vld.idx.msk [tilespmem:v27+s11+$0x0], $0xffff;
	[tilespmem:s21+$0x102F0] =	vst v24  }
0x3de: {  	[tilespmem:s21+$0x100F0] =	vst v22;
	v22 =	vld.idx.msk [tilespmem:v35+s11+$0x0], $0xffff  }
0x3df: {  	v24 =	vadd.s32 v3, v37;
	[tilespmem:s21+$0x10270] =	vst v21  }
0x3e0: {  	v21 =	vadd.s32 v12, v31;
	[tilespmem:s21+$0x10330] =	vst v26  }
0x3e1: {  	[tilespmem:s21+$0xFC70] =	vst v29;
	v26 =	vld.idx.msk [tilespmem:v28+s9+$0x0], $0xffff  }
0x3e2: {  	v28 =	vld.idx.msk [tilespmem:v30+s9+$0x0], $0xffff;
	[tilespmem:s21+$0x103F0] =	vst v25  }
0x3e3: {  	v25 =	vadd.s32 v12, v20;
	[tilespmem:s24+$0xFC20] =	vst v27  }
0x3e4: {  	v27 =	vadd.s32 v8, v16;
	v24 =	vld.idx.msk [tilespmem:v24+s9+$0x0], $0xffff;
	[tilespmem:s21+$0x10130] =	vst v22  }
0x3e5: {  	v21 =	vld.idx.msk [tilespmem:v21+s9+$0x0], $0xffff;
	[tilespmem:s21+$0x101F0] =	vst v23  }
0x3e6: {  	v22 =	vadd.s32 v3, v36  }
0x3e7: {  	[tilespmem:s21+$0xFB40] =	vst v26  }
0x3e8: {  	[tilespmem:s21+$0xF800] =	vst v28;
	v23 =	vld.idx.msk [tilespmem:v25+s11+$0x0], $0xffff  }
0x3e9: {  	v25 =	vld.idx.msk [tilespmem:v27+s11+$0x0], $0xffff  }
0x3ea: {  	[tilespmem:s24+$0xF430] =	vst v24;
	v24 =	vadd.s32 v13, v19  }
0x3eb: {  	v26 =	vadd.s32 v9, v17;
	v22 =	vld.idx.msk [tilespmem:v22+s11+$0x0], $0xffff;
	[tilespmem:s21+$0xF940] =	vst v21  }
0x3ec: {  	v21 =	vld.idx.msk [tilespmem:v34+s11+$0x0], $0xffff  }
0x3ed: {  	v27 =	vadd.s32 v4, v37  }
0x3ee: {  	v28 =	vadd.s32 v13, v31;
	[tilespmem:s21+$0x10340] =	vst v23  }
0x3ef: {  	[tilespmem:s21+$0x10000] =	vst v25;
	v23 =	vld.idx.msk [tilespmem:v24+s9+$0x0], $0xffff  }
0x3f0: {  	v24 =	vld.idx.msk [tilespmem:v26+s9+$0x0], $0xffff  }
0x3f1: {  	[tilespmem:s24+$0xFC30] =	vst v22;
	v22 =	vadd.s32 v13, v20  }
0x3f2: {  	v26 =	vadd.s32 v9, v16;
	v25 =	vld.idx.msk [tilespmem:v27+s9+$0x0], $0xffff;
	[tilespmem:s21+$0x10140] =	vst v21  }
0x3f3: {  	v21 =	vld.idx.msk [tilespmem:v28+s9+$0x0], $0xffff  }
0x3f4: {  	v27 =	vadd.s32 v4, v36  }
0x3f5: {  	v28 =	vadd.s32 v13, v18;
	[tilespmem:s21+$0xFB50] =	vst v23  }
0x3f6: {  	[tilespmem:s21+$0xF810] =	vst v24;
	v22 =	vld.idx.msk [tilespmem:v22+s11+$0x0], $0xffff  }
0x3f7: {  	v23 =	vld.idx.msk [tilespmem:v26+s11+$0x0], $0xffff  }
0x3f8: {  	v24 =	vadd.s32 v14, v19;
	[tilespmem:s24+$0xF440] =	vst v25  }
0x3f9: {  	v26 =	vadd.s32 v10, v17;
	v25 =	vld.idx.msk [tilespmem:v27+s11+$0x0], $0xffff;
	[tilespmem:s21+$0xF950] =	vst v21  }
0x3fa: {  	v21 =	vld.idx.msk [tilespmem:v28+s11+$0x0], $0xffff  }
0x3fb: {  	v27 =	vadd.s32 v5, v37  }
0x3fc: {  	v28 =	vadd.s32 v14, v31;
	[tilespmem:s21+$0x10350] =	vst v22  }
0x3fd: {  	[tilespmem:s21+$0x10010] =	vst v23;
	v22 =	vld.idx.msk [tilespmem:v24+s9+$0x0], $0xffff  }
0x3fe: {  	v23 =	vld.idx.msk [tilespmem:v26+s9+$0x0], $0xffff  }
0x3ff: {  	v24 =	vadd.s32 v14, v20;
	[tilespmem:s24+$0xFC40] =	vst v25  }
0x400: {  	v26 =	vadd.s32 v10, v16;
	v25 =	vld.idx.msk [tilespmem:v27+s9+$0x0], $0xffff;
	[tilespmem:s21+$0x10150] =	vst v21  }
0x401: {  	v21 =	vld.idx.msk [tilespmem:v28+s9+$0x0], $0xffff  }
0x402: {  	v27 =	vadd.s32 v5, v36  }
0x403: {  	v28 =	vadd.s32 v14, v18;
	[tilespmem:s21+$0xFB60] =	vst v22  }
0x404: {  	[tilespmem:s21+$0xF820] =	vst v23;
	v22 =	vld.idx.msk [tilespmem:v24+s11+$0x0], $0xffff  }
0x405: {  	v23 =	vld.idx.msk [tilespmem:v26+s11+$0x0], $0xffff  }
0x406: {  	v19 =	vadd.s32 v15, v19;
	[tilespmem:s24+$0xF450] =	vst v25  }
0x407: {  	v25 =	vadd.s32 v11, v17;
	v24 =	vld.idx.msk [tilespmem:v27+s11+$0x0], $0xffff;
	[tilespmem:s21+$0xF960] =	vst v21  }
0x408: {  	v21 =	vld.idx.msk [tilespmem:v28+s11+$0x0], $0xffff  }
0x409: {  	v26 =	vadd.s32 v6, v37  }
0x40a: {  	v27 =	vadd.s32 v15, v31;
	[tilespmem:s21+$0x10360] =	vst v22  }
0x40b: {  	[tilespmem:s21+$0x10020] =	vst v23;
	v19 =	vld.idx.msk [tilespmem:v19+s9+$0x0], $0xffff  }
0x40c: {  	v22 =	vld.idx.msk [tilespmem:v25+s9+$0x0], $0xffff  }
0x40d: {  	v20 =	vadd.s32 v15, v20;
	[tilespmem:s24+$0xFC50] =	vst v24  }
0x40e: {  	v24 =	vadd.s32 v11, v16;
	v23 =	vld.idx.msk [tilespmem:v26+s9+$0x0], $0xffff;
	[tilespmem:s21+$0x10160] =	vst v21  }
0x40f: {  	v21 =	vld.idx.msk [tilespmem:v27+s9+$0x0], $0xffff  }
0x410: {  	v25 =	vadd.s32 v6, v36;
	v27 =	vbroadcast v41, $0x0  }
0x411: {  	v31 =	vbroadcast v39, $0x0;
	[tilespmem:s21+$0xFB70] =	vst v19  }
0x412: {  	v19 =	vbroadcast v43, $0x0;
	[tilespmem:s21+$0xF830] =	vst v22;
	v20 =	vld.idx.msk [tilespmem:v20+s11+$0x0], $0xffff  }
0x413: {  	v22 =	vbroadcast v42, $0x0;
	v24 =	vld.idx.msk [tilespmem:v24+s11+$0x0], $0xffff  }
0x414: {  	[tilespmem:s24+$0xF460] =	vst v23  }
0x415: {  	v32 =	vld.idx.msk [tilespmem:v25+s11+$0x0], $0xffff;
	[tilespmem:s21+$0xF970] =	vst v21  }
0x416: {  	v28 =	vadd.s32 v12, v17;
	v23 =	vbroadcast v40, $0x0;
	v25 =	vld.idx.msk [tilespmem:v27+s2+$0x0], $0xffff  }
0x417: {  	v48 =	vld.idx.msk [tilespmem:v31+s12+$0x0], $0xffff  }
0x418: {  	v30 =	vld.idx.msk [tilespmem:v19+s2+$0x0], $0xffff;
	[tilespmem:s21+$0x10370] =	vst v20  }
0x419: {  	v26 =	vld.idx.msk [tilespmem:v22+s2+$0x0], $0xffff;
	[tilespmem:s21+$0x10030] =	vst v24  }
0x41a: {  	s25 =	sor.u32 $0x7, s25;
	v21 =	vld.idx.msk [tilespmem:v22+s12+$0x0], $0xffff  }
0x41b: {  	v20 =	vmov s25;
	v38 =	vld.idx.msk [tilespmem:v28+s9+$0x0], $0xffff  }
0x41c: {  	v34 =	vadd.s32 v0, v25;
	v46 =	vadd.s32 v2, v25;
	v29 =	vld.idx.msk [tilespmem:v23+s2+$0x0], $0xffff  }
0x41d: {  	v22 =	vld.idx.msk [tilespmem:v27+s12+$0x0], $0xffff;
	v27 =	vadd.s32 v12, v16  }
0x41e: {  	v39 =	vadd.s32 v0, v30;
	v24 =	vld.idx.msk [tilespmem:v23+s12+$0x0], $0xffff  }
0x41f: {  	v45 =	vbroadcast v33, $0x0;
	v23 =	vld.idx.msk [tilespmem:v19+s12+$0x0], $0xffff;
	v19 =	vadd.s32 v0, v26  }
0x420: {  	v50 =	vadd.s32 v13, v17;
	v28 =	vld.idx.msk [tilespmem:v20+s2+$0x0], $0xffff  }
0x421: {  	v35 =	vadd.s32 v5, v48;
	v51 =	vld.idx.msk [tilespmem:v34+s9+$0x0], $0xffff;
	v34 =	vadd.s32 v6, v48;
	[tilespmem:s21+$0xF840] =	vst v38  }
0x422: {  	v52 =	vadd.s32 v0, v29;
	v49 =	vadd.s32 v4, v29;
	v44 =	vadd.s32 v5, v29;
	v53 =	vld.idx.msk [tilespmem:v27+s11+$0x0], $0xffff  }
0x423: {  	v42 =	vadd.s32 v6, v29;
	v40 =	vadd.s32 v7, v29;
	v54 =	vadd.s32 v0, v22;
	v55 =	vld.idx.msk [tilespmem:v39+s9+$0x0], $0xffff  }
0x424: {  	v47 =	vadd.s32 v4, v24;
	v43 =	vadd.s32 v5, v24;
	v38 =	vadd.s32 v8, v24;
	v56 =	vld.idx.msk [tilespmem:v19+s9+$0x0], $0xffff  }
0x425: {  	v41 =	vadd.s32 v6, v24;
	v39 =	vadd.s32 v7, v24;
	v57 =	vadd.s32 v0, v23;
	v19 =	vld.idx.msk [tilespmem:v45+s2+$0x0], $0xffff  }
0x426: {  	v58 =	vadd.s32 v0, v21;
	v33 =	vadd.s32 v12, v28;
	v27 =	vld.idx.msk [tilespmem:v20+s12+$0x0], $0xffff  }
0x427: {  	[tilespmem:s24+$0xF480] =	vst v51;
	v20 =	vld.idx.msk [tilespmem:v52+s9+$0x0], $0xffff;
	v51 =	vadd.s32 v0, v28  }
0x428: {  	v52 =	vld.idx.msk [tilespmem:v54+s11+$0x0], $0xffff;
	[tilespmem:s21+$0x10040] =	vst v53  }
0x429: {  	v53 =	vadd.s32 v0, v24;
	[tilespmem:s24+$0xF580] =	vst v55;
	v50 =	vld.idx.msk [tilespmem:v50+s9+$0x0], $0xffff  }
0x42a: {  	v54 =	vadd.s32 v1, v25;
	v55 =	vld.idx.msk [tilespmem:v57+s11+$0x0], $0xffff;
	[tilespmem:s24+$0xF600] =	vst v56  }
0x42b: {  	v57 =	vadd.s32 v13, v16;
	v56 =	vld.idx.msk [tilespmem:v58+s11+$0x0], $0xffff  }
0x42c: {  	v58 =	vadd.s32 v1, v30;
	v51 =	vld.idx.msk [tilespmem:v51+s9+$0x0], $0xffff  }
0x42d: {  	v59 =	vadd.s32 v1, v26;
	[tilespmem:s24+$0xF680] =	vst v20;
	v20 =	vld.idx.msk [tilespmem:v45+s12+$0x0], $0xffff  }
0x42e: {  	[tilespmem:s24+$0xFC80] =	vst v52;
	v52 =	vld.idx.msk [tilespmem:v53+s11+$0x0], $0xffff;
	v53 =	vadd.s32 v0, v27  }
0x42f: {  	v60 =	vadd.s32 v0, v19;
	v54 =	vld.idx.msk [tilespmem:v54+s9+$0x0], $0xffff;
	[tilespmem:s21+$0xF850] =	vst v50  }
0x430: {  	v50 =	vadd.s32 v1, v29;
	[tilespmem:s24+$0xFD80] =	vst v55;
	v55 =	vld.idx.msk [tilespmem:v57+s11+$0x0], $0xffff  }
0x431: {  	v57 =	vadd.s32 v1, v22;
	v58 =	vld.idx.msk [tilespmem:v58+s9+$0x0], $0xffff;
	[tilespmem:s24+$0xFE00] =	vst v56  }
0x432: {  	v45 =	vadd.s32 v1, v48;
	v56 =	vld.idx.msk [tilespmem:v59+s9+$0x0], $0xffff;
	[tilespmem:s24+$0xF780] =	vst v51;
	v51 =	vadd.s32 v14, v17  }
0x433: {  	v59 =	vadd.s32 v1, v23;
	v53 =	vld.idx.msk [tilespmem:v53+s11+$0x0], $0xffff  }
0x434: {  	v61 =	vadd.s32 v1, v21;
	[tilespmem:s24+$0xFE80] =	vst v52;
	v52 =	vld.idx.msk [tilespmem:v60+s9+$0x0], $0xffff  }
0x435: {  	[tilespmem:s24+$0xF490] =	vst v54;
	v50 =	vld.idx.msk [tilespmem:v50+s9+$0x0], $0xffff;
	v54 =	vadd.s32 v1, v28  }
0x436: {  	v60 =	vadd.s32 v0, v20;
	v57 =	vld.idx.msk [tilespmem:v57+s11+$0x0], $0xffff;
	[tilespmem:s21+$0x10050] =	vst v55  }
0x437: {  	v55 =	vadd.s32 v1, v24;
	[tilespmem:s24+$0xF590] =	vst v58;
	v51 =	vld.idx.msk [tilespmem:v51+s9+$0x0], $0xffff  }
0x438: {  	v58 =	vld.idx.msk [tilespmem:v59+s11+$0x0], $0xffff;
	[tilespmem:s24+$0xF610] =	vst v56  }
0x439: {  	v56 =	vld.idx.msk [tilespmem:v61+s11+$0x0], $0xffff;
	[tilespmem:s24+$0xFF80] =	vst v53;
	v53 =	vadd.s32 v14, v16  }
0x43a: {  	v59 =	vadd.s32 v2, v30;
	[tilespmem:s24+$0xF700] =	vst v52;
	v52 =	vld.idx.msk [tilespmem:v54+s9+$0x0], $0xffff  }
0x43b: {  	v54 =	vadd.s32 v2, v26;
	[tilespmem:s24+$0xF690] =	vst v50;
	v50 =	vld.idx.msk [tilespmem:v60+s11+$0x0], $0xffff  }
0x43c: {  	[tilespmem:s24+$0xFC90] =	vst v57;
	v55 =	vld.idx.msk [tilespmem:v55+s11+$0x0], $0xffff;
	v57 =	vadd.s32 v1, v27  }
0x43d: {  	v61 =	vadd.s32 v1, v19;
	v60 =	vld.idx.msk [tilespmem:v46+s9+$0x0], $0xffff;
	[tilespmem:s21+$0xF860] =	vst v51  }
0x43e: {  	v51 =	vadd.s32 v2, v29;
	[tilespmem:s24+$0xFD90] =	vst v58;
	v53 =	vld.idx.msk [tilespmem:v53+s11+$0x0], $0xffff  }
0x43f: {  	v58 =	vadd.s32 v2, v22;
	v59 =	vld.idx.msk [tilespmem:v59+s9+$0x0], $0xffff;
	[tilespmem:s24+$0xFE10] =	vst v56  }
0x440: {  	v46 =	vadd.s32 v2, v48;
	v54 =	vld.idx.msk [tilespmem:v54+s9+$0x0], $0xffff;
	[tilespmem:s24+$0xF790] =	vst v52;
	v52 =	vadd.s32 v15, v17;
	v17 =	vmov v37  }
0x441: {  	v37 =	vadd.s32 v2, v23;
	[tilespmem:s24+$0xFF00] =	vst v50;
	v50 =	vld.idx.msk [tilespmem:v57+s11+$0x0], $0xffff  }
0x442: {  	v56 =	vadd.s32 v2, v21;
	[tilespmem:s24+$0xFE90] =	vst v55;
	v55 =	vld.idx.msk [tilespmem:v61+s9+$0x0], $0xffff  }
0x443: {  	v57 =	vadd.s32 v2, v28;
	[tilespmem:s24+$0xF4A0] =	vst v60;
	v51 =	vld.idx.msk [tilespmem:v51+s9+$0x0], $0xffff  }
0x444: {  	v60 =	vadd.s32 v1, v20;
	v58 =	vld.idx.msk [tilespmem:v58+s11+$0x0], $0xffff;
	[tilespmem:s21+$0x10060] =	vst v53  }
0x445: {  	v53 =	vadd.s32 v2, v24;
	[tilespmem:s24+$0xF5A0] =	vst v59;
	v52 =	vld.idx.msk [tilespmem:v52+s9+$0x0], $0xffff  }
0x446: {  	v59 =	vadd.s32 v7, v17;
	v37 =	vld.idx.msk [tilespmem:v37+s11+$0x0], $0xffff;
	[tilespmem:s24+$0xF620] =	vst v54  }
0x447: {  	v54 =	vld.idx.msk [tilespmem:v56+s11+$0x0], $0xffff;
	[tilespmem:s24+$0xFF90] =	vst v50;
	v50 =	vadd.s32 v15, v16;
	v16 =	vmov v36  }
0x448: {  	v36 =	vadd.s32 v3, v30;
	[tilespmem:s24+$0xF710] =	vst v55;
	v55 =	vld.idx.msk [tilespmem:v57+s9+$0x0], $0xffff  }
0x449: {  	v56 =	vadd.s32 v3, v26;
	[tilespmem:s24+$0xF6A0] =	vst v51;
	v51 =	vld.idx.msk [tilespmem:v60+s11+$0x0], $0xffff  }
0x44a: {  	v57 =	vadd.s32 v2, v27;
	[tilespmem:s24+$0xFC60] =	vst v32;
	v53 =	vld.idx.msk [tilespmem:v53+s11+$0x0], $0xffff  }
0x44b: {  	v32 =	vld.idx.msk [tilespmem:v59+s9+$0x0], $0xffff;
	v59 =	vadd.s32 v3, v25;
	[tilespmem:s21+$0xF870] =	vst v52  }
0x44c: {  	[tilespmem:s24+$0xFDA0] =	vst v37;
	v37 =	vadd.s32 v3, v29;
	v50 =	vld.idx.msk [tilespmem:v50+s11+$0x0], $0xffff  }
0x44d: {  	v52 =	vld.idx.msk [tilespmem:v36+s9+$0x0], $0xffff;
	[tilespmem:s24+$0xFE20] =	vst v54;
	v54 =	vadd.s32 v2, v19  }
0x44e: {  	v36 =	vadd.s32 v3, v48;
	v56 =	vld.idx.msk [tilespmem:v56+s9+$0x0], $0xffff;
	[tilespmem:s24+$0xF7A0] =	vst v55  }
0x44f: {  	v55 =	vadd.s32 v3, v23;
	[tilespmem:s24+$0xFCA0] =	vst v58;
	v57 =	vld.idx.msk [tilespmem:v57+s11+$0x0], $0xffff  }
0x450: {  	v58 =	vld.idx.msk [tilespmem:v59+s9+$0x0], $0xffff;
	v59 =	vadd.s32 v3, v21;
	[tilespmem:s24+$0xFEA0] =	vst v53  }
0x451: {  	v37 =	vld.idx.msk [tilespmem:v37+s9+$0x0], $0xffff;
	[tilespmem:s24+$0xFF10] =	vst v51;
	v51 =	vadd.s32 v3, v28  }
0x452: {  	v53 =	vadd.s32 v3, v22;
	v54 =	vld.idx.msk [tilespmem:v54+s9+$0x0], $0xffff;
	[tilespmem:s21+$0x10070] =	vst v50  }
0x453: {  	v50 =	vadd.s32 v3, v24;
	v31 =	vld.idx.msk [tilespmem:v31+s2+$0x0], $0xffff;
	[tilespmem:s24+$0xF5B0] =	vst v52  }
0x454: {  	v52 =	vld.idx.msk [tilespmem:v55+s11+$0x0], $0xffff;
	[tilespmem:s24+$0xF630] =	vst v56;
	v55 =	vadd.s32 v2, v20  }
0x455: {  	v56 =	vld.idx.msk [tilespmem:v59+s11+$0x0], $0xffff;
	[tilespmem:s24+$0xFFA0] =	vst v57;
	v57 =	vadd.s32 v15, v18;
	v18 =	vmov v48  }
0x456: {  	v48 =	vadd.s32 v4, v30;
	[tilespmem:s24+$0xF4B0] =	vst v58;
	v51 =	vld.idx.msk [tilespmem:v51+s9+$0x0], $0xffff  }
0x457: {  	v58 =	vadd.s32 v4, v26;
	v53 =	vld.idx.msk [tilespmem:v53+s11+$0x0], $0xffff;
	[tilespmem:s24+$0xF6B0] =	vst v37  }
0x458: {  	v37 =	vld.idx.msk [tilespmem:v50+s11+$0x0], $0xffff;
	[tilespmem:s24+$0xF720] =	vst v54;
	v50 =	vadd.s32 v3, v27  }
0x459: {  	v54 =	vadd.s32 v4, v25;
	v55 =	vld.idx.msk [tilespmem:v55+s11+$0x0], $0xffff  }
0x45a: {  	[tilespmem:s24+$0xFDB0] =	vst v52;
	v52 =	vld.idx.msk [tilespmem:v57+s11+$0x0], $0xffff  }
0x45b: {  	v57 =	vld.idx.msk [tilespmem:v48+s9+$0x0], $0xffff;
	[tilespmem:s24+$0xFE30] =	vst v56;
	v56 =	vadd.s32 v3, v19  }
0x45c: {  	v59 =	vadd.s32 v0, v31;
	v48 =	vadd.s32 v4, v18;
	v58 =	vld.idx.msk [tilespmem:v58+s9+$0x0], $0xffff;
	[tilespmem:s24+$0xF7B0] =	vst v51  }
0x45d: {  	v51 =	vadd.s32 v4, v23;
	[tilespmem:s24+$0xFCB0] =	vst v53;
	v50 =	vld.idx.msk [tilespmem:v50+s11+$0x0], $0xffff  }
0x45e: {  	v53 =	vld.idx.msk [tilespmem:v54+s9+$0x0], $0xffff;
	v54 =	vadd.s32 v4, v21;
	[tilespmem:s24+$0xFEB0] =	vst v37  }
0x45f: {  	v37 =	vld.idx.msk [tilespmem:v49+s9+$0x0], $0xffff;
	[tilespmem:s24+$0xFF20] =	vst v55;
	v49 =	vadd.s32 v4, v28  }
0x460: {  	v55 =	vadd.s32 v4, v22;
	v56 =	vld.idx.msk [tilespmem:v56+s9+$0x0], $0xffff;
	[tilespmem:s21+$0x10170] =	vst v52;
	s21 =	smov.u32 s24  }
0x461: {  	v52 =	vld.idx.msk [tilespmem:v59+s9+$0x0], $0xffff;
	[tilespmem:s21+$0xF5C0] =	vst v57  }
0x462: {  	v57 =	vadd.s32 v3, v20;
	v51 =	vld.idx.msk [tilespmem:v51+s11+$0x0], $0xffff;
	[tilespmem:s21+$0xF640] =	vst v58  }
0x463: {  	v58 =	vadd.s32 v0, v18;
	v54 =	vld.idx.msk [tilespmem:v54+s11+$0x0], $0xffff;
	[tilespmem:s21+$0xFFB0] =	vst v50  }
0x464: {  	v50 =	vadd.s32 v5, v30;
	[tilespmem:s21+$0xF4C0] =	vst v53;
	v49 =	vld.idx.msk [tilespmem:v49+s9+$0x0], $0xffff  }
0x465: {  	v53 =	vld.idx.msk [tilespmem:v55+s11+$0x0], $0xffff;
	v55 =	vadd.s32 v5, v26;
	[tilespmem:s21+$0xF6C0] =	vst v37  }
0x466: {  	v37 =	vld.idx.msk [tilespmem:v47+s11+$0x0], $0xffff;
	[tilespmem:s21+$0xF730] =	vst v56;
	v47 =	vadd.s32 v4, v27  }
0x467: {  	v56 =	vadd.s32 v5, v25;
	[tilespmem:s21+$0xF500] =	vst v52;
	v52 =	vld.idx.msk [tilespmem:v57+s11+$0x0], $0xffff  }
0x468: {  	v57 =	vld.idx.msk [tilespmem:v58+s11+$0x0], $0xffff;
	[tilespmem:s21+$0xFDC0] =	vst v51  }
0x469: {  	v51 =	vadd.s32 v4, v19;
	v50 =	vld.idx.msk [tilespmem:v50+s9+$0x0], $0xffff;
	[tilespmem:s21+$0xFE40] =	vst v54  }
0x46a: {  	v54 =	vadd.s32 v1, v31;
	v55 =	vld.idx.msk [tilespmem:v55+s9+$0x0], $0xffff;
	[tilespmem:s21+$0xF7C0] =	vst v49  }
0x46b: {  	v49 =	vadd.s32 v5, v23;
	[tilespmem:s21+$0xFCC0] =	vst v53;
	v47 =	vld.idx.msk [tilespmem:v47+s11+$0x0], $0xffff  }
0x46c: {  	v53 =	vld.idx.msk [tilespmem:v56+s9+$0x0], $0xffff;
	v56 =	vadd.s32 v5, v21;
	[tilespmem:s21+$0xFEC0] =	vst v37  }
0x46d: {  	v37 =	vld.idx.msk [tilespmem:v44+s9+$0x0], $0xffff;
	[tilespmem:s21+$0xFF30] =	vst v52;
	v44 =	vadd.s32 v5, v28  }
0x46e: {  	v52 =	vadd.s32 v5, v22;
	[tilespmem:s21+$0xFD00] =	vst v57;
	v51 =	vld.idx.msk [tilespmem:v51+s9+$0x0], $0xffff  }
0x46f: {  	v54 =	vld.idx.msk [tilespmem:v54+s9+$0x0], $0xffff;
	[tilespmem:s21+$0xF5D0] =	vst v50  }
0x470: {  	v50 =	vadd.s32 v4, v20;
	v49 =	vld.idx.msk [tilespmem:v49+s11+$0x0], $0xffff;
	[tilespmem:s21+$0xF650] =	vst v55  }
0x471: {  	v55 =	vld.idx.msk [tilespmem:v56+s11+$0x0], $0xffff;
	[tilespmem:s21+$0xFFC0] =	vst v47  }
0x472: {  	v47 =	vadd.s32 v6, v30;
	[tilespmem:s21+$0xF4D0] =	vst v53;
	v44 =	vld.idx.msk [tilespmem:v44+s9+$0x0], $0xffff  }
0x473: {  	v53 =	vadd.s32 v6, v26;
	v52 =	vld.idx.msk [tilespmem:v52+s11+$0x0], $0xffff;
	[tilespmem:s21+$0xF6D0] =	vst v37  }
0x474: {  	v37 =	vld.idx.msk [tilespmem:v43+s11+$0x0], $0xffff;
	[tilespmem:s21+$0xF740] =	vst v51;
	v43 =	vadd.s32 v5, v27  }
0x475: {  	v51 =	vadd.s32 v6, v25;
	[tilespmem:s21+$0xF510] =	vst v54;
	v50 =	vld.idx.msk [tilespmem:v50+s11+$0x0], $0xffff  }
0x476: {  	v45 =	vld.idx.msk [tilespmem:v45+s11+$0x0], $0xffff;
	[tilespmem:s21+$0xFDD0] =	vst v49  }
0x477: {  	v49 =	vadd.s32 v5, v19;
	v47 =	vld.idx.msk [tilespmem:v47+s9+$0x0], $0xffff;
	[tilespmem:s21+$0xFE50] =	vst v55  }
0x478: {  	v54 =	vadd.s32 v2, v31;
	v53 =	vld.idx.msk [tilespmem:v53+s9+$0x0], $0xffff;
	[tilespmem:s21+$0xF7D0] =	vst v44  }
0x479: {  	v44 =	vadd.s32 v6, v23;
	[tilespmem:s21+$0xFCD0] =	vst v52;
	v43 =	vld.idx.msk [tilespmem:v43+s11+$0x0], $0xffff  }
0x47a: {  	v52 =	vadd.s32 v6, v21;
	v51 =	vld.idx.msk [tilespmem:v51+s9+$0x0], $0xffff;
	[tilespmem:s21+$0xFED0] =	vst v37  }
0x47b: {  	v37 =	vld.idx.msk [tilespmem:v42+s9+$0x0], $0xffff;
	[tilespmem:s21+$0xFF40] =	vst v50;
	v42 =	vadd.s32 v6, v28  }
0x47c: {  	v50 =	vadd.s32 v6, v22;
	[tilespmem:s21+$0xFD10] =	vst v45;
	v45 =	vld.idx.msk [tilespmem:v49+s9+$0x0], $0xffff  }
0x47d: {  	v49 =	vld.idx.msk [tilespmem:v54+s9+$0x0], $0xffff;
	[tilespmem:s21+$0xF5E0] =	vst v47  }
0x47e: {  	v47 =	vadd.s32 v5, v20;
	v44 =	vld.idx.msk [tilespmem:v44+s11+$0x0], $0xffff;
	[tilespmem:s21+$0xF660] =	vst v53  }
0x47f: {  	v52 =	vld.idx.msk [tilespmem:v52+s11+$0x0], $0xffff;
	[tilespmem:s21+$0xFFD0] =	vst v43  }
0x480: {  	v43 =	vadd.s32 v7, v30;
	[tilespmem:s21+$0xF4E0] =	vst v51;
	v42 =	vld.idx.msk [tilespmem:v42+s9+$0x0], $0xffff  }
0x481: {  	v51 =	vadd.s32 v7, v26;
	v50 =	vld.idx.msk [tilespmem:v50+s11+$0x0], $0xffff;
	[tilespmem:s21+$0xF6E0] =	vst v37  }
0x482: {  	v41 =	vld.idx.msk [tilespmem:v41+s11+$0x0], $0xffff;
	[tilespmem:s21+$0xF750] =	vst v45;
	v45 =	vadd.s32 v6, v27  }
0x483: {  	v53 =	vadd.s32 v7, v25;
	[tilespmem:s21+$0xF520] =	vst v49;
	v47 =	vld.idx.msk [tilespmem:v47+s11+$0x0], $0xffff  }
0x484: {  	v46 =	vld.idx.msk [tilespmem:v46+s11+$0x0], $0xffff;
	[tilespmem:s21+$0xFDE0] =	vst v44  }
0x485: {  	v44 =	vadd.s32 v6, v19;
	v43 =	vld.idx.msk [tilespmem:v43+s9+$0x0], $0xffff;
	[tilespmem:s21+$0xFE60] =	vst v52  }
0x486: {  	v37 =	vadd.s32 v7, v18;
	v49 =	vadd.s32 v3, v31;
	v51 =	vld.idx.msk [tilespmem:v51+s9+$0x0], $0xffff;
	[tilespmem:s21+$0xF7E0] =	vst v42  }
0x487: {  	v42 =	vadd.s32 v7, v23;
	[tilespmem:s21+$0xFCE0] =	vst v50;
	v45 =	vld.idx.msk [tilespmem:v45+s11+$0x0], $0xffff  }
0x488: {  	v52 =	vadd.s32 v7, v21;
	v50 =	vld.idx.msk [tilespmem:v53+s9+$0x0], $0xffff;
	[tilespmem:s21+$0xFEE0] =	vst v41  }
0x489: {  	v41 =	vadd.s32 v7, v28;
	v40 =	vld.idx.msk [tilespmem:v40+s9+$0x0], $0xffff;
	[tilespmem:s21+$0xFF50] =	vst v47  }
0x48a: {  	v47 =	vadd.s32 v7, v22;
	[tilespmem:s21+$0xFD20] =	vst v46;
	v44 =	vld.idx.msk [tilespmem:v44+s9+$0x0], $0xffff  }
0x48b: {  	v46 =	vld.idx.msk [tilespmem:v49+s9+$0x0], $0xffff;
	[tilespmem:s21+$0xF5F0] =	vst v43  }
0x48c: {  	v43 =	vadd.s32 v6, v20;
	v42 =	vld.idx.msk [tilespmem:v42+s11+$0x0], $0xffff;
	[tilespmem:s21+$0xF670] =	vst v51  }
0x48d: {  	v49 =	vld.idx.msk [tilespmem:v52+s11+$0x0], $0xffff;
	[tilespmem:s21+$0xFFE0] =	vst v45  }
0x48e: {  	v45 =	vadd.s32 v8, v30;
	[tilespmem:s21+$0xF4F0] =	vst v50;
	v41 =	vld.idx.msk [tilespmem:v41+s9+$0x0], $0xffff  }
0x48f: {  	v50 =	vadd.s32 v8, v26;
	v47 =	vld.idx.msk [tilespmem:v47+s11+$0x0], $0xffff;
	[tilespmem:s21+$0xF6F0] =	vst v40  }
0x490: {  	v40 =	vadd.s32 v7, v27;
	v39 =	vld.idx.msk [tilespmem:v39+s11+$0x0], $0xffff;
	[tilespmem:s21+$0xF760] =	vst v44  }
0x491: {  	v44 =	vadd.s32 v8, v25;
	[tilespmem:s21+$0xF530] =	vst v46;
	v43 =	vld.idx.msk [tilespmem:v43+s11+$0x0], $0xffff  }
0x492: {  	v46 =	vld.idx.msk [tilespmem:v36+s11+$0x0], $0xffff;
	[tilespmem:s21+$0xFDF0] =	vst v42;
	v42 =	vadd.s32 v8, v29  }
0x493: {  	v45 =	vld.idx.msk [tilespmem:v45+s9+$0x0], $0xffff;
	[tilespmem:s21+$0xFE70] =	vst v49;
	v49 =	vadd.s32 v7, v19  }
0x494: {  	v51 =	vadd.s32 v4, v31;
	v36 =	vadd.s32 v8, v18;
	v50 =	vld.idx.msk [tilespmem:v50+s9+$0x0], $0xffff;
	[tilespmem:s21+$0xF7F0] =	vst v41  }
0x495: {  	v41 =	vadd.s32 v8, v23;
	[tilespmem:s21+$0xFCF0] =	vst v47;
	v40 =	vld.idx.msk [tilespmem:v40+s11+$0x0], $0xffff  }
0x496: {  	v47 =	vadd.s32 v8, v21;
	v44 =	vld.idx.msk [tilespmem:v44+s9+$0x0], $0xffff;
	[tilespmem:s21+$0xFEF0] =	vst v39  }
0x497: {  	v39 =	vld.idx.msk [tilespmem:v42+s9+$0x0], $0xffff;
	[tilespmem:s21+$0xFF60] =	vst v43;
	v42 =	vadd.s32 v8, v28  }
0x498: {  	v43 =	vadd.s32 v8, v22;
	[tilespmem:s21+$0xFD30] =	vst v46;
	v46 =	vld.idx.msk [tilespmem:v49+s9+$0x0], $0xffff  }
0x499: {  	v49 =	vld.idx.msk [tilespmem:v51+s9+$0x0], $0xffff;
	[tilespmem:s21+$0xF980] =	vst v45  }
0x49a: {  	v45 =	vadd.s32 v7, v20;
	v41 =	vld.idx.msk [tilespmem:v41+s11+$0x0], $0xffff;
	[tilespmem:s21+$0xFA00] =	vst v50  }
0x49b: {  	v47 =	vld.idx.msk [tilespmem:v47+s11+$0x0], $0xffff;
	[tilespmem:s21+$0xFFF0] =	vst v40  }
0x49c: {  	v40 =	vadd.s32 v9, v30;
	[tilespmem:s21+$0xF880] =	vst v44;
	v42 =	vld.idx.msk [tilespmem:v42+s9+$0x0], $0xffff  }
0x49d: {  	v50 =	vadd.s32 v9, v26;
	v43 =	vld.idx.msk [tilespmem:v43+s11+$0x0], $0xffff;
	[tilespmem:s21+$0xFA80] =	vst v39  }
0x49e: {  	v39 =	vadd.s32 v8, v27;
	v38 =	vld.idx.msk [tilespmem:v38+s11+$0x0], $0xffff;
	[tilespmem:s21+$0xF770] =	vst v46  }
0x49f: {  	v46 =	vadd.s32 v9, v25;
	[tilespmem:s21+$0xF540] =	vst v49;
	v45 =	vld.idx.msk [tilespmem:v45+s11+$0x0], $0xffff  }
0x4a0: {  	v48 =	vld.idx.msk [tilespmem:v48+s11+$0x0], $0xffff;
	[tilespmem:s21+$0x10180] =	vst v41;
	v41 =	vadd.s32 v9, v29  }
0x4a1: {  	v40 =	vld.idx.msk [tilespmem:v40+s9+$0x0], $0xffff;
	[tilespmem:s21+$0x10200] =	vst v47;
	v47 =	vadd.s32 v8, v19  }
0x4a2: {  	v44 =	vadd.s32 v9, v18;
	v49 =	vadd.s32 v5, v31;
	v50 =	vld.idx.msk [tilespmem:v50+s9+$0x0], $0xffff;
	[tilespmem:s21+$0xFB80] =	vst v42  }
0x4a3: {  	v42 =	vadd.s32 v9, v23;
	[tilespmem:s21+$0x10080] =	vst v43;
	v39 =	vld.idx.msk [tilespmem:v39+s11+$0x0], $0xffff  }
0x4a4: {  	v43 =	vld.idx.msk [tilespmem:v46+s9+$0x0], $0xffff;
	v46 =	vadd.s32 v9, v21;
	[tilespmem:s21+$0x10280] =	vst v38  }
0x4a5: {  	v38 =	vld.idx.msk [tilespmem:v41+s9+$0x0], $0xffff;
	[tilespmem:s21+$0xFF70] =	vst v45;
	v41 =	vadd.s32 v9, v28  }
0x4a6: {  	v45 =	vadd.s32 v9, v22;
	[tilespmem:s21+$0xFD40] =	vst v48;
	v47 =	vld.idx.msk [tilespmem:v47+s9+$0x0], $0xffff  }
0x4a7: {  	v48 =	vld.idx.msk [tilespmem:v49+s9+$0x0], $0xffff;
	[tilespmem:s21+$0xF990] =	vst v40;
	v40 =	vadd.s32 v9, v24  }
0x4a8: {  	v49 =	vadd.s32 v8, v20;
	v42 =	vld.idx.msk [tilespmem:v42+s11+$0x0], $0xffff;
	[tilespmem:s21+$0xFA10] =	vst v50  }
0x4a9: {  	v46 =	vld.idx.msk [tilespmem:v46+s11+$0x0], $0xffff;
	[tilespmem:s21+$0x10380] =	vst v39  }
0x4aa: {  	v39 =	vadd.s32 v10, v30;
	[tilespmem:s21+$0xF890] =	vst v43;
	v41 =	vld.idx.msk [tilespmem:v41+s9+$0x0], $0xffff  }
0x4ab: {  	v43 =	vld.idx.msk [tilespmem:v45+s11+$0x0], $0xffff;
	v45 =	vadd.s32 v10, v26;
	[tilespmem:s21+$0xFA90] =	vst v38  }
0x4ac: {  	v40 =	vld.idx.msk [tilespmem:v40+s11+$0x0], $0xffff;
	[tilespmem:s21+$0xFB00] =	vst v47;
	v47 =	vadd.s32 v9, v27  }
0x4ad: {  	v50 =	vadd.s32 v10, v25;
	[tilespmem:s21+$0xF550] =	vst v48;
	v48 =	vld.idx.msk [tilespmem:v49+s11+$0x0], $0xffff  }
0x4ae: {  	v35 =	vld.idx.msk [tilespmem:v35+s11+$0x0], $0xffff;
	[tilespmem:s21+$0x10190] =	vst v42;
	v42 =	vadd.s32 v10, v29  }
0x4af: {  	v39 =	vld.idx.msk [tilespmem:v39+s9+$0x0], $0xffff;
	[tilespmem:s21+$0x10210] =	vst v46;
	v46 =	vadd.s32 v9, v19  }
0x4b0: {  	v38 =	vadd.s32 v10, v18;
	v49 =	vadd.s32 v6, v31;
	v45 =	vld.idx.msk [tilespmem:v45+s9+$0x0], $0xffff;
	[tilespmem:s21+$0xFB90] =	vst v41  }
0x4b1: {  	v41 =	vadd.s32 v10, v23;
	[tilespmem:s21+$0x10090] =	vst v43;
	v43 =	vld.idx.msk [tilespmem:v47+s11+$0x0], $0xffff  }
0x4b2: {  	v47 =	vld.idx.msk [tilespmem:v50+s9+$0x0], $0xffff;
	v50 =	vadd.s32 v10, v21;
	[tilespmem:s21+$0x10290] =	vst v40  }
0x4b3: {  	v40 =	vld.idx.msk [tilespmem:v42+s9+$0x0], $0xffff;
	[tilespmem:s21+$0x10300] =	vst v48;
	v42 =	vadd.s32 v10, v28  }
0x4b4: {  	v48 =	vadd.s32 v10, v22;
	[tilespmem:s21+$0xFD50] =	vst v35;
	v35 =	vld.idx.msk [tilespmem:v46+s9+$0x0], $0xffff  }
0x4b5: {  	v46 =	vld.idx.msk [tilespmem:v49+s9+$0x0], $0xffff;
	[tilespmem:s21+$0xF9A0] =	vst v39;
	v39 =	vadd.s32 v10, v24  }
0x4b6: {  	v41 =	vld.idx.msk [tilespmem:v41+s11+$0x0], $0xffff;
	[tilespmem:s21+$0xFA20] =	vst v45;
	v45 =	vadd.s32 v9, v20  }
0x4b7: {  	v49 =	vld.idx.msk [tilespmem:v50+s11+$0x0], $0xffff;
	[tilespmem:s21+$0x10390] =	vst v43  }
0x4b8: {  	v43 =	vadd.s32 v11, v30;
	[tilespmem:s21+$0xF8A0] =	vst v47;
	v42 =	vld.idx.msk [tilespmem:v42+s9+$0x0], $0xffff  }
0x4b9: {  	v47 =	vld.idx.msk [tilespmem:v48+s11+$0x0], $0xffff;
	v48 =	vadd.s32 v11, v26;
	[tilespmem:s21+$0xFAA0] =	vst v40  }
0x4ba: {  	v40 =	vadd.s32 v10, v27;
	v39 =	vld.idx.msk [tilespmem:v39+s11+$0x0], $0xffff;
	[tilespmem:s21+$0xFB10] =	vst v35  }
0x4bb: {  	v50 =	vadd.s32 v11, v25;
	[tilespmem:s21+$0xF560] =	vst v46;
	v45 =	vld.idx.msk [tilespmem:v45+s11+$0x0], $0xffff  }
0x4bc: {  	v34 =	vld.idx.msk [tilespmem:v34+s11+$0x0], $0xffff;
	[tilespmem:s21+$0x101A0] =	vst v41;
	v41 =	vadd.s32 v11, v29  }
0x4bd: {  	v46 =	vadd.s32 v10, v19;
	v43 =	vld.idx.msk [tilespmem:v43+s9+$0x0], $0xffff;
	[tilespmem:s21+$0x10220] =	vst v49  }
0x4be: {  	v35 =	vadd.s32 v11, v18;
	v49 =	vadd.s32 v7, v31;
	v48 =	vld.idx.msk [tilespmem:v48+s9+$0x0], $0xffff;
	[tilespmem:s21+$0xFBA0] =	vst v42  }
0x4bf: {  	v42 =	vadd.s32 v11, v23;
	[tilespmem:s21+$0x100A0] =	vst v47;
	v40 =	vld.idx.msk [tilespmem:v40+s11+$0x0], $0xffff  }
0x4c0: {  	v47 =	vld.idx.msk [tilespmem:v50+s9+$0x0], $0xffff;
	v50 =	vadd.s32 v11, v21;
	[tilespmem:s21+$0x102A0] =	vst v39  }
0x4c1: {  	v39 =	vld.idx.msk [tilespmem:v41+s9+$0x0], $0xffff;
	[tilespmem:s21+$0x10310] =	vst v45;
	v41 =	vadd.s32 v11, v28  }
0x4c2: {  	v45 =	vadd.s32 v11, v22;
	[tilespmem:s21+$0xFD60] =	vst v34;
	v34 =	vld.idx.msk [tilespmem:v46+s9+$0x0], $0xffff  }
0x4c3: {  	v46 =	vld.idx.msk [tilespmem:v49+s9+$0x0], $0xffff;
	[tilespmem:s21+$0xF9B0] =	vst v43;
	v43 =	vadd.s32 v11, v24  }
0x4c4: {  	v42 =	vld.idx.msk [tilespmem:v42+s11+$0x0], $0xffff;
	[tilespmem:s21+$0xFA30] =	vst v48;
	v48 =	vadd.s32 v10, v20  }
0x4c5: {  	v49 =	vld.idx.msk [tilespmem:v50+s11+$0x0], $0xffff;
	[tilespmem:s21+$0x103A0] =	vst v40  }
0x4c6: {  	v40 =	vadd.s32 v12, v30;
	[tilespmem:s21+$0xF8B0] =	vst v47;
	v50 =	vld.idx.msk [tilespmem:v41+s9+$0x0], $0xffff  }
0x4c7: {  	v52 =	vadd.s32 v12, v26;
	v51 =	vld.idx.msk [tilespmem:v45+s11+$0x0], $0xffff;
	[tilespmem:s21+$0xFAB0] =	vst v39  }
0x4c8: {  	v54 =	vadd.s32 v11, v27;
	v53 =	vld.idx.msk [tilespmem:v43+s11+$0x0], $0xffff;
	[tilespmem:s21+$0xFB20] =	vst v34  }
0x4c9: {  	v55 =	vadd.s32 v12, v25;
	[tilespmem:s21+$0xF570] =	vst v46;
	v41 =	vld.idx.msk [tilespmem:v48+s11+$0x0], $0xffff  }
.Ltmp2:
0x4ca: {  	v46 =	vadd.s32 v12, v29;
	v47 =	vld.idx.msk [tilespmem:v37+s11+$0x0], $0xffff;
	[tilespmem:s21+$0x101B0] =	vst v42;
	(pc) =	sbr.rel @p0 .LBB2_7-.Ltmp2, $4  }
0x4cb: {  	v45 =	vadd.s32 v11, v19;
	v39 =	vld.idx.msk [tilespmem:v40+s9+$0x0], $0xffff;
	[tilespmem:s21+$0x10230] =	vst v49  }
0x4cc: {  	v34 =	vadd.s32 v12, v18;
	v48 =	vadd.s32 v8, v31;
	v40 =	vld.idx.msk [tilespmem:v52+s9+$0x0], $0xffff;
	[tilespmem:s21+$0xFBB0] =	vst v50  }
0x4cd: {  	v43 =	vadd.s32 v12, v23;
	[tilespmem:s21+$0x100B0] =	vst v51;
	v42 =	vld.idx.msk [tilespmem:v54+s11+$0x0], $0xffff  }
0x4ce: {  	v37 =	vld.idx.msk [tilespmem:v55+s9+$0x0], $0xffff;
	[tilespmem:s21+$0x102B0] =	vst v53  }
0x4cf: {  	v49 =	vadd.s32 v7, v16;
	_ =	sdelay $0x3  }
0x4d0: {  	[tilespmem:s21+$0xF470] =	vst v32  }
0x4d1: {  	v32 =	vld.idx.msk [tilespmem:v49+s11+$0x0], $0xffff  }
0x4d2: {  	v60 =	vadd.s32 v8, v17;
	_ =	sdelay $0x2  }
0x4d3: {  	[tilespmem:s21+$0xFD70] =	vst v47  }
0x4d4: {  	v47 =	vld.idx.msk [tilespmem:v48+s9+$0x0], $0xffff;
	[tilespmem:s21+$0xFC70] =	vst v32  }
0x4d5: {  	v32 =	vld.idx.msk [tilespmem:v60+s9+$0x0], $0xffff  }
0x4d6: {  	v61 =	vadd.s32 v8, v16;
	_ =	sdelay $0x2  }
0x4d7: {  	[tilespmem:s21+$0xF900] =	vst v47  }
0x4d8: {  	v36 =	vld.idx.msk [tilespmem:v36+s11+$0x0], $0xffff;
	[tilespmem:s21+$0xF800] =	vst v32  }
0x4d9: {  	v63 =	vadd.s32 v9, v31;
	v32 =	vld.idx.msk [tilespmem:v61+s11+$0x0], $0xffff  }
0x4da: {  	v62 =	vadd.s32 v9, v17;
	_ =	sdelay $0x2  }
0x4db: {  	[tilespmem:s21+$0x10100] =	vst v36  }
0x4dc: {  	v36 =	vld.idx.msk [tilespmem:v63+s9+$0x0], $0xffff;
	[tilespmem:s21+$0x10000] =	vst v32  }
0x4dd: {  	v32 =	vld.idx.msk [tilespmem:v62+s9+$0x0], $0xffff  }
0x4de: {  	v50 =	vadd.s32 v9, v16;
	_ =	sdelay $0x2  }
0x4df: {  	v53 =	vld.idx.msk [tilespmem:v46+s9+$0x0], $0xffff;
	[tilespmem:s21+$0xF910] =	vst v36  }
0x4e0: {  	v55 =	vadd.s32 v12, v24;
	v36 =	vld.idx.msk [tilespmem:v44+s11+$0x0], $0xffff;
	[tilespmem:s21+$0xF810] =	vst v32  }
0x4e1: {  	[tilespmem:s21+$0x10320] =	vst v41;
	v52 =	vadd.s32 v10, v31;
	v32 =	vld.idx.msk [tilespmem:v50+s11+$0x0], $0xffff  }
0x4e2: {  	v51 =	vadd.s32 v10, v17;
	[tilespmem:s21+$0xF9C0] =	vst v39  }
0x4e3: {  	v54 =	vadd.s32 v12, v22;
	[tilespmem:s21+$0x103B0] =	vst v42  }
0x4e4: {  	v43 =	vld.idx.msk [tilespmem:v43+s11+$0x0], $0xffff;
	[tilespmem:s21+$0xFAC0] =	vst v53  }
0x4e5: {  	v42 =	vld.idx.msk [tilespmem:v55+s11+$0x0], $0xffff;
	[tilespmem:s21+$0x10110] =	vst v36  }
0x4e6: {  	v63 =	vadd.s32 v13, v29;
	v58 =	vld.idx.msk [tilespmem:v52+s9+$0x0], $0xffff;
	[tilespmem:s21+$0x10010] =	vst v32  }
0x4e7: {  	[tilespmem:s21+$0xF8C0] =	vst v37;
	v57 =	vld.idx.msk [tilespmem:v51+s9+$0x0], $0xffff  }
0x4e8: {  	v59 =	vadd.s32 v10, v16;
	[tilespmem:s21+$0xFA40] =	vst v40;
	v40 =	vld.idx.msk [tilespmem:v54+s11+$0x0], $0xffff  }
0x4e9: {  	v33 =	vld.idx.msk [tilespmem:v33+s9+$0x0], $0xffff;
	[tilespmem:s21+$0x101C0] =	vst v43;
	v62 =	vadd.s32 v13, v25  }
0x4ea: {  	v45 =	vld.idx.msk [tilespmem:v45+s9+$0x0], $0xffff;
	[tilespmem:s21+$0x102C0] =	vst v42;
	v61 =	vadd.s32 v12, v27  }
0x4eb: {  	v56 =	vadd.s32 v12, v21;
	v55 =	vld.idx.msk [tilespmem:v63+s9+$0x0], $0xffff;
	[tilespmem:s21+$0xF920] =	vst v58  }
0x4ec: {  	v60 =	vadd.s32 v13, v30;
	v49 =	vld.idx.msk [tilespmem:v38+s11+$0x0], $0xffff;
	[tilespmem:s21+$0xF820] =	vst v57  }
0x4ed: {  	[tilespmem:s21+$0x100C0] =	vst v40;
	v52 =	vadd.s32 v11, v31;
	v48 =	vld.idx.msk [tilespmem:v59+s11+$0x0], $0xffff  }
0x4ee: {  	[tilespmem:s21+$0xFBC0] =	vst v33;
	v43 =	vld.idx.msk [tilespmem:v62+s9+$0x0], $0xffff;
	v50 =	vadd.s32 v11, v17  }
0x4ef: {  	[tilespmem:s21+$0xFB30] =	vst v45;
	v44 =	vld.idx.msk [tilespmem:v61+s11+$0x0], $0xffff;
	v62 =	vadd.s32 v13, v22  }
0x4f0: {  	[tilespmem:s21+$0xFAD0] =	vst v55;
	v32 =	vld.idx.msk [tilespmem:v56+s11+$0x0], $0xffff;
	v56 =	vadd.s32 v13, v28  }
0x4f1: {  	v53 =	vadd.s32 v13, v26;
	v51 =	vld.idx.msk [tilespmem:v60+s9+$0x0], $0xffff;
	[tilespmem:s21+$0x10120] =	vst v49  }
0x4f2: {  	v58 =	vld.idx.msk [tilespmem:v52+s9+$0x0], $0xffff;
	v57 =	vadd.s32 v11, v20;
	[tilespmem:s21+$0x10020] =	vst v48  }
0x4f3: {  	[tilespmem:s21+$0xF8D0] =	vst v43;
	v37 =	vld.idx.msk [tilespmem:v50+s9+$0x0], $0xffff  }
0x4f4: {  	[tilespmem:s21+$0x103C0] =	vst v44;
	v43 =	vld.idx.msk [tilespmem:v62+s11+$0x0], $0xffff;
	v59 =	vadd.s32 v11, v16  }
0x4f5: {  	v54 =	vadd.s32 v13, v23;
	[tilespmem:s21+$0x10240] =	vst v32;
	v36 =	vld.idx.msk [tilespmem:v56+s9+$0x0], $0xffff  }
0x4f6: {  	[tilespmem:s21+$0xF9D0] =	vst v51;
	v60 =	vld.idx.msk [tilespmem:v53+s9+$0x0], $0xffff;
	v51 =	vadd.s32 v13, v27  }
0x4f7: {  	v61 =	vadd.s32 v13, v24;
	[tilespmem:s21+$0xF930] =	vst v58;
	v33 =	vld.idx.msk [tilespmem:v57+s11+$0x0], $0xffff  }
0x4f8: {  	v45 =	vadd.s32 v12, v19;
	v35 =	vld.idx.msk [tilespmem:v35+s11+$0x0], $0xffff;
	[tilespmem:s21+$0xF830] =	vst v37  }
0x4f9: {  	v49 =	vadd.s32 v12, v31;
	[tilespmem:s21+$0x100D0] =	vst v43;
	v46 =	vld.idx.msk [tilespmem:v59+s11+$0x0], $0xffff  }
0x4fa: {  	v47 =	vadd.s32 v12, v17;
	v42 =	vld.idx.msk [tilespmem:v54+s11+$0x0], $0xffff;
	[tilespmem:s21+$0xFBD0] =	vst v36  }
0x4fb: {  	v63 =	vadd.s32 v13, v21;
	[tilespmem:s21+$0xFA50] =	vst v60;
	v36 =	vld.idx.msk [tilespmem:v51+s11+$0x0], $0xffff  }
0x4fc: {  	v48 =	vld.idx.msk [tilespmem:v61+s11+$0x0], $0xffff;
	v50 =	vadd.s32 v14, v30;
	[tilespmem:s21+$0x10330] =	vst v33  }
0x4fd: {  	v52 =	vadd.s32 v14, v29;
	[tilespmem:s21+$0x10130] =	vst v35;
	v37 =	vld.idx.msk [tilespmem:v45+s9+$0x0], $0xffff  }
0x4fe: {  	v53 =	vadd.s32 v12, v20;
	v55 =	vld.idx.msk [tilespmem:v49+s9+$0x0], $0xffff;
	[tilespmem:s21+$0x10030] =	vst v46  }
0x4ff: {  	[tilespmem:s21+$0x101D0] =	vst v42;
	v54 =	vld.idx.msk [tilespmem:v47+s9+$0x0], $0xffff  }
0x500: {  	v56 =	vadd.s32 v12, v16;
	v32 =	vld.idx.msk [tilespmem:v63+s11+$0x0], $0xffff;
	[tilespmem:s21+$0x103D0] =	vst v36  }
0x501: {  	v58 =	vadd.s32 v14, v25;
	[tilespmem:s21+$0x102D0] =	vst v48;
	v57 =	vld.idx.msk [tilespmem:v50+s9+$0x0], $0xffff  }
0x502: {  	v33 =	vld.idx.msk [tilespmem:v52+s9+$0x0], $0xffff;
	v59 =	vadd.s32 v14, v26;
	[tilespmem:s21+$0xFB40] =	vst v37  }
0x503: {  	v60 =	vadd.s32 v14, v23;
	[tilespmem:s21+$0xF940] =	vst v55;
	v38 =	vld.idx.msk [tilespmem:v53+s11+$0x0], $0xffff  }
0x504: {  	v61 =	vadd.s32 v13, v19;
	v34 =	vld.idx.msk [tilespmem:v34+s11+$0x0], $0xffff;
	[tilespmem:s21+$0xF840] =	vst v54  }
0x505: {  	[tilespmem:s21+$0x10250] =	vst v32;
	v46 =	vadd.s32 v13, v31;
	v62 =	vld.idx.msk [tilespmem:v56+s11+$0x0], $0xffff  }
0x506: {  	v63 =	vadd.s32 v13, v17;
	v45 =	vld.idx.msk [tilespmem:v58+s9+$0x0], $0xffff;
	[tilespmem:s21+$0xF9E0] =	vst v57  }
0x507: {  	v48 =	vadd.s32 v14, v24;
	[tilespmem:s21+$0xFAE0] =	vst v33;
	v32 =	vld.idx.msk [tilespmem:v59+s9+$0x0], $0xffff  }
0x508: {  	v49 =	vadd.s32 v14, v22;
	v37 =	vld.idx.msk [tilespmem:v60+s11+$0x0], $0xffff;
	[tilespmem:s21+$0x10340] =	vst v38  }
0x509: {  	v47 =	vadd.s32 v14, v28;
	[tilespmem:s21+$0x10140] =	vst v34;
	v35 =	vld.idx.msk [tilespmem:v61+s9+$0x0], $0xffff  }
0x50a: {  	v50 =	vadd.s32 v13, v20;
	v36 =	vld.idx.msk [tilespmem:v46+s9+$0x0], $0xffff;
	[tilespmem:s21+$0x10040] =	vst v62  }
0x50b: {  	[tilespmem:s21+$0xF8E0] =	vst v45;
	v54 =	vadd.s32 v13, v18;
	v51 =	vld.idx.msk [tilespmem:v63+s9+$0x0], $0xffff  }
0x50c: {  	v52 =	vadd.s32 v13, v16;
	v33 =	vld.idx.msk [tilespmem:v48+s11+$0x0], $0xffff;
	[tilespmem:s21+$0xFA60] =	vst v32  }
0x50d: {  	v44 =	vadd.s32 v15, v29;
	v57 =	vld.idx.msk [tilespmem:v49+s11+$0x0], $0xffff;
	[tilespmem:s21+$0x101E0] =	vst v37  }
0x50e: {  	v45 =	vadd.s32 v15, v25;
	v53 =	vld.idx.msk [tilespmem:v47+s9+$0x0], $0xffff;
	[tilespmem:s21+$0xFB50] =	vst v35  }
0x50f: {  	v56 =	vadd.s32 v15, v30;
	[tilespmem:s21+$0xF950] =	vst v36;
	v59 =	vld.idx.msk [tilespmem:v50+s11+$0x0], $0xffff  }
0x510: {  	v60 =	vadd.s32 v14, v19;
	v32 =	vld.idx.msk [tilespmem:v54+s11+$0x0], $0xffff;
	[tilespmem:s21+$0xF850] =	vst v51  }
0x511: {  	v43 =	vadd.s32 v14, v31;
	[tilespmem:s21+$0x102E0] =	vst v33;
	v61 =	vld.idx.msk [tilespmem:v52+s11+$0x0], $0xffff  }
0x512: {  	[tilespmem:s21+$0x100E0] =	vst v57;
	v29 =	vld.idx.msk [tilespmem:v44+s9+$0x0], $0xffff;
	v62 =	vadd.s32 v14, v17  }
0x513: {  	v55 =	vadd.s32 v14, v21;
	v25 =	vld.idx.msk [tilespmem:v45+s9+$0x0], $0xffff;
	[tilespmem:s21+$0xFBE0] =	vst v53  }
0x514: {  	v58 =	vadd.s32 v14, v27;
	v30 =	vld.idx.msk [tilespmem:v56+s9+$0x0], $0xffff;
	[tilespmem:s21+$0x10350] =	vst v59  }
0x515: {  	v53 =	vadd.s32 v15, v22;
	[tilespmem:s21+$0x10150] =	vst v32;
	v34 =	vld.idx.msk [tilespmem:v60+s9+$0x0], $0xffff  }
0x516: {  	v47 =	vadd.s32 v14, v20;
	v33 =	vld.idx.msk [tilespmem:v43+s9+$0x0], $0xffff;
	[tilespmem:s21+$0x10050] =	vst v61  }
0x517: {  	[tilespmem:s21+$0xFAF0] =	vst v29;
	v50 =	vadd.s32 v14, v18;
	v48 =	vld.idx.msk [tilespmem:v62+s9+$0x0], $0xffff  }
0x518: {  	v49 =	vadd.s32 v14, v16;
	[tilespmem:s21+$0xF8F0] =	vst v25;
	v63 =	vld.idx.msk [tilespmem:v55+s11+$0x0], $0xffff  }
0x519: {  	v46 =	vadd.s32 v15, v26;
	v35 =	vld.idx.msk [tilespmem:v58+s11+$0x0], $0xffff;
	[tilespmem:s21+$0xF9F0] =	vst v30  }
0x51a: {  	v22 =	vld.idx.msk [tilespmem:v53+s11+$0x0], $0xffff;
	v59 =	vadd.s32 v15, v23;
	[tilespmem:s21+$0xFB60] =	vst v34  }
0x51b: {  	v51 =	vadd.s32 v15, v28;
	[tilespmem:s21+$0xF960] =	vst v33;
	v34 =	vld.idx.msk [tilespmem:v47+s11+$0x0], $0xffff  }
0x51c: {  	v54 =	vadd.s32 v15, v19;
	v55 =	vld.idx.msk [tilespmem:v50+s11+$0x0], $0xffff;
	[tilespmem:s21+$0xF860] =	vst v48  }
0x51d: {  	v56 =	vadd.s32 v15, v31;
	[tilespmem:s21+$0x10260] =	vst v63;
	v32 =	vld.idx.msk [tilespmem:v49+s11+$0x0], $0xffff  }
0x51e: {  	v17 =	vadd.s32 v15, v17;
	[tilespmem:s21+$0x103E0] =	vst v35;
	v26 =	vld.idx.msk [tilespmem:v46+s9+$0x0], $0xffff  }
0x51f: {  	v52 =	vadd.s32 v15, v24;
	[tilespmem:s21+$0x100F0] =	vst v22;
	v63 =	vld.idx.msk [tilespmem:v59+s11+$0x0], $0xffff  }
0x520: {  	v57 =	vadd.s32 v15, v21;
	v28 =	vld.idx.msk [tilespmem:v51+s9+$0x0], $0xffff;
	[tilespmem:s21+$0x10360] =	vst v34  }
0x521: {  	v58 =	vadd.s32 v15, v27;
	[tilespmem:s21+$0x10160] =	vst v55;
	v19 =	vld.idx.msk [tilespmem:v54+s9+$0x0], $0xffff  }
0x522: {  	v60 =	vadd.s32 v15, v20;
	v25 =	vld.idx.msk [tilespmem:v56+s9+$0x0], $0xffff;
	[tilespmem:s21+$0x10060] =	vst v32  }
0x523: {  	[tilespmem:s21+$0xFA70] =	vst v26;
	v61 =	vadd.s32 v15, v18;
	v17 =	vld.idx.msk [tilespmem:v17+s9+$0x0], $0xffff  }
0x524: {  	v16 =	vadd.s32 v15, v16;
	v24 =	vld.idx.msk [tilespmem:v52+s11+$0x0], $0xffff;
	[tilespmem:s21+$0x101F0] =	vst v63  }
0x525: {  	v21 =	vld.idx.msk [tilespmem:v57+s11+$0x0], $0xffff;
	[tilespmem:s21+$0xFBF0] =	vst v28  }
0x526: {  	v62 =	vld.idx.msk [tilespmem:v58+s11+$0x0], $0xffff;
	[tilespmem:s21+$0xFB70] =	vst v19  }
0x527: {  	[tilespmem:s21+$0xF970] =	vst v25;
	v19 =	vld.idx.msk [tilespmem:v60+s11+$0x0], $0xffff  }
0x528: {  	[tilespmem:s21+$0xF870] =	vst v17;
	v17 =	vld.idx.msk [tilespmem:v61+s11+$0x0], $0xffff  }
0x529: {  	s19 =	sadd.s32 $0x1, s19;
	[tilespmem:s21+$0x102F0] =	vst v24;
	v16 =	vld.idx.msk [tilespmem:v16+s11+$0x0], $0xffff  }
0x52a: {  	p0 =	sne.s32 s19, $0x10;
	[tilespmem:s21+$0x10270] =	vst v21  }
.Ltmp3:
0x52b: {  	[tilespmem:s21+$0x103F0] =	vst v62;
	(pc) =	sbr.rel @p0 .LBB2_4-.Ltmp3, $4  }
0x52c: {  	[tilespmem:s21+$0x10370] =	vst v19  }
0x52d: {  	s20 =	sshll.u32 s20, $0xC;
	[tilespmem:s21+$0x10170] =	vst v17  }
0x52e: {  	s20 =	sadd.s32 s20, s7;
	[tilespmem:s21+$0x10070] =	vst v16  }
0x52f: {  	[hbm4b:s20+s2] =	stream.linear.scatter [tilespmem:s14], [sflag:$0x2], $0x8000, $0x38;
	[tilespmem:$0x17400] =	vst v63  }
0x530: {  	s17 =	sadd.s32 $0x1, s17  }
0x531: {  	_ =	swait.ge [sflag:s15], $0x8000;
	p0 =	sne.s32 s17, s8  }
.Ltmp4:
0x532: {  	[sflag:s15] =	ssyncset.done $0x0;
	(pc) =	sbr.rel @p0 .LBB2_1-.Ltmp4, $4  }
0x533: {  	[sflag:s15] =	ssyncadd.s32 $0xFFFF8000  }
0x534: {  	_ =	swait.ge [sflag:s16], $0x8000  }
0x535: {  	[sflag:s16] =	ssyncset.done $0x0  }
0x536: {  	[sflag:s16] =	ssyncadd.s32 $0xFFFF8000  }
0x537: {  	_ =	sfence.sel $0x180000  }
0x538: {  	[bflag:$0x0] =	sbarrier.arrive $0xFFFF  }
0x539: {  	p0 =	sne.s32 s0, $0x0;
	_ =	strace $0x90000047  }
0x53a: {  	s0 =	sadd.s32 @!p0 $0x100000, s1;
	[bflag:$0x2] =	sbarrier.arrive $0xFFFF  }
0x53b: {  	[sflag:s0] =	ssyncadd.tile.s32 @!p0 $0x1;
	_ =	shalt  }
.Lfunc_end2:
_tile_overlayer_lowered:
.L_overlay_start_2:
0x53c: {  	(tag) =	ssettag $0x2  }
0x53d: {  	s0 =	rddreg [dreg:$0x0];
	s2 =	stileid.u32  }
0x53e: {  	s1 =	rddreg [dreg:$0x1];
	p0 =	sne.s32 s2, $0x0  }
0x53f: {  	s3 =	rddreg [dreg:$0x2];
	[bflag:$0x3] =	sbarrier.arrive $0xFFFF;
	s2 =	simm.s32 @!p0 $0x1C03  }
0x540: {  	[timem:s3], [sflag:s2] =	dma.local @!p0 [hbm:s0], s1  }
0x541: {  	s0 =	simm.s32 @!p0 $0x3  }
0x542: {  	_ =	swait.ge @!p0 [sflag:s0], s1  }
0x543: {  	s1 =	ssub.s32 @!p0 $0x0, s1;
	[sflag:s0] =	ssyncset.done @!p0 $0x0  }
0x544: {  	[sflag:s0] =	ssyncadd.s32 @!p0 s1  }
0x545: {  	[bflag:$0x3] =	sbarrier.arrive $0xFFFF  }
0x546: {  	_ =	shalt  }

</sc_bundles>
